<compile_context>
chip_gen: v7x
topology: tpu7x:2x2x1
jax: 0.10.2.dev20260603
libtpu: 0.0.44.dev20260713+nightly
codegen_flags: <defaults>
</compile_context>

<pallas_src>
import functools

import jax
import jax.numpy as jnp
from jax import lax
from jax.experimental import pallas as pl
from jax.experimental.pallas import tpu as pltpu
from jax.experimental.pallas import tpu_sc as plsc

B = 4
S = 512
A = 8
MAXI = 32
NB = 2 * MAXI + 1

NW = 32
IPW = (B * S) // NW
CH_I = 4
NCH = IPW // CH_I
PAIRS_CH = CH_I * S // 2


def _sc_body(idx_hbm, t2_hbm, out_hbm, idxj_v, gidx_v, rows_v, sem):
    wid = lax.axis_index("s") * 2 + lax.axis_index("c")
    bb = wid // (S // IPW)
    i0 = (wid % (S // IPW)) * IPW

    pltpu.sync_copy(idx_hbm.at[bb], idxj_v)

    ev_pat = lax.iota(jnp.int32, 16) * 2

    def chunk_body(c, carry):
        i_start = i0 + c * CH_I
        for ci in range(CH_I):
            xi = plsc.load_gather(
                idxj_v, [jnp.full((16,), i_start + ci, jnp.int32)])
            for jv in range(S // 32):
                j0 = jv * 32
                ve = plsc.load_gather(idxj_v, [ev_pat + j0])
                vo = plsc.load_gather(idxj_v, [ev_pat + (j0 + 1)])
                de = jnp.clip(xi - ve, -MAXI, MAXI)
                do = jnp.clip(xi - vo, -MAXI, MAXI)
                pidx = de * NB + do + (MAXI * NB + MAXI)
                p = ci * (S // 2) + jv * 16
                gidx_v[p // 128, pl.ds(p % 128, 16)] = pidx
        handles = []
        for g in range(PAIRS_CH // 128):
            dst = rows_v.at[g // 2, pl.ds((g % 2) * 128, 128)]
            handles.append(
                pltpu.async_copy(t2_hbm.at[gidx_v.at[g]], dst, sem))
        for h in handles:
            h.wait()
        pltpu.sync_copy(rows_v, out_hbm.at[bb, pl.ds(i_start, CH_I)])
        return carry

    lax.fori_loop(0, NCH, chunk_body, 0)


def kernel(index, W, b):
    idx32 = index.astype(jnp.int32)
    T = W.T + b[None, :]
    t2 = jnp.concatenate([
        jnp.broadcast_to(T[:, None, :], (NB, NB, A)),
        jnp.broadcast_to(T[None, :, :], (NB, NB, A)),
    ], axis=-1).reshape(NB * NB, 2 * A)

    mesh = plsc.VectorSubcoreMesh(core_axis_name="c", subcore_axis_name="s")
    fn = functools.partial(
        pl.kernel,
        mesh=mesh,
        compiler_params=pltpu.CompilerParams(
            needs_layout_passes=False, use_tc_tiling_on_sc=False),
        out_type=jax.ShapeDtypeStruct((B, S, S // 2, 2 * A), jnp.float32),
        scratch_types=[
            pltpu.VMEM((S,), jnp.int32),
            pltpu.VMEM((PAIRS_CH // 128, 128), jnp.int32),
            pltpu.VMEM((CH_I, S // 2, 2 * A), jnp.float32),
            pltpu.SemaphoreType.DMA,
        ],
    )(_sc_body)
    res = fn(idx32, t2)
    return res.reshape(B, S, S, A)

# --- scband reference (transcript-rebuilt; emitter-appended) ---
"""Pipeline reference for scband-relative-positional-encoding-32366873543059 (READ-ONLY COPY).

The authoritative reference and input builder live on the scoring server;
editing this copy changes nothing except your own understanding.
"""

import jax, jax.numpy as jnp
import numpy as np

MAX_REL_IDX = 32
N_REL_POS = 2 * MAX_REL_IDX + 1
ATTN_DIM = 8

def setup_inputs(seed: int = 0) -> dict:
    key = jax.random.key(seed)
    k1, k2 = jax.random.split(key)
    index = jnp.sort(jax.random.randint(k1, (4, 512), 0, 512, dtype=jnp.int64 if jax.config.jax_enable_x64 else jnp.int32), axis=-1)
    W = jax.random.normal(k2, (ATTN_DIM, N_REL_POS), dtype=jnp.float32) * 0.02
    b = jnp.zeros((ATTN_DIM,), dtype=jnp.float32)
    return {"index": index, "W": W, "b": b}

def reference(index, W, b):
    # d_ij = index.unsqueeze(-1) - index.unsqueeze(-2)
    d_ij = index[..., :, None] - index[..., None, :]
    v_bins = jnp.arange(N_REL_POS) - MAX_REL_IDX
    # idxs = (d_ij.unsqueeze(-1) - v_bins[None, None]).abs().argmin(-1)
    idxs = jnp.argmin(jnp.abs(d_ij[..., None] - v_bins[None, None, :]), axis=-1)
    p_ij = jax.nn.one_hot(idxs, N_REL_POS, dtype=jnp.float32)
    # nn.Linear(n_rel_pos, attn_dim): y = p_ij @ W.T + b
    embeddings = jnp.matmul(p_ij, W.T) + b
    return embeddings

if __name__ == "__main__":
    import jax
    _d = setup_inputs()
    print(jax.jit(kernel)(*tuple(_d.values())))

</pallas_src>

<mosaic_0001>
#map = affine_map<(d0, d1) -> (0, 0)>
#map1 = affine_map<(d0, d1) -> (0, 0, 0, 0)>
module attributes {stable_mosaic.version = 14 : i64} {
  func.func @_sc_body(%arg0: i32, %arg1: i32, %arg2: memref<4x512xi32, #tpu.memory_space<hbm>>, %arg3: memref<4225x16xf32, #tpu.memory_space<hbm>>, %arg4: memref<4x512x256x16xf32, #tpu.memory_space<hbm>>, %arg5: memref<512xi32, #tpu.memory_space<vmem>>, %arg6: memref<8x128xi32, #tpu.memory_space<vmem>>, %arg7: memref<4x256x16xf32, #tpu.memory_space<vmem>>, %arg8: memref<!tpu.dma_semaphore, #tpu.memory_space<semaphore_mem>>) attributes {dimension_semantics = [#tpu.dimension_semantics<core_parallel>, #tpu.dimension_semantics<subcore_parallel>], iteration_bounds = array<i64: 2, 16>, scalar_prefetch = 0 : i64, scratch_operands = 4 : i64, tpu.core_type = #tpu.core_type<sc_vector_subcore>, window_params = [{transform_indices = #map}, {transform_indices = #map}, {transform_indices = #map1}]} {
    %mul3A = arith.constant 2 : i32
    %mul3A_0 = arith.muli %arg1, %mul3A : i32
    %add3A = arith.addi %mul3A_0, %arg0 : i32
    %jit3A = arith.constant 8 : i32
    %div3A = arith.divsi %add3A, %jit3A : i32
    %sign3A = arith.constant 0 : i32
    %sign3A_1 = arith.cmpi sgt, %add3A, %sign3A : i32
    %sign3A_2 = arith.extui %sign3A_1 : i1 to i32
    %sign3A_3 = arith.constant 0 : i32
    %sign3A_4 = arith.cmpi slt, %add3A, %sign3A_3 : i32
    %sign3A_5 = arith.extui %sign3A_4 : i1 to i32
    %sign3A_6 = arith.subi %sign3A_2, %sign3A_5 : i32
    %sign3A_7 = arith.constant 0 : i32
    %sign3A_8 = arith.cmpi sgt, %jit3A, %sign3A_7 : i32
    %sign3A_9 = arith.extui %sign3A_8 : i1 to i32
    %sign3A_10 = arith.constant 0 : i32
    %sign3A_11 = arith.cmpi slt, %jit3A, %sign3A_10 : i32
    %sign3A_12 = arith.extui %sign3A_11 : i1 to i32
    %sign3A_13 = arith.subi %sign3A_9, %sign3A_12 : i32
    %ne3A = arith.cmpi ne, %sign3A_6, %sign3A_13 : i32
    %rem3A = arith.remsi %add3A, %jit3A : i32
    %ne3A_14 = arith.constant 0 : i32
    %ne3A_15 = arith.cmpi ne, %rem3A, %ne3A_14 : i32
    %and3A = arith.andi %ne3A, %ne3A_15 : i1
    %sub3A = arith.constant 1 : i32
    %sub3A_16 = arith.subi %div3A, %sub3A : i32
    %select_n3A = arith.select %and3A, %sub3A_16, %div3A : i32
    %jit3A_17 = arith.constant 8 : i32
    %eq3A = arith.constant 0 : i32
    %eq3A_18 = arith.cmpi eq, %jit3A_17, %eq3A : i32
    %jit3A_19 = arith.constant 1 : i32
    %select_n3A_20 = arith.select %eq3A_18, %jit3A_19, %jit3A_17 : i32
    %rem3A_21 = arith.remsi %add3A, %select_n3A_20 : i32
    %ne3A_22 = arith.constant 0 : i32
    %ne3A_23 = arith.cmpi ne, %rem3A_21, %ne3A_22 : i32
    %lt3A = arith.constant 0 : i32
    %lt3A_24 = arith.cmpi slt, %rem3A_21, %lt3A : i32
    %lt3A_25 = arith.constant 0 : i32
    %lt3A_26 = arith.cmpi slt, %select_n3A_20, %lt3A_25 : i32
    %ne3A_27 = arith.xori %lt3A_24, %lt3A_26 : i1
    %and3A_28 = arith.andi %ne3A_27, %ne3A_23 : i1
    %add3A_29 = arith.addi %rem3A_21, %select_n3A_20 : i32
    %select_n3A_30 = arith.select %and3A_28, %add3A_29, %rem3A_21 : i32
    %mul3A_31 = arith.constant 64 : i32
    %mul3A_32 = arith.muli %select_n3A_30, %mul3A_31 : i32
    "tpu.region"() ({
      %run_scoped3A = tpu.sem_alloc : memref<!tpu.dma_semaphore, #tpu.memory_space<semaphore_mem>>
      %dma_start3A = arith.constant 0 : i32
      %dma_start3A_41 = tpu.memref_slice %arg2[%select_n3A, %dma_start3A] : memref<4x512xi32, #tpu.memory_space<hbm>> -> memref<1x512xi32, #tpu.memory_space<hbm>>
      %dma_start3A_42 = tpu.memref_squeeze %dma_start3A_41 : memref<1x512xi32, #tpu.memory_space<hbm>> -> memref<512xi32, #tpu.memory_space<hbm>>
      %dma_start3A_43 = arith.constant 0 : i32
      %dma_start3A_44 = tpu.memref_slice %arg2[%select_n3A, %dma_start3A_43] : memref<4x512xi32, #tpu.memory_space<hbm>> -> memref<1x512xi32, #tpu.memory_space<hbm>>
      %dma_start3A_45 = tpu.memref_squeeze %dma_start3A_44 : memref<1x512xi32, #tpu.memory_space<hbm>> -> memref<512xi32, #tpu.memory_space<hbm>>
      tpu.enqueue_dma source(%dma_start3A_45 : memref<512xi32, #tpu.memory_space<hbm>>) target(%arg5 : memref<512xi32, #tpu.memory_space<vmem>>) target_semaphore(%run_scoped3A : memref<!tpu.dma_semaphore, #tpu.memory_space<semaphore_mem>>)
      %dma_wait3A = arith.constant 0 : i32
      %dma_wait3A_46 = tpu.memref_slice %arg2[%select_n3A, %dma_wait3A] : memref<4x512xi32, #tpu.memory_space<hbm>> -> memref<1x512xi32, #tpu.memory_space<hbm>>
      %dma_wait3A_47 = tpu.memref_squeeze %dma_wait3A_46 : memref<1x512xi32, #tpu.memory_space<hbm>> -> memref<512xi32, #tpu.memory_space<hbm>>
      %dma_wait3A_48 = arith.constant 0 : i32
      %dma_wait3A_49 = tpu.memref_slice %arg2[%select_n3A, %dma_wait3A_48] : memref<4x512xi32, #tpu.memory_space<hbm>> -> memref<1x512xi32, #tpu.memory_space<hbm>>
      %dma_wait3A_50 = tpu.memref_squeeze %dma_wait3A_49 : memref<1x512xi32, #tpu.memory_space<hbm>> -> memref<512xi32, #tpu.memory_space<hbm>>
      tpu.wait_dma2 semaphore(%run_scoped3A : memref<!tpu.dma_semaphore, #tpu.memory_space<semaphore_mem>>) src(%dma_wait3A_50 : memref<512xi32, #tpu.memory_space<hbm>>) dst(%arg5 : memref<512xi32, #tpu.memory_space<vmem>>)
      tpu.yield
    }) : () -> ()
    %iota3A = tpu.iota {dimensions = array<i32: 0>} : vector<16xi32>
    %mul3A_33 = arith.constant 2 : i32
    %mul3A_34 = vector.broadcast %mul3A_33 : i32 to vector<16xi32>
    %mul3A_35 = arith.muli %iota3A, %mul3A_34 : vector<16xi32>
    %scan3A = arith.constant 0 : i32
    %scan3A_36 = arith.constant 0 : i32
    %scan3A_37 = arith.constant 16 : i32
    %scan3A_38 = arith.addi %scan3A_36, %scan3A_37 : i32
    %scan3A_39 = arith.constant 1 : i32
    scf.for %scan3A_41 = %scan3A_36 to %scan3A_38 step %scan3A_39  : i32 {
      %mul3A_42 = arith.constant 4 : i32
      %mul3A_43 = arith.muli %scan3A_41, %mul3A_42 : i32
      %add3A_44 = arith.addi %mul3A_32, %mul3A_43 : i32
      %add3A_45 = arith.constant 0 : i32
      %add3A_46 = arith.addi %add3A_44, %add3A_45 : i32
      %broadcast_in_dim3A = vector.broadcast %add3A_46 : i32 to vector<16xi32>
      %gather3A = tpu.vector_load_idx %arg5[%broadcast_in_dim3A] : memref<512xi32, #tpu.memory_space<vmem>>[vector<16xi32>], vector<16xi32>,
      %add3A_47 = arith.constant 0 : i32
      %add3A_48 = vector.broadcast %add3A_47 : i32 to vector<16xi32>
      %add3A_49 = arith.addi %mul3A_35, %add3A_48 : vector<16xi32>
      %gather3A_50 = tpu.vector_load_idx %arg5[%add3A_49] : memref<512xi32, #tpu.memory_space<vmem>>[vector<16xi32>], vector<16xi32>,
      %add3A_51 = arith.constant 1 : i32
      %add3A_52 = vector.broadcast %add3A_51 : i32 to vector<16xi32>
      %add3A_53 = arith.addi %mul3A_35, %add3A_52 : vector<16xi32>
      %gather3A_54 = tpu.vector_load_idx %arg5[%add3A_53] : memref<512xi32, #tpu.memory_space<vmem>>[vector<16xi32>], vector<16xi32>,
      %sub3A_55 = arith.subi %gather3A, %gather3A_50 : vector<16xi32>
      %jit3A_56 = arith.constant -32 : i32
      %jit3A_57 = arith.constant 32 : i32
      %max3A = vector.broadcast %jit3A_56 : i32 to vector<16xi32>
      %max3A_58 = arith.maxsi %max3A, %sub3A_55 : vector<16xi32>
      %min3A = vector.broadcast %jit3A_57 : i32 to vector<16xi32>
      %min3A_59 = arith.minsi %min3A, %max3A_58 : vector<16xi32>
      %sub3A_60 = arith.subi %gather3A, %gather3A_54 : vector<16xi32>
      %jit3A_61 = arith.constant -32 : i32
      %jit3A_62 = arith.constant 32 : i32
      %max3A_63 = vector.broadcast %jit3A_61 : i32 to vector<16xi32>
      %max3A_64 = arith.maxsi %max3A_63, %sub3A_60 : vector<16xi32>
      %min3A_65 = vector.broadcast %jit3A_62 : i32 to vector<16xi32>
      %min3A_66 = arith.minsi %min3A_65, %max3A_64 : vector<16xi32>
      %mul3A_67 = arith.constant 65 : i32
      %mul3A_68 = vector.broadcast %mul3A_67 : i32 to vector<16xi32>
      %mul3A_69 = arith.muli %min3A_59, %mul3A_68 : vector<16xi32>
      %add3A_70 = arith.addi %mul3A_69, %min3A_66 : vector<16xi32>
      %add3A_71 = arith.constant 2112 : i32
      %add3A_72 = vector.broadcast %add3A_71 : i32 to vector<16xi32>
      %add3A_73 = arith.addi %add3A_70, %add3A_72 : vector<16xi32>
      %swap3A = arith.constant 0 : i32
      %swap3A_74 = arith.index_cast %swap3A : i32 to index
      %swap3A_75 = arith.constant 0 : index
      %swap3A_76 = tpu.vector_load %arg6[%swap3A_74, %swap3A_75] {strides = array<i32>} : memref<8x128xi32, #tpu.memory_space<vmem>>, vector<16xi32>,
      tpu.vector_store %arg6[%swap3A_74, %swap3A_75], %add3A_73 {strides = array<i32>} : memref<8x128xi32, #tpu.memory_space<vmem>>, vector<16xi32>,
      %add3A_77 = arith.constant 32 : i32
      %add3A_78 = vector.broadcast %add3A_77 : i32 to vector<16xi32>
      %add3A_79 = arith.addi %mul3A_35, %add3A_78 : vector<16xi32>
      %gather3A_80 = tpu.vector_load_idx %arg5[%add3A_79] : memref<512xi32, #tpu.memory_space<vmem>>[vector<16xi32>], vector<16xi32>,
      %add3A_81 = arith.constant 33 : i32
      %add3A_82 = vector.broadcast %add3A_81 : i32 to vector<16xi32>
      %add3A_83 = arith.addi %mul3A_35, %add3A_82 : vector<16xi32>
      %gather3A_84 = tpu.vector_load_idx %arg5[%add3A_83] : memref<512xi32, #tpu.memory_space<vmem>>[vector<16xi32>], vector<16xi32>,
      %sub3A_85 = arith.subi %gather3A, %gather3A_80 : vector<16xi32>
      %jit3A_86 = arith.constant -32 : i32
      %jit3A_87 = arith.constant 32 : i32
      %max3A_88 = vector.broadcast %jit3A_86 : i32 to vector<16xi32>
      %max3A_89 = arith.maxsi %max3A_88, %sub3A_85 : vector<16xi32>
      %min3A_90 = vector.broadcast %jit3A_87 : i32 to vector<16xi32>
      %min3A_91 = arith.minsi %min3A_90, %max3A_89 : vector<16xi32>
      %sub3A_92 = arith.subi %gather3A, %gather3A_84 : vector<16xi32>
      %jit3A_93 = arith.constant -32 : i32
      %jit3A_94 = arith.constant 32 : i32
      %max3A_95 = vector.broadcast %jit3A_93 : i32 to vector<16xi32>
      %max3A_96 = arith.maxsi %max3A_95, %sub3A_92 : vector<16xi32>
      %min3A_97 = vector.broadcast %jit3A_94 : i32 to vector<16xi32>
      %min3A_98 = arith.minsi %min3A_97, %max3A_96 : vector<16xi32>
      %mul3A_99 = arith.constant 65 : i32
      %mul3A_100 = vector.broadcast %mul3A_99 : i32 to vector<16xi32>
      %mul3A_101 = arith.muli %min3A_91, %mul3A_100 : vector<16xi32>
      %add3A_102 = arith.addi %mul3A_101, %min3A_98 : vector<16xi32>
      %add3A_103 = arith.constant 2112 : i32
      %add3A_104 = vector.broadcast %add3A_103 : i32 to vector<16xi32>
      %add3A_105 = arith.addi %add3A_102, %add3A_104 : vector<16xi32>
      %swap3A_106 = arith.constant 0 : i32
      %swap3A_107 = arith.index_cast %swap3A_106 : i32 to index
      %swap3A_108 = arith.constant 16 : index
      %swap3A_109 = tpu.vector_load %arg6[%swap3A_107, %swap3A_108] {strides = array<i32>} : memref<8x128xi32, #tpu.memory_space<vmem>>, vector<16xi32>,
      tpu.vector_store %arg6[%swap3A_107, %swap3A_108], %add3A_105 {strides = array<i32>} : memref<8x128xi32, #tpu.memory_space<vmem>>, vector<16xi32>,
      %add3A_110 = arith.constant 64 : i32
      %add3A_111 = vector.broadcast %add3A_110 : i32 to vector<16xi32>
      %add3A_112 = arith.addi %mul3A_35, %add3A_111 : vector<16xi32>
      %gather3A_113 = tpu.vector_load_idx %arg5[%add3A_112] : memref<512xi32, #tpu.memory_space<vmem>>[vector<16xi32>], vector<16xi32>,
      %add3A_114 = arith.constant 65 : i32
      %add3A_115 = vector.broadcast %add3A_114 : i32 to vector<16xi32>
      %add3A_116 = arith.addi %mul3A_35, %add3A_115 : vector<16xi32>
      %gather3A_117 = tpu.vector_load_idx %arg5[%add3A_116] : memref<512xi32, #tpu.memory_space<vmem>>[vector<16xi32>], vector<16xi32>,
      %sub3A_118 = arith.subi %gather3A, %gather3A_113 : vector<16xi32>
      %jit3A_119 = arith.constant -32 : i32
      %jit3A_120 = arith.constant 32 : i32
      %max3A_121 = vector.broadcast %jit3A_119 : i32 to vector<16xi32>
      %max3A_122 = arith.maxsi %max3A_121, %sub3A_118 : vector<16xi32>
      %min3A_123 = vector.broadcast %jit3A_120 : i32 to vector<16xi32>
      %min3A_124 = arith.minsi %min3A_123, %max3A_122 : vector<16xi32>
      %sub3A_125 = arith.subi %gather3A, %gather3A_117 : vector<16xi32>
      %jit3A_126 = arith.constant -32 : i32
      %jit3A_127 = arith.constant 32 : i32
      %max3A_128 = vector.broadcast %jit3A_126 : i32 to vector<16xi32>
      %max3A_129 = arith.maxsi %max3A_128, %sub3A_125 : vector<16xi32>
      %min3A_130 = vector.broadcast %jit3A_127 : i32 to vector<16xi32>
      %min3A_131 = arith.minsi %min3A_130, %max3A_129 : vector<16xi32>
      %mul3A_132 = arith.constant 65 : i32
      %mul3A_133 = vector.broadcast %mul3A_132 : i32 to vector<16xi32>
      %mul3A_134 = arith.muli %min3A_124, %mul3A_133 : vector<16xi32>
      %add3A_135 = arith.addi %mul3A_134, %min3A_131 : vector<16xi32>
      %add3A_136 = arith.constant 2112 : i32
      %add3A_137 = vector.broadcast %add3A_136 : i32 to vector<16xi32>
      %add3A_138 = arith.addi %add3A_135, %add3A_137 : vector<16xi32>
      %swap3A_139 = arith.constant 0 : i32
      %swap3A_140 = arith.index_cast %swap3A_139 : i32 to index
      %swap3A_141 = arith.constant 32 : index
      %swap3A_142 = tpu.vector_load %arg6[%swap3A_140, %swap3A_141] {strides = array<i32>} : memref<8x128xi32, #tpu.memory_space<vmem>>, vector<16xi32>,
      tpu.vector_store %arg6[%swap3A_140, %swap3A_141], %add3A_138 {strides = array<i32>} : memref<8x128xi32, #tpu.memory_space<vmem>>, vector<16xi32>,
      %add3A_143 = arith.constant 96 : i32
      %add3A_144 = vector.broadcast %add3A_143 : i32 to vector<16xi32>
      %add3A_145 = arith.addi %mul3A_35, %add3A_144 : vector<16xi32>
      %gather3A_146 = tpu.vector_load_idx %arg5[%add3A_145] : memref<512xi32, #tpu.memory_space<vmem>>[vector<16xi32>], vector<16xi32>,
      %add3A_147 = arith.constant 97 : i32
      %add3A_148 = vector.broadcast %add3A_147 : i32 to vector<16xi32>
      %add3A_149 = arith.addi %mul3A_35, %add3A_148 : vector<16xi32>
      %gather3A_150 = tpu.vector_load_idx %arg5[%add3A_149] : memref<512xi32, #tpu.memory_space<vmem>>[vector<16xi32>], vector<16xi32>,
      %sub3A_151 = arith.subi %gather3A, %gather3A_146 : vector<16xi32>
      %jit3A_152 = arith.constant -32 : i32
      %jit3A_153 = arith.constant 32 : i32
      %max3A_154 = vector.broadcast %jit3A_152 : i32 to vector<16xi32>
      %max3A_155 = arith.maxsi %max3A_154, %sub3A_151 : vector<16xi32>
      %min3A_156 = vector.broadcast %jit3A_153 : i32 to vector<16xi32>
      %min3A_157 = arith.minsi %min3A_156, %max3A_155 : vector<16xi32>
      %sub3A_158 = arith.subi %gather3A, %gather3A_150 : vector<16xi32>
      %jit3A_159 = arith.constant -32 : i32
      %jit3A_160 = arith.constant 32 : i32
      %max3A_161 = vector.broadcast %jit3A_159 : i32 to vector<16xi32>
      %max3A_162 = arith.maxsi %max3A_161, %sub3A_158 : vector<16xi32>
      %min3A_163 = vector.broadcast %jit3A_160 : i32 to vector<16xi32>
      %min3A_164 = arith.minsi %min3A_163, %max3A_162 : vector<16xi32>
      %mul3A_165 = arith.constant 65 : i32
      %mul3A_166 = vector.broadcast %mul3A_165 : i32 to vector<16xi32>
      %mul3A_167 = arith.muli %min3A_157, %mul3A_166 : vector<16xi32>
      %add3A_168 = arith.addi %mul3A_167, %min3A_164 : vector<16xi32>
      %add3A_169 = arith.constant 2112 : i32
      %add3A_170 = vector.broadcast %add3A_169 : i32 to vector<16xi32>
      %add3A_171 = arith.addi %add3A_168, %add3A_170 : vector<16xi32>
      %swap3A_172 = arith.constant 0 : i32
      %swap3A_173 = arith.index_cast %swap3A_172 : i32 to index
      %swap3A_174 = arith.constant 48 : index
      %swap3A_175 = tpu.vector_load %arg6[%swap3A_173, %swap3A_174] {strides = array<i32>} : memref<8x128xi32, #tpu.memory_space<vmem>>, vector<16xi32>,
      tpu.vector_store %arg6[%swap3A_173, %swap3A_174], %add3A_171 {strides = array<i32>} : memref<8x128xi32, #tpu.memory_space<vmem>>, vector<16xi32>,
      %add3A_176 = arith.constant 128 : i32
      %add3A_177 = vector.broadcast %add3A_176 : i32 to vector<16xi32>
      %add3A_178 = arith.addi %mul3A_35, %add3A_177 : vector<16xi32>
      %gather3A_179 = tpu.vector_load_idx %arg5[%add3A_178] : memref<512xi32, #tpu.memory_space<vmem>>[vector<16xi32>], vector<16xi32>,
      %add3A_180 = arith.constant 129 : i32
      %add3A_181 = vector.broadcast %add3A_180 : i32 to vector<16xi32>
      %add3A_182 = arith.addi %mul3A_35, %add3A_181 : vector<16xi32>
      %gather3A_183 = tpu.vector_load_idx %arg5[%add3A_182] : memref<512xi32, #tpu.memory_space<vmem>>[vector<16xi32>], vector<16xi32>,
      %sub3A_184 = arith.subi %gather3A, %gather3A_179 : vector<16xi32>
      %jit3A_185 = arith.constant -32 : i32
      %jit3A_186 = arith.constant 32 : i32
      %max3A_187 = vector.broadcast %jit3A_185 : i32 to vector<16xi32>
      %max3A_188 = arith.maxsi %max3A_187, %sub3A_184 : vector<16xi32>
      %min3A_189 = vector.broadcast %jit3A_186 : i32 to vector<16xi32>
      %min3A_190 = arith.minsi %min3A_189, %max3A_188 : vector<16xi32>
      %sub3A_191 = arith.subi %gather3A, %gather3A_183 : vector<16xi32>
      %jit3A_192 = arith.constant -32 : i32
      %jit3A_193 = arith.constant 32 : i32
      %max3A_194 = vector.broadcast %jit3A_192 : i32 to vector<16xi32>
      %max3A_195 = arith.maxsi %max3A_194, %sub3A_191 : vector<16xi32>
      %min3A_196 = vector.broadcast %jit3A_193 : i32 to vector<16xi32>
      %min3A_197 = arith.minsi %min3A_196, %max3A_195 : vector<16xi32>
      %mul3A_198 = arith.constant 65 : i32
      %mul3A_199 = vector.broadcast %mul3A_198 : i32 to vector<16xi32>
      %mul3A_200 = arith.muli %min3A_190, %mul3A_199 : vector<16xi32>
      %add3A_201 = arith.addi %mul3A_200, %min3A_197 : vector<16xi32>
      %add3A_202 = arith.constant 2112 : i32
      %add3A_203 = vector.broadcast %add3A_202 : i32 to vector<16xi32>
      %add3A_204 = arith.addi %add3A_201, %add3A_203 : vector<16xi32>
      %swap3A_205 = arith.constant 0 : i32
      %swap3A_206 = arith.index_cast %swap3A_205 : i32 to index
      %swap3A_207 = arith.constant 64 : index
      %swap3A_208 = tpu.vector_load %arg6[%swap3A_206, %swap3A_207] {strides = array<i32>} : memref<8x128xi32, #tpu.memory_space<vmem>>, vector<16xi32>,
      tpu.vector_store %arg6[%swap3A_206, %swap3A_207], %add3A_204 {strides = array<i32>} : memref<8x128xi32, #tpu.memory_space<vmem>>, vector<16xi32>,
      %add3A_209 = arith.constant 160 : i32
      %add3A_210 = vector.broadcast %add3A_209 : i32 to vector<16xi32>
      %add3A_211 = arith.addi %mul3A_35, %add3A_210 : vector<16xi32>
      %gather3A_212 = tpu.vector_load_idx %arg5[%add3A_211] : memref<512xi32, #tpu.memory_space<vmem>>[vector<16xi32>], vector<16xi32>,
      %add3A_213 = arith.constant 161 : i32
      %add3A_214 = vector.broadcast %add3A_213 : i32 to vector<16xi32>
      %add3A_215 = arith.addi %mul3A_35, %add3A_214 : vector<16xi32>
      %gather3A_216 = tpu.vector_load_idx %arg5[%add3A_215] : memref<512xi32, #tpu.memory_space<vmem>>[vector<16xi32>], vector<16xi32>,
      %sub3A_217 = arith.subi %gather3A, %gather3A_212 : vector<16xi32>
      %jit3A_218 = arith.constant -32 : i32
      %jit3A_219 = arith.constant 32 : i32
      %max3A_220 = vector.broadcast %jit3A_218 : i32 to vector<16xi32>
      %max3A_221 = arith.maxsi %max3A_220, %sub3A_217 : vector<16xi32>
      %min3A_222 = vector.broadcast %jit3A_219 : i32 to vector<16xi32>
      %min3A_223 = arith.minsi %min3A_222, %max3A_221 : vector<16xi32>
      %sub3A_224 = arith.subi %gather3A, %gather3A_216 : vector<16xi32>
      %jit3A_225 = arith.constant -32 : i32
      %jit3A_226 = arith.constant 32 : i32
      %max3A_227 = vector.broadcast %jit3A_225 : i32 to vector<16xi32>
      %max3A_228 = arith.maxsi %max3A_227, %sub3A_224 : vector<16xi32>
      %min3A_229 = vector.broadcast %jit3A_226 : i32 to vector<16xi32>
      %min3A_230 = arith.minsi %min3A_229, %max3A_228 : vector<16xi32>
      %mul3A_231 = arith.constant 65 : i32
      %mul3A_232 = vector.broadcast %mul3A_231 : i32 to vector<16xi32>
      %mul3A_233 = arith.muli %min3A_223, %mul3A_232 : vector<16xi32>
      %add3A_234 = arith.addi %mul3A_233, %min3A_230 : vector<16xi32>
      %add3A_235 = arith.constant 2112 : i32
      %add3A_236 = vector.broadcast %add3A_235 : i32 to vector<16xi32>
      %add3A_237 = arith.addi %add3A_234, %add3A_236 : vector<16xi32>
      %swap3A_238 = arith.constant 0 : i32
      %swap3A_239 = arith.index_cast %swap3A_238 : i32 to index
      %swap3A_240 = arith.constant 80 : index
      %swap3A_241 = tpu.vector_load %arg6[%swap3A_239, %swap3A_240] {strides = array<i32>} : memref<8x128xi32, #tpu.memory_space<vmem>>, vector<16xi32>,
      tpu.vector_store %arg6[%swap3A_239, %swap3A_240], %add3A_237 {strides = array<i32>} : memref<8x128xi32, #tpu.memory_space<vmem>>, vector<16xi32>,
      %add3A_242 = arith.constant 192 : i32
      %add3A_243 = vector.broadcast %add3A_242 : i32 to vector<16xi32>
      %add3A_244 = arith.addi %mul3A_35, %add3A_243 : vector<16xi32>
      %gather3A_245 = tpu.vector_load_idx %arg5[%add3A_244] : memref<512xi32, #tpu.memory_space<vmem>>[vector<16xi32>], vector<16xi32>,
      %add3A_246 = arith.constant 193 : i32
      %add3A_247 = vector.broadcast %add3A_246 : i32 to vector<16xi32>
      %add3A_248 = arith.addi %mul3A_35, %add3A_247 : vector<16xi32>
      %gather3A_249 = tpu.vector_load_idx %arg5[%add3A_248] : memref<512xi32, #tpu.memory_space<vmem>>[vector<16xi32>], vector<16xi32>,
      %sub3A_250 = arith.subi %gather3A, %gather3A_245 : vector<16xi32>
      %jit3A_251 = arith.constant -32 : i32
      %jit3A_252 = arith.constant 32 : i32
      %max3A_253 = vector.broadcast %jit3A_251 : i32 to vector<16xi32>
      %max3A_254 = arith.maxsi %max3A_253, %sub3A_250 : vector<16xi32>
      %min3A_255 = vector.broadcast %jit3A_252 : i32 to vector<16xi32>
      %min3A_256 = arith.minsi %min3A_255, %max3A_254 : vector<16xi32>
      %sub3A_257 = arith.subi %gather3A, %gather3A_249 : vector<16xi32>
      %jit3A_258 = arith.constant -32 : i32
      %jit3A_259 = arith.constant 32 : i32
      %max3A_260 = vector.broadcast %jit3A_258 : i32 to vector<16xi32>
      %max3A_261 = arith.maxsi %max3A_260, %sub3A_257 : vector<16xi32>
      %min3A_262 = vector.broadcast %jit3A_259 : i32 to vector<16xi32>
      %min3A_263 = arith.minsi %min3A_262, %max3A_261 : vector<16xi32>
      %mul3A_264 = arith.constant 65 : i32
      %mul3A_265 = vector.broadcast %mul3A_264 : i32 to vector<16xi32>
      %mul3A_266 = arith.muli %min3A_256, %mul3A_265 : vector<16xi32>
      %add3A_267 = arith.addi %mul3A_266, %min3A_263 : vector<16xi32>
      %add3A_268 = arith.constant 2112 : i32
      %add3A_269 = vector.broadcast %add3A_268 : i32 to vector<16xi32>
      %add3A_270 = arith.addi %add3A_267, %add3A_269 : vector<16xi32>
      %swap3A_271 = arith.constant 0 : i32
      %swap3A_272 = arith.index_cast %swap3A_271 : i32 to index
      %swap3A_273 = arith.constant 96 : index
      %swap3A_274 = tpu.vector_load %arg6[%swap3A_272, %swap3A_273] {strides = array<i32>} : memref<8x128xi32, #tpu.memory_space<vmem>>, vector<16xi32>,
      tpu.vector_store %arg6[%swap3A_272, %swap3A_273], %add3A_270 {strides = array<i32>} : memref<8x128xi32, #tpu.memory_space<vmem>>, vector<16xi32>,
      %add3A_275 = arith.constant 224 : i32
      %add3A_276 = vector.broadcast %add3A_275 : i32 to vector<16xi32>
      %add3A_277 = arith.addi %mul3A_35, %add3A_276 : vector<16xi32>
      %gather3A_278 = tpu.vector_load_idx %arg5[%add3A_277] : memref<512xi32, #tpu.memory_space<vmem>>[vector<16xi32>], vector<16xi32>,
      %add3A_279 = arith.constant 225 : i32
      %add3A_280 = vector.broadcast %add3A_279 : i32 to vector<16xi32>
      %add3A_281 = arith.addi %mul3A_35, %add3A_280 : vector<16xi32>
      %gather3A_282 = tpu.vector_load_idx %arg5[%add3A_281] : memref<512xi32, #tpu.memory_space<vmem>>[vector<16xi32>], vector<16xi32>,
      %sub3A_283 = arith.subi %gather3A, %gather3A_278 : vector<16xi32>
      %jit3A_284 = arith.constant -32 : i32
      %jit3A_285 = arith.constant 32 : i32
      %max3A_286 = vector.broadcast %jit3A_284 : i32 to vector<16xi32>
      %max3A_287 = arith.maxsi %max3A_286, %sub3A_283 : vector<16xi32>
      %min3A_288 = vector.broadcast %jit3A_285 : i32 to vector<16xi32>
      %min3A_289 = arith.minsi %min3A_288, %max3A_287 : vector<16xi32>
      %sub3A_290 = arith.subi %gather3A, %gather3A_282 : vector<16xi32>
      %jit3A_291 = arith.constant -32 : i32
      %jit3A_292 = arith.constant 32 : i32
      %max3A_293 = vector.broadcast %jit3A_291 : i32 to vector<16xi32>
      %max3A_294 = arith.maxsi %max3A_293, %sub3A_290 : vector<16xi32>
      %min3A_295 = vector.broadcast %jit3A_292 : i32 to vector<16xi32>
      %min3A_296 = arith.minsi %min3A_295, %max3A_294 : vector<16xi32>
      %mul3A_297 = arith.constant 65 : i32
      %mul3A_298 = vector.broadcast %mul3A_297 : i32 to vector<16xi32>
      %mul3A_299 = arith.muli %min3A_289, %mul3A_298 : vector<16xi32>
      %add3A_300 = arith.addi %mul3A_299, %min3A_296 : vector<16xi32>
      %add3A_301 = arith.constant 2112 : i32
      %add3A_302 = vector.broadcast %add3A_301 : i32 to vector<16xi32>
      %add3A_303 = arith.addi %add3A_300, %add3A_302 : vector<16xi32>
      %swap3A_304 = arith.constant 0 : i32
      %swap3A_305 = arith.index_cast %swap3A_304 : i32 to index
      %swap3A_306 = arith.constant 112 : index
      %swap3A_307 = tpu.vector_load %arg6[%swap3A_305, %swap3A_306] {strides = array<i32>} : memref<8x128xi32, #tpu.memory_space<vmem>>, vector<16xi32>,
      tpu.vector_store %arg6[%swap3A_305, %swap3A_306], %add3A_303 {strides = array<i32>} : memref<8x128xi32, #tpu.memory_space<vmem>>, vector<16xi32>,
      %add3A_308 = arith.constant 256 : i32
      %add3A_309 = vector.broadcast %add3A_308 : i32 to vector<16xi32>
      %add3A_310 = arith.addi %mul3A_35, %add3A_309 : vector<16xi32>
      %gather3A_311 = tpu.vector_load_idx %arg5[%add3A_310] : memref<512xi32, #tpu.memory_space<vmem>>[vector<16xi32>], vector<16xi32>,
      %add3A_312 = arith.constant 257 : i32
      %add3A_313 = vector.broadcast %add3A_312 : i32 to vector<16xi32>
      %add3A_314 = arith.addi %mul3A_35, %add3A_313 : vector<16xi32>
      %gather3A_315 = tpu.vector_load_idx %arg5[%add3A_314] : memref<512xi32, #tpu.memory_space<vmem>>[vector<16xi32>], vector<16xi32>,
      %sub3A_316 = arith.subi %gather3A, %gather3A_311 : vector<16xi32>
      %jit3A_317 = arith.constant -32 : i32
      %jit3A_318 = arith.constant 32 : i32
      %max3A_319 = vector.broadcast %jit3A_317 : i32 to vector<16xi32>
      %max3A_320 = arith.maxsi %max3A_319, %sub3A_316 : vector<16xi32>
      %min3A_321 = vector.broadcast %jit3A_318 : i32 to vector<16xi32>
      %min3A_322 = arith.minsi %min3A_321, %max3A_320 : vector<16xi32>
      %sub3A_323 = arith.subi %gather3A, %gather3A_315 : vector<16xi32>
      %jit3A_324 = arith.constant -32 : i32
      %jit3A_325 = arith.constant 32 : i32
      %max3A_326 = vector.broadcast %jit3A_324 : i32 to vector<16xi32>
      %max3A_327 = arith.maxsi %max3A_326, %sub3A_323 : vector<16xi32>
      %min3A_328 = vector.broadcast %jit3A_325 : i32 to vector<16xi32>
      %min3A_329 = arith.minsi %min3A_328, %max3A_327 : vector<16xi32>
      %mul3A_330 = arith.constant 65 : i32
      %mul3A_331 = vector.broadcast %mul3A_330 : i32 to vector<16xi32>
      %mul3A_332 = arith.muli %min3A_322, %mul3A_331 : vector<16xi32>
      %add3A_333 = arith.addi %mul3A_332, %min3A_329 : vector<16xi32>
      %add3A_334 = arith.constant 2112 : i32
      %add3A_335 = vector.broadcast %add3A_334 : i32 to vector<16xi32>
      %add3A_336 = arith.addi %add3A_333, %add3A_335 : vector<16xi32>
      %swap3A_337 = arith.constant 1 : i32
      %swap3A_338 = arith.index_cast %swap3A_337 : i32 to index
      %swap3A_339 = arith.constant 0 : index
      %swap3A_340 = tpu.vector_load %arg6[%swap3A_338, %swap3A_339] {strides = array<i32>} : memref<8x128xi32, #tpu.memory_space<vmem>>, vector<16xi32>,
      tpu.vector_store %arg6[%swap3A_338, %swap3A_339], %add3A_336 {strides = array<i32>} : memref<8x128xi32, #tpu.memory_space<vmem>>, vector<16xi32>,
      %add3A_341 = arith.constant 288 : i32
      %add3A_342 = vector.broadcast %add3A_341 : i32 to vector<16xi32>
      %add3A_343 = arith.addi %mul3A_35, %add3A_342 : vector<16xi32>
      %gather3A_344 = tpu.vector_load_idx %arg5[%add3A_343] : memref<512xi32, #tpu.memory_space<vmem>>[vector<16xi32>], vector<16xi32>,
      %add3A_345 = arith.constant 289 : i32
      %add3A_346 = vector.broadcast %add3A_345 : i32 to vector<16xi32>
      %add3A_347 = arith.addi %mul3A_35, %add3A_346 : vector<16xi32>
      %gather3A_348 = tpu.vector_load_idx %arg5[%add3A_347] : memref<512xi32, #tpu.memory_space<vmem>>[vector<16xi32>], vector<16xi32>,
      %sub3A_349 = arith.subi %gather3A, %gather3A_344 : vector<16xi32>
      %jit3A_350 = arith.constant -32 : i32
      %jit3A_351 = arith.constant 32 : i32
      %max3A_352 = vector.broadcast %jit3A_350 : i32 to vector<16xi32>
      %max3A_353 = arith.maxsi %max3A_352, %sub3A_349 : vector<16xi32>
      %min3A_354 = vector.broadcast %jit3A_351 : i32 to vector<16xi32>
      %min3A_355 = arith.minsi %min3A_354, %max3A_353 : vector<16xi32>
      %sub3A_356 = arith.subi %gather3A, %gather3A_348 : vector<16xi32>
      %jit3A_357 = arith.constant -32 : i32
      %jit3A_358 = arith.constant 32 : i32
      %max3A_359 = vector.broadcast %jit3A_357 : i32 to vector<16xi32>
      %max3A_360 = arith.maxsi %max3A_359, %sub3A_356 : vector<16xi32>
      %min3A_361 = vector.broadcast %jit3A_358 : i32 to vector<16xi32>
      %min3A_362 = arith.minsi %min3A_361, %max3A_360 : vector<16xi32>
      %mul3A_363 = arith.constant 65 : i32
      %mul3A_364 = vector.broadcast %mul3A_363 : i32 to vector<16xi32>
      %mul3A_365 = arith.muli %min3A_355, %mul3A_364 : vector<16xi32>
      %add3A_366 = arith.addi %mul3A_365, %min3A_362 : vector<16xi32>
      %add3A_367 = arith.constant 2112 : i32
      %add3A_368 = vector.broadcast %add3A_367 : i32 to vector<16xi32>
      %add3A_369 = arith.addi %add3A_366, %add3A_368 : vector<16xi32>
      %swap3A_370 = arith.constant 1 : i32
      %swap3A_371 = arith.index_cast %swap3A_370 : i32 to index
      %swap3A_372 = arith.constant 16 : index
      %swap3A_373 = tpu.vector_load %arg6[%swap3A_371, %swap3A_372] {strides = array<i32>} : memref<8x128xi32, #tpu.memory_space<vmem>>, vector<16xi32>,
      tpu.vector_store %arg6[%swap3A_371, %swap3A_372], %add3A_369 {strides = array<i32>} : memref<8x128xi32, #tpu.memory_space<vmem>>, vector<16xi32>,
      %add3A_374 = arith.constant 320 : i32
      %add3A_375 = vector.broadcast %add3A_374 : i32 to vector<16xi32>
      %add3A_376 = arith.addi %mul3A_35, %add3A_375 : vector<16xi32>
      %gather3A_377 = tpu.vector_load_idx %arg5[%add3A_376] : memref<512xi32, #tpu.memory_space<vmem>>[vector<16xi32>], vector<16xi32>,
      %add3A_378 = arith.constant 321 : i32
      %add3A_379 = vector.broadcast %add3A_378 : i32 to vector<16xi32>
      %add3A_380 = arith.addi %mul3A_35, %add3A_379 : vector<16xi32>
      %gather3A_381 = tpu.vector_load_idx %arg5[%add3A_380] : memref<512xi32, #tpu.memory_space<vmem>>[vector<16xi32>], vector<16xi32>,
      %sub3A_382 = arith.subi %gather3A, %gather3A_377 : vector<16xi32>
      %jit3A_383 = arith.constant -32 : i32
      %jit3A_384 = arith.constant 32 : i32
      %max3A_385 = vector.broadcast %jit3A_383 : i32 to vector<16xi32>
      %max3A_386 = arith.maxsi %max3A_385, %sub3A_382 : vector<16xi32>
      %min3A_387 = vector.broadcast %jit3A_384 : i32 to vector<16xi32>
      %min3A_388 = arith.minsi %min3A_387, %max3A_386 : vector<16xi32>
      %sub3A_389 = arith.subi %gather3A, %gather3A_381 : vector<16xi32>
      %jit3A_390 = arith.constant -32 : i32
      %jit3A_391 = arith.constant 32 : i32
      %max3A_392 = vector.broadcast %jit3A_390 : i32 to vector<16xi32>
      %max3A_393 = arith.maxsi %max3A_392, %sub3A_389 : vector<16xi32>
      %min3A_394 = vector.broadcast %jit3A_391 : i32 to vector<16xi32>
      %min3A_395 = arith.minsi %min3A_394, %max3A_393 : vector<16xi32>
      %mul3A_396 = arith.constant 65 : i32
      %mul3A_397 = vector.broadcast %mul3A_396 : i32 to vector<16xi32>
      %mul3A_398 = arith.muli %min3A_388, %mul3A_397 : vector<16xi32>
      %add3A_399 = arith.addi %mul3A_398, %min3A_395 : vector<16xi32>
      %add3A_400 = arith.constant 2112 : i32
      %add3A_401 = vector.broadcast %add3A_400 : i32 to vector<16xi32>
      %add3A_402 = arith.addi %add3A_399, %add3A_401 : vector<16xi32>
      %swap3A_403 = arith.constant 1 : i32
      %swap3A_404 = arith.index_cast %swap3A_403 : i32 to index
      %swap3A_405 = arith.constant 32 : index
      %swap3A_406 = tpu.vector_load %arg6[%swap3A_404, %swap3A_405] {strides = array<i32>} : memref<8x128xi32, #tpu.memory_space<vmem>>, vector<16xi32>,
      tpu.vector_store %arg6[%swap3A_404, %swap3A_405], %add3A_402 {strides = array<i32>} : memref<8x128xi32, #tpu.memory_space<vmem>>, vector<16xi32>,
      %add3A_407 = arith.constant 352 : i32
      %add3A_408 = vector.broadcast %add3A_407 : i32 to vector<16xi32>
      %add3A_409 = arith.addi %mul3A_35, %add3A_408 : vector<16xi32>
      %gather3A_410 = tpu.vector_load_idx %arg5[%add3A_409] : memref<512xi32, #tpu.memory_space<vmem>>[vector<16xi32>], vector<16xi32>,
      %add3A_411 = arith.constant 353 : i32
      %add3A_412 = vector.broadcast %add3A_411 : i32 to vector<16xi32>
      %add3A_413 = arith.addi %mul3A_35, %add3A_412 : vector<16xi32>
      %gather3A_414 = tpu.vector_load_idx %arg5[%add3A_413] : memref<512xi32, #tpu.memory_space<vmem>>[vector<16xi32>], vector<16xi32>,
      %sub3A_415 = arith.subi %gather3A, %gather3A_410 : vector<16xi32>
      %jit3A_416 = arith.constant -32 : i32
      %jit3A_417 = arith.constant 32 : i32
      %max3A_418 = vector.broadcast %jit3A_416 : i32 to vector<16xi32>
      %max3A_419 = arith.maxsi %max3A_418, %sub3A_415 : vector<16xi32>
      %min3A_420 = vector.broadcast %jit3A_417 : i32 to vector<16xi32>
      %min3A_421 = arith.minsi %min3A_420, %max3A_419 : vector<16xi32>
      %sub3A_422 = arith.subi %gather3A, %gather3A_414 : vector<16xi32>
      %jit3A_423 = arith.constant -32 : i32
      %jit3A_424 = arith.constant 32 : i32
      %max3A_425 = vector.broadcast %jit3A_423 : i32 to vector<16xi32>
      %max3A_426 = arith.maxsi %max3A_425, %sub3A_422 : vector<16xi32>
      %min3A_427 = vector.broadcast %jit3A_424 : i32 to vector<16xi32>
      %min3A_428 = arith.minsi %min3A_427, %max3A_426 : vector<16xi32>
      %mul3A_429 = arith.constant 65 : i32
      %mul3A_430 = vector.broadcast %mul3A_429 : i32 to vector<16xi32>
      %mul3A_431 = arith.muli %min3A_421, %mul3A_430 : vector<16xi32>
      %add3A_432 = arith.addi %mul3A_431, %min3A_428 : vector<16xi32>
      %add3A_433 = arith.constant 2112 : i32
      %add3A_434 = vector.broadcast %add3A_433 : i32 to vector<16xi32>
      %add3A_435 = arith.addi %add3A_432, %add3A_434 : vector<16xi32>
      %swap3A_436 = arith.constant 1 : i32
      %swap3A_437 = arith.index_cast %swap3A_436 : i32 to index
      %swap3A_438 = arith.constant 48 : index
      %swap3A_439 = tpu.vector_load %arg6[%swap3A_437, %swap3A_438] {strides = array<i32>} : memref<8x128xi32, #tpu.memory_space<vmem>>, vector<16xi32>,
      tpu.vector_store %arg6[%swap3A_437, %swap3A_438], %add3A_435 {strides = array<i32>} : memref<8x128xi32, #tpu.memory_space<vmem>>, vector<16xi32>,
      %add3A_440 = arith.constant 384 : i32
      %add3A_441 = vector.broadcast %add3A_440 : i32 to vector<16xi32>
      %add3A_442 = arith.addi %mul3A_35, %add3A_441 : vector<16xi32>
      %gather3A_443 = tpu.vector_load_idx %arg5[%add3A_442] : memref<512xi32, #tpu.memory_space<vmem>>[vector<16xi32>], vector<16xi32>,
      %add3A_444 = arith.constant 385 : i32
      %add3A_445 = vector.broadcast %add3A_444 : i32 to vector<16xi32>
      %add3A_446 = arith.addi %mul3A_35, %add3A_445 : vector<16xi32>
      %gather3A_447 = tpu.vector_load_idx %arg5[%add3A_446] : memref<512xi32, #tpu.memory_space<vmem>>[vector<16xi32>], vector<16xi32>,
      %sub3A_448 = arith.subi %gather3A, %gather3A_443 : vector<16xi32>
      %jit3A_449 = arith.constant -32 : i32
      %jit3A_450 = arith.constant 32 : i32
      %max3A_451 = vector.broadcast %jit3A_449 : i32 to vector<16xi32>
      %max3A_452 = arith.maxsi %max3A_451, %sub3A_448 : vector<16xi32>
      %min3A_453 = vector.broadcast %jit3A_450 : i32 to vector<16xi32>
      %min3A_454 = arith.minsi %min3A_453, %max3A_452 : vector<16xi32>
      %sub3A_455 = arith.subi %gather3A, %gather3A_447 : vector<16xi32>
      %jit3A_456 = arith.constant -32 : i32
      %jit3A_457 = arith.constant 32 : i32
      %max3A_458 = vector.broadcast %jit3A_456 : i32 to vector<16xi32>
      %max3A_459 = arith.maxsi %max3A_458, %sub3A_455 : vector<16xi32>
      %min3A_460 = vector.broadcast %jit3A_457 : i32 to vector<16xi32>
      %min3A_461 = arith.minsi %min3A_460, %max3A_459 : vector<16xi32>
      %mul3A_462 = arith.constant 65 : i32
      %mul3A_463 = vector.broadcast %mul3A_462 : i32 to vector<16xi32>
      %mul3A_464 = arith.muli %min3A_454, %mul3A_463 : vector<16xi32>
      %add3A_465 = arith.addi %mul3A_464, %min3A_461 : vector<16xi32>
      %add3A_466 = arith.constant 2112 : i32
      %add3A_467 = vector.broadcast %add3A_466 : i32 to vector<16xi32>
      %add3A_468 = arith.addi %add3A_465, %add3A_467 : vector<16xi32>
      %swap3A_469 = arith.constant 1 : i32
      %swap3A_470 = arith.index_cast %swap3A_469 : i32 to index
      %swap3A_471 = arith.constant 64 : index
      %swap3A_472 = tpu.vector_load %arg6[%swap3A_470, %swap3A_471] {strides = array<i32>} : memref<8x128xi32, #tpu.memory_space<vmem>>, vector<16xi32>,
      tpu.vector_store %arg6[%swap3A_470, %swap3A_471], %add3A_468 {strides = array<i32>} : memref<8x128xi32, #tpu.memory_space<vmem>>, vector<16xi32>,
      %add3A_473 = arith.constant 416 : i32
      %add3A_474 = vector.broadcast %add3A_473 : i32 to vector<16xi32>
      %add3A_475 = arith.addi %mul3A_35, %add3A_474 : vector<16xi32>
      %gather3A_476 = tpu.vector_load_idx %arg5[%add3A_475] : memref<512xi32, #tpu.memory_space<vmem>>[vector<16xi32>], vector<16xi32>,
      %add3A_477 = arith.constant 417 : i32
      %add3A_478 = vector.broadcast %add3A_477 : i32 to vector<16xi32>
      %add3A_479 = arith.addi %mul3A_35, %add3A_478 : vector<16xi32>
      %gather3A_480 = tpu.vector_load_idx %arg5[%add3A_479] : memref<512xi32, #tpu.memory_space<vmem>>[vector<16xi32>], vector<16xi32>,
      %sub3A_481 = arith.subi %gather3A, %gather3A_476 : vector<16xi32>
      %jit3A_482 = arith.constant -32 : i32
      %jit3A_483 = arith.constant 32 : i32
      %max3A_484 = vector.broadcast %jit3A_482 : i32 to vector<16xi32>
      %max3A_485 = arith.maxsi %max3A_484, %sub3A_481 : vector<16xi32>
      %min3A_486 = vector.broadcast %jit3A_483 : i32 to vector<16xi32>
      %min3A_487 = arith.minsi %min3A_486, %max3A_485 : vector<16xi32>
      %sub3A_488 = arith.subi %gather3A, %gather3A_480 : vector<16xi32>
      %jit3A_489 = arith.constant -32 : i32
      %jit3A_490 = arith.constant 32 : i32
      %max3A_491 = vector.broadcast %jit3A_489 : i32 to vector<16xi32>
      %max3A_492 = arith.maxsi %max3A_491, %sub3A_488 : vector<16xi32>
      %min3A_493 = vector.broadcast %jit3A_490 : i32 to vector<16xi32>
      %min3A_494 = arith.minsi %min3A_493, %max3A_492 : vector<16xi32>
      %mul3A_495 = arith.constant 65 : i32
      %mul3A_496 = vector.broadcast %mul3A_495 : i32 to vector<16xi32>
      %mul3A_497 = arith.muli %min3A_487, %mul3A_496 : vector<16xi32>
      %add3A_498 = arith.addi %mul3A_497, %min3A_494 : vector<16xi32>
      %add3A_499 = arith.constant 2112 : i32
      %add3A_500 = vector.broadcast %add3A_499 : i32 to vector<16xi32>
      %add3A_501 = arith.addi %add3A_498, %add3A_500 : vector<16xi32>
      %swap3A_502 = arith.constant 1 : i32
      %swap3A_503 = arith.index_cast %swap3A_502 : i32 to index
      %swap3A_504 = arith.constant 80 : index
      %swap3A_505 = tpu.vector_load %arg6[%swap3A_503, %swap3A_504] {strides = array<i32>} : memref<8x128xi32, #tpu.memory_space<vmem>>, vector<16xi32>,
      tpu.vector_store %arg6[%swap3A_503, %swap3A_504], %add3A_501 {strides = array<i32>} : memref<8x128xi32, #tpu.memory_space<vmem>>, vector<16xi32>,
      %add3A_506 = arith.constant 448 : i32
      %add3A_507 = vector.broadcast %add3A_506 : i32 to vector<16xi32>
      %add3A_508 = arith.addi %mul3A_35, %add3A_507 : vector<16xi32>
      %gather3A_509 = tpu.vector_load_idx %arg5[%add3A_508] : memref<512xi32, #tpu.memory_space<vmem>>[vector<16xi32>], vector<16xi32>,
      %add3A_510 = arith.constant 449 : i32
      %add3A_511 = vector.broadcast %add3A_510 : i32 to vector<16xi32>
      %add3A_512 = arith.addi %mul3A_35, %add3A_511 : vector<16xi32>
      %gather3A_513 = tpu.vector_load_idx %arg5[%add3A_512] : memref<512xi32, #tpu.memory_space<vmem>>[vector<16xi32>], vector<16xi32>,
      %sub3A_514 = arith.subi %gather3A, %gather3A_509 : vector<16xi32>
      %jit3A_515 = arith.constant -32 : i32
      %jit3A_516 = arith.constant 32 : i32
      %max3A_517 = vector.broadcast %jit3A_515 : i32 to vector<16xi32>
      %max3A_518 = arith.maxsi %max3A_517, %sub3A_514 : vector<16xi32>
      %min3A_519 = vector.broadcast %jit3A_516 : i32 to vector<16xi32>
      %min3A_520 = arith.minsi %min3A_519, %max3A_518 : vector<16xi32>
      %sub3A_521 = arith.subi %gather3A, %gather3A_513 : vector<16xi32>
      %jit3A_522 = arith.constant -32 : i32
      %jit3A_523 = arith.constant 32 : i32
      %max3A_524 = vector.broadcast %jit3A_522 : i32 to vector<16xi32>
      %max3A_525 = arith.maxsi %max3A_524, %sub3A_521 : vector<16xi32>
      %min3A_526 = vector.broadcast %jit3A_523 : i32 to vector<16xi32>
      %min3A_527 = arith.minsi %min3A_526, %max3A_525 : vector<16xi32>
      %mul3A_528 = arith.constant 65 : i32
      %mul3A_529 = vector.broadcast %mul3A_528 : i32 to vector<16xi32>
      %mul3A_530 = arith.muli %min3A_520, %mul3A_529 : vector<16xi32>
      %add3A_531 = arith.addi %mul3A_530, %min3A_527 : vector<16xi32>
      %add3A_532 = arith.constant 2112 : i32
      %add3A_533 = vector.broadcast %add3A_532 : i32 to vector<16xi32>
      %add3A_534 = arith.addi %add3A_531, %add3A_533 : vector<16xi32>
      %swap3A_535 = arith.constant 1 : i32
      %swap3A_536 = arith.index_cast %swap3A_535 : i32 to index
      %swap3A_537 = arith.constant 96 : index
      %swap3A_538 = tpu.vector_load %arg6[%swap3A_536, %swap3A_537] {strides = array<i32>} : memref<8x128xi32, #tpu.memory_space<vmem>>, vector<16xi32>,
      tpu.vector_store %arg6[%swap3A_536, %swap3A_537], %add3A_534 {strides = array<i32>} : memref<8x128xi32, #tpu.memory_space<vmem>>, vector<16xi32>,
      %add3A_539 = arith.constant 480 : i32
      %add3A_540 = vector.broadcast %add3A_539 : i32 to vector<16xi32>
      %add3A_541 = arith.addi %mul3A_35, %add3A_540 : vector<16xi32>
      %gather3A_542 = tpu.vector_load_idx %arg5[%add3A_541] : memref<512xi32, #tpu.memory_space<vmem>>[vector<16xi32>], vector<16xi32>,
      %add3A_543 = arith.constant 481 : i32
      %add3A_544 = vector.broadcast %add3A_543 : i32 to vector<16xi32>
      %add3A_545 = arith.addi %mul3A_35, %add3A_544 : vector<16xi32>
      %gather3A_546 = tpu.vector_load_idx %arg5[%add3A_545] : memref<512xi32, #tpu.memory_space<vmem>>[vector<16xi32>], vector<16xi32>,
      %sub3A_547 = arith.subi %gather3A, %gather3A_542 : vector<16xi32>
      %jit3A_548 = arith.constant -32 : i32
      %jit3A_549 = arith.constant 32 : i32
      %max3A_550 = vector.broadcast %jit3A_548 : i32 to vector<16xi32>
      %max3A_551 = arith.maxsi %max3A_550, %sub3A_547 : vector<16xi32>
      %min3A_552 = vector.broadcast %jit3A_549 : i32 to vector<16xi32>
      %min3A_553 = arith.minsi %min3A_552, %max3A_551 : vector<16xi32>
      %sub3A_554 = arith.subi %gather3A, %gather3A_546 : vector<16xi32>
      %jit3A_555 = arith.constant -32 : i32
      %jit3A_556 = arith.constant 32 : i32
      %max3A_557 = vector.broadcast %jit3A_555 : i32 to vector<16xi32>
      %max3A_558 = arith.maxsi %max3A_557, %sub3A_554 : vector<16xi32>
      %min3A_559 = vector.broadcast %jit3A_556 : i32 to vector<16xi32>
      %min3A_560 = arith.minsi %min3A_559, %max3A_558 : vector<16xi32>
      %mul3A_561 = arith.constant 65 : i32
      %mul3A_562 = vector.broadcast %mul3A_561 : i32 to vector<16xi32>
      %mul3A_563 = arith.muli %min3A_553, %mul3A_562 : vector<16xi32>
      %add3A_564 = arith.addi %mul3A_563, %min3A_560 : vector<16xi32>
      %add3A_565 = arith.constant 2112 : i32
      %add3A_566 = vector.broadcast %add3A_565 : i32 to vector<16xi32>
      %add3A_567 = arith.addi %add3A_564, %add3A_566 : vector<16xi32>
      %swap3A_568 = arith.constant 1 : i32
      %swap3A_569 = arith.index_cast %swap3A_568 : i32 to index
      %swap3A_570 = arith.constant 112 : index
      %swap3A_571 = tpu.vector_load %arg6[%swap3A_569, %swap3A_570] {strides = array<i32>} : memref<8x128xi32, #tpu.memory_space<vmem>>, vector<16xi32>,
      tpu.vector_store %arg6[%swap3A_569, %swap3A_570], %add3A_567 {strides = array<i32>} : memref<8x128xi32, #tpu.memory_space<vmem>>, vector<16xi32>,
      %add3A_572 = arith.constant 1 : i32
      %add3A_573 = arith.addi %add3A_44, %add3A_572 : i32
      %broadcast_in_dim3A_574 = vector.broadcast %add3A_573 : i32 to vector<16xi32>
      %gather3A_575 = tpu.vector_load_idx %arg5[%broadcast_in_dim3A_574] : memref<512xi32, #tpu.memory_space<vmem>>[vector<16xi32>], vector<16xi32>,
      %add3A_576 = arith.constant 0 : i32
      %add3A_577 = vector.broadcast %add3A_576 : i32 to vector<16xi32>
      %add3A_578 = arith.addi %mul3A_35, %add3A_577 : vector<16xi32>
      %gather3A_579 = tpu.vector_load_idx %arg5[%add3A_578] : memref<512xi32, #tpu.memory_space<vmem>>[vector<16xi32>], vector<16xi32>,
      %add3A_580 = arith.constant 1 : i32
      %add3A_581 = vector.broadcast %add3A_580 : i32 to vector<16xi32>
      %add3A_582 = arith.addi %mul3A_35, %add3A_581 : vector<16xi32>
      %gather3A_583 = tpu.vector_load_idx %arg5[%add3A_582] : memref<512xi32, #tpu.memory_space<vmem>>[vector<16xi32>], vector<16xi32>,
      %sub3A_584 = arith.subi %gather3A_575, %gather3A_579 : vector<16xi32>
      %jit3A_585 = arith.constant -32 : i32
      %jit3A_586 = arith.constant 32 : i32
      %max3A_587 = vector.broadcast %jit3A_585 : i32 to vector<16xi32>
      %max3A_588 = arith.maxsi %max3A_587, %sub3A_584 : vector<16xi32>
      %min3A_589 = vector.broadcast %jit3A_586 : i32 to vector<16xi32>
      %min3A_590 = arith.minsi %min3A_589, %max3A_588 : vector<16xi32>
      %sub3A_591 = arith.subi %gather3A_575, %gather3A_583 : vector<16xi32>
      %jit3A_592 = arith.constant -32 : i32
      %jit3A_593 = arith.constant 32 : i32
      %max3A_594 = vector.broadcast %jit3A_592 : i32 to vector<16xi32>
      %max3A_595 = arith.maxsi %max3A_594, %sub3A_591 : vector<16xi32>
      %min3A_596 = vector.broadcast %jit3A_593 : i32 to vector<16xi32>
      %min3A_597 = arith.minsi %min3A_596, %max3A_595 : vector<16xi32>
      %mul3A_598 = arith.constant 65 : i32
      %mul3A_599 = vector.broadcast %mul3A_598 : i32 to vector<16xi32>
      %mul3A_600 = arith.muli %min3A_590, %mul3A_599 : vector<16xi32>
      %add3A_601 = arith.addi %mul3A_600, %min3A_597 : vector<16xi32>
      %add3A_602 = arith.constant 2112 : i32
      %add3A_603 = vector.broadcast %add3A_602 : i32 to vector<16xi32>
      %add3A_604 = arith.addi %add3A_601, %add3A_603 : vector<16xi32>
      %swap3A_605 = arith.constant 2 : i32
      %swap3A_606 = arith.index_cast %swap3A_605 : i32 to index
      %swap3A_607 = arith.constant 0 : index
      %swap3A_608 = tpu.vector_load %arg6[%swap3A_606, %swap3A_607] {strides = array<i32>} : memref<8x128xi32, #tpu.memory_space<vmem>>, vector<16xi32>,
      tpu.vector_store %arg6[%swap3A_606, %swap3A_607], %add3A_604 {strides = array<i32>} : memref<8x128xi32, #tpu.memory_space<vmem>>, vector<16xi32>,
      %add3A_609 = arith.constant 32 : i32
      %add3A_610 = vector.broadcast %add3A_609 : i32 to vector<16xi32>
      %add3A_611 = arith.addi %mul3A_35, %add3A_610 : vector<16xi32>
      %gather3A_612 = tpu.vector_load_idx %arg5[%add3A_611] : memref<512xi32, #tpu.memory_space<vmem>>[vector<16xi32>], vector<16xi32>,
      %add3A_613 = arith.constant 33 : i32
      %add3A_614 = vector.broadcast %add3A_613 : i32 to vector<16xi32>
      %add3A_615 = arith.addi %mul3A_35, %add3A_614 : vector<16xi32>
      %gather3A_616 = tpu.vector_load_idx %arg5[%add3A_615] : memref<512xi32, #tpu.memory_space<vmem>>[vector<16xi32>], vector<16xi32>,
      %sub3A_617 = arith.subi %gather3A_575, %gather3A_612 : vector<16xi32>
      %jit3A_618 = arith.constant -32 : i32
      %jit3A_619 = arith.constant 32 : i32
      %max3A_620 = vector.broadcast %jit3A_618 : i32 to vector<16xi32>
      %max3A_621 = arith.maxsi %max3A_620, %sub3A_617 : vector<16xi32>
      %min3A_622 = vector.broadcast %jit3A_619 : i32 to vector<16xi32>
      %min3A_623 = arith.minsi %min3A_622, %max3A_621 : vector<16xi32>
      %sub3A_624 = arith.subi %gather3A_575, %gather3A_616 : vector<16xi32>
      %jit3A_625 = arith.constant -32 : i32
      %jit3A_626 = arith.constant 32 : i32
      %max3A_627 = vector.broadcast %jit3A_625 : i32 to vector<16xi32>
      %max3A_628 = arith.maxsi %max3A_627, %sub3A_624 : vector<16xi32>
      %min3A_629 = vector.broadcast %jit3A_626 : i32 to vector<16xi32>
      %min3A_630 = arith.minsi %min3A_629, %max3A_628 : vector<16xi32>
      %mul3A_631 = arith.constant 65 : i32
      %mul3A_632 = vector.broadcast %mul3A_631 : i32 to vector<16xi32>
      %mul3A_633 = arith.muli %min3A_623, %mul3A_632 : vector<16xi32>
      %add3A_634 = arith.addi %mul3A_633, %min3A_630 : vector<16xi32>
      %add3A_635 = arith.constant 2112 : i32
      %add3A_636 = vector.broadcast %add3A_635 : i32 to vector<16xi32>
      %add3A_637 = arith.addi %add3A_634, %add3A_636 : vector<16xi32>
      %swap3A_638 = arith.constant 2 : i32
      %swap3A_639 = arith.index_cast %swap3A_638 : i32 to index
      %swap3A_640 = arith.constant 16 : index
      %swap3A_641 = tpu.vector_load %arg6[%swap3A_639, %swap3A_640] {strides = array<i32>} : memref<8x128xi32, #tpu.memory_space<vmem>>, vector<16xi32>,
      tpu.vector_store %arg6[%swap3A_639, %swap3A_640], %add3A_637 {strides = array<i32>} : memref<8x128xi32, #tpu.memory_space<vmem>>, vector<16xi32>,
      %add3A_642 = arith.constant 64 : i32
      %add3A_643 = vector.broadcast %add3A_642 : i32 to vector<16xi32>
      %add3A_644 = arith.addi %mul3A_35, %add3A_643 : vector<16xi32>
      %gather3A_645 = tpu.vector_load_idx %arg5[%add3A_644] : memref<512xi32, #tpu.memory_space<vmem>>[vector<16xi32>], vector<16xi32>,
      %add3A_646 = arith.constant 65 : i32
      %add3A_647 = vector.broadcast %add3A_646 : i32 to vector<16xi32>
      %add3A_648 = arith.addi %mul3A_35, %add3A_647 : vector<16xi32>
      %gather3A_649 = tpu.vector_load_idx %arg5[%add3A_648] : memref<512xi32, #tpu.memory_space<vmem>>[vector<16xi32>], vector<16xi32>,
      %sub3A_650 = arith.subi %gather3A_575, %gather3A_645 : vector<16xi32>
      %jit3A_651 = arith.constant -32 : i32
      %jit3A_652 = arith.constant 32 : i32
      %max3A_653 = vector.broadcast %jit3A_651 : i32 to vector<16xi32>
      %max3A_654 = arith.maxsi %max3A_653, %sub3A_650 : vector<16xi32>
      %min3A_655 = vector.broadcast %jit3A_652 : i32 to vector<16xi32>
      %min3A_656 = arith.minsi %min3A_655, %max3A_654 : vector<16xi32>
      %sub3A_657 = arith.subi %gather3A_575, %gather3A_649 : vector<16xi32>
      %jit3A_658 = arith.constant -32 : i32
      %jit3A_659 = arith.constant 32 : i32
      %max3A_660 = vector.broadcast %jit3A_658 : i32 to vector<16xi32>
      %max3A_661 = arith.maxsi %max3A_660, %sub3A_657 : vector<16xi32>
      %min3A_662 = vector.broadcast %jit3A_659 : i32 to vector<16xi32>
      %min3A_663 = arith.minsi %min3A_662, %max3A_661 : vector<16xi32>
      %mul3A_664 = arith.constant 65 : i32
      %mul3A_665 = vector.broadcast %mul3A_664 : i32 to vector<16xi32>
      %mul3A_666 = arith.muli %min3A_656, %mul3A_665 : vector<16xi32>
      %add3A_667 = arith.addi %mul3A_666, %min3A_663 : vector<16xi32>
      %add3A_668 = arith.constant 2112 : i32
      %add3A_669 = vector.broadcast %add3A_668 : i32 to vector<16xi32>
      %add3A_670 = arith.addi %add3A_667, %add3A_669 : vector<16xi32>
      %swap3A_671 = arith.constant 2 : i32
      %swap3A_672 = arith.index_cast %swap3A_671 : i32 to index
      %swap3A_673 = arith.constant 32 : index
      %swap3A_674 = tpu.vector_load %arg6[%swap3A_672, %swap3A_673] {strides = array<i32>} : memref<8x128xi32, #tpu.memory_space<vmem>>, vector<16xi32>,
      tpu.vector_store %arg6[%swap3A_672, %swap3A_673], %add3A_670 {strides = array<i32>} : memref<8x128xi32, #tpu.memory_space<vmem>>, vector<16xi32>,
      %add3A_675 = arith.constant 96 : i32
      %add3A_676 = vector.broadcast %add3A_675 : i32 to vector<16xi32>
      %add3A_677 = arith.addi %mul3A_35, %add3A_676 : vector<16xi32>
      %gather3A_678 = tpu.vector_load_idx %arg5[%add3A_677] : memref<512xi32, #tpu.memory_space<vmem>>[vector<16xi32>], vector<16xi32>,
      %add3A_679 = arith.constant 97 : i32
      %add3A_680 = vector.broadcast %add3A_679 : i32 to vector<16xi32>
      %add3A_681 = arith.addi %mul3A_35, %add3A_680 : vector<16xi32>
      %gather3A_682 = tpu.vector_load_idx %arg5[%add3A_681] : memref<512xi32, #tpu.memory_space<vmem>>[vector<16xi32>], vector<16xi32>,
      %sub3A_683 = arith.subi %gather3A_575, %gather3A_678 : vector<16xi32>
      %jit3A_684 = arith.constant -32 : i32
      %jit3A_685 = arith.constant 32 : i32
      %max3A_686 = vector.broadcast %jit3A_684 : i32 to vector<16xi32>
      %max3A_687 = arith.maxsi %max3A_686, %sub3A_683 : vector<16xi32>
      %min3A_688 = vector.broadcast %jit3A_685 : i32 to vector<16xi32>
      %min3A_689 = arith.minsi %min3A_688, %max3A_687 : vector<16xi32>
      %sub3A_690 = arith.subi %gather3A_575, %gather3A_682 : vector<16xi32>
      %jit3A_691 = arith.constant -32 : i32
      %jit3A_692 = arith.constant 32 : i32
      %max3A_693 = vector.broadcast %jit3A_691 : i32 to vector<16xi32>
      %max3A_694 = arith.maxsi %max3A_693, %sub3A_690 : vector<16xi32>
      %min3A_695 = vector.broadcast %jit3A_692 : i32 to vector<16xi32>
      %min3A_696 = arith.minsi %min3A_695, %max3A_694 : vector<16xi32>
      %mul3A_697 = arith.constant 65 : i32
      %mul3A_698 = vector.broadcast %mul3A_697 : i32 to vector<16xi32>
      %mul3A_699 = arith.muli %min3A_689, %mul3A_698 : vector<16xi32>
      %add3A_700 = arith.addi %mul3A_699, %min3A_696 : vector<16xi32>
      %add3A_701 = arith.constant 2112 : i32
      %add3A_702 = vector.broadcast %add3A_701 : i32 to vector<16xi32>
      %add3A_703 = arith.addi %add3A_700, %add3A_702 : vector<16xi32>
      %swap3A_704 = arith.constant 2 : i32
      %swap3A_705 = arith.index_cast %swap3A_704 : i32 to index
      %swap3A_706 = arith.constant 48 : index
      %swap3A_707 = tpu.vector_load %arg6[%swap3A_705, %swap3A_706] {strides = array<i32>} : memref<8x128xi32, #tpu.memory_space<vmem>>, vector<16xi32>,
      tpu.vector_store %arg6[%swap3A_705, %swap3A_706], %add3A_703 {strides = array<i32>} : memref<8x128xi32, #tpu.memory_space<vmem>>, vector<16xi32>,
      %add3A_708 = arith.constant 128 : i32
      %add3A_709 = vector.broadcast %add3A_708 : i32 to vector<16xi32>
      %add3A_710 = arith.addi %mul3A_35, %add3A_709 : vector<16xi32>
      %gather3A_711 = tpu.vector_load_idx %arg5[%add3A_710] : memref<512xi32, #tpu.memory_space<vmem>>[vector<16xi32>], vector<16xi32>,
      %add3A_712 = arith.constant 129 : i32
      %add3A_713 = vector.broadcast %add3A_712 : i32 to vector<16xi32>
      %add3A_714 = arith.addi %mul3A_35, %add3A_713 : vector<16xi32>
      %gather3A_715 = tpu.vector_load_idx %arg5[%add3A_714] : memref<512xi32, #tpu.memory_space<vmem>>[vector<16xi32>], vector<16xi32>,
      %sub3A_716 = arith.subi %gather3A_575, %gather3A_711 : vector<16xi32>
      %jit3A_717 = arith.constant -32 : i32
      %jit3A_718 = arith.constant 32 : i32
      %max3A_719 = vector.broadcast %jit3A_717 : i32 to vector<16xi32>
      %max3A_720 = arith.maxsi %max3A_719, %sub3A_716 : vector<16xi32>
      %min3A_721 = vector.broadcast %jit3A_718 : i32 to vector<16xi32>
      %min3A_722 = arith.minsi %min3A_721, %max3A_720 : vector<16xi32>
      %sub3A_723 = arith.subi %gather3A_575, %gather3A_715 : vector<16xi32>
      %jit3A_724 = arith.constant -32 : i32
      %jit3A_725 = arith.constant 32 : i32
      %max3A_726 = vector.broadcast %jit3A_724 : i32 to vector<16xi32>
      %max3A_727 = arith.maxsi %max3A_726, %sub3A_723 : vector<16xi32>
      %min3A_728 = vector.broadcast %jit3A_725 : i32 to vector<16xi32>
      %min3A_729 = arith.minsi %min3A_728, %max3A_727 : vector<16xi32>
      %mul3A_730 = arith.constant 65 : i32
      %mul3A_731 = vector.broadcast %mul3A_730 : i32 to vector<16xi32>
      %mul3A_732 = arith.muli %min3A_722, %mul3A_731 : vector<16xi32>
      %add3A_733 = arith.addi %mul3A_732, %min3A_729 : vector<16xi32>
      %add3A_734 = arith.constant 2112 : i32
      %add3A_735 = vector.broadcast %add3A_734 : i32 to vector<16xi32>
      %add3A_736 = arith.addi %add3A_733, %add3A_735 : vector<16xi32>
      %swap3A_737 = arith.constant 2 : i32
      %swap3A_738 = arith.index_cast %swap3A_737 : i32 to index
      %swap3A_739 = arith.constant 64 : index
      %swap3A_740 = tpu.vector_load %arg6[%swap3A_738, %swap3A_739] {strides = array<i32>} : memref<8x128xi32, #tpu.memory_space<vmem>>, vector<16xi32>,
      tpu.vector_store %arg6[%swap3A_738, %swap3A_739], %add3A_736 {strides = array<i32>} : memref<8x128xi32, #tpu.memory_space<vmem>>, vector<16xi32>,
      %add3A_741 = arith.constant 160 : i32
      %add3A_742 = vector.broadcast %add3A_741 : i32 to vector<16xi32>
      %add3A_743 = arith.addi %mul3A_35, %add3A_742 : vector<16xi32>
      %gather3A_744 = tpu.vector_load_idx %arg5[%add3A_743] : memref<512xi32, #tpu.memory_space<vmem>>[vector<16xi32>], vector<16xi32>,
      %add3A_745 = arith.constant 161 : i32
      %add3A_746 = vector.broadcast %add3A_745 : i32 to vector<16xi32>
      %add3A_747 = arith.addi %mul3A_35, %add3A_746 : vector<16xi32>
      %gather3A_748 = tpu.vector_load_idx %arg5[%add3A_747] : memref<512xi32, #tpu.memory_space<vmem>>[vector<16xi32>], vector<16xi32>,
      %sub3A_749 = arith.subi %gather3A_575, %gather3A_744 : vector<16xi32>
      %jit3A_750 = arith.constant -32 : i32
      %jit3A_751 = arith.constant 32 : i32
      %max3A_752 = vector.broadcast %jit3A_750 : i32 to vector<16xi32>
      %max3A_753 = arith.maxsi %max3A_752, %sub3A_749 : vector<16xi32>
      %min3A_754 = vector.broadcast %jit3A_751 : i32 to vector<16xi32>
      %min3A_755 = arith.minsi %min3A_754, %max3A_753 : vector<16xi32>
      %sub3A_756 = arith.subi %gather3A_575, %gather3A_748 : vector<16xi32>
      %jit3A_757 = arith.constant -32 : i32
      %jit3A_758 = arith.constant 32 : i32
      %max3A_759 = vector.broadcast %jit3A_757 : i32 to vector<16xi32>
      %max3A_760 = arith.maxsi %max3A_759, %sub3A_756 : vector<16xi32>
      %min3A_761 = vector.broadcast %jit3A_758 : i32 to vector<16xi32>
      %min3A_762 = arith.minsi %min3A_761, %max3A_760 : vector<16xi32>
      %mul3A_763 = arith.constant 65 : i32
      %mul3A_764 = vector.broadcast %mul3A_763 : i32 to vector<16xi32>
      %mul3A_765 = arith.muli %min3A_755, %mul3A_764 : vector<16xi32>
      %add3A_766 = arith.addi %mul3A_765, %min3A_762 : vector<16xi32>
      %add3A_767 = arith.constant 2112 : i32
      %add3A_768 = vector.broadcast %add3A_767 : i32 to vector<16xi32>
      %add3A_769 = arith.addi %add3A_766, %add3A_768 : vector<16xi32>
      %swap3A_770 = arith.constant 2 : i32
      %swap3A_771 = arith.index_cast %swap3A_770 : i32 to index
      %swap3A_772 = arith.constant 80 : index
      %swap3A_773 = tpu.vector_load %arg6[%swap3A_771, %swap3A_772] {strides = array<i32>} : memref<8x128xi32, #tpu.memory_space<vmem>>, vector<16xi32>,
      tpu.vector_store %arg6[%swap3A_771, %swap3A_772], %add3A_769 {strides = array<i32>} : memref<8x128xi32, #tpu.memory_space<vmem>>, vector<16xi32>,
      %add3A_774 = arith.constant 192 : i32
      %add3A_775 = vector.broadcast %add3A_774 : i32 to vector<16xi32>
      %add3A_776 = arith.addi %mul3A_35, %add3A_775 : vector<16xi32>
      %gather3A_777 = tpu.vector_load_idx %arg5[%add3A_776] : memref<512xi32, #tpu.memory_space<vmem>>[vector<16xi32>], vector<16xi32>,
      %add3A_778 = arith.constant 193 : i32
      %add3A_779 = vector.broadcast %add3A_778 : i32 to vector<16xi32>
      %add3A_780 = arith.addi %mul3A_35, %add3A_779 : vector<16xi32>
      %gather3A_781 = tpu.vector_load_idx %arg5[%add3A_780] : memref<512xi32, #tpu.memory_space<vmem>>[vector<16xi32>], vector<16xi32>,
      %sub3A_782 = arith.subi %gather3A_575, %gather3A_777 : vector<16xi32>
      %jit3A_783 = arith.constant -32 : i32
      %jit3A_784 = arith.constant 32 : i32
      %max3A_785 = vector.broadcast %jit3A_783 : i32 to vector<16xi32>
      %max3A_786 = arith.maxsi %max3A_785, %sub3A_782 : vector<16xi32>
      %min3A_787 = vector.broadcast %jit3A_784 : i32 to vector<16xi32>
      %min3A_788 = arith.minsi %min3A_787, %max3A_786 : vector<16xi32>
      %sub3A_789 = arith.subi %gather3A_575, %gather3A_781 : vector<16xi32>
      %jit3A_790 = arith.constant -32 : i32
      %jit3A_791 = arith.constant 32 : i32
      %max3A_792 = vector.broadcast %jit3A_790 : i32 to vector<16xi32>
      %max3A_793 = arith.maxsi %max3A_792, %sub3A_789 : vector<16xi32>
      %min3A_794 = vector.broadcast %jit3A_791 : i32 to vector<16xi32>
      %min3A_795 = arith.minsi %min3A_794, %max3A_793 : vector<16xi32>
      %mul3A_796 = arith.constant 65 : i32
      %mul3A_797 = vector.broadcast %mul3A_796 : i32 to vector<16xi32>
      %mul3A_798 = arith.muli %min3A_788, %mul3A_797 : vector<16xi32>
      %add3A_799 = arith.addi %mul3A_798, %min3A_795 : vector<16xi32>
      %add3A_800 = arith.constant 2112 : i32
      %add3A_801 = vector.broadcast %add3A_800 : i32 to vector<16xi32>
      %add3A_802 = arith.addi %add3A_799, %add3A_801 : vector<16xi32>
      %swap3A_803 = arith.constant 2 : i32
      %swap3A_804 = arith.index_cast %swap3A_803 : i32 to index
      %swap3A_805 = arith.constant 96 : index
      %swap3A_806 = tpu.vector_load %arg6[%swap3A_804, %swap3A_805] {strides = array<i32>} : memref<8x128xi32, #tpu.memory_space<vmem>>, vector<16xi32>,
      tpu.vector_store %arg6[%swap3A_804, %swap3A_805], %add3A_802 {strides = array<i32>} : memref<8x128xi32, #tpu.memory_space<vmem>>, vector<16xi32>,
      %add3A_807 = arith.constant 224 : i32
      %add3A_808 = vector.broadcast %add3A_807 : i32 to vector<16xi32>
      %add3A_809 = arith.addi %mul3A_35, %add3A_808 : vector<16xi32>
      %gather3A_810 = tpu.vector_load_idx %arg5[%add3A_809] : memref<512xi32, #tpu.memory_space<vmem>>[vector<16xi32>], vector<16xi32>,
      %add3A_811 = arith.constant 225 : i32
      %add3A_812 = vector.broadcast %add3A_811 : i32 to vector<16xi32>
      %add3A_813 = arith.addi %mul3A_35, %add3A_812 : vector<16xi32>
      %gather3A_814 = tpu.vector_load_idx %arg5[%add3A_813] : memref<512xi32, #tpu.memory_space<vmem>>[vector<16xi32>], vector<16xi32>,
      %sub3A_815 = arith.subi %gather3A_575, %gather3A_810 : vector<16xi32>
      %jit3A_816 = arith.constant -32 : i32
      %jit3A_817 = arith.constant 32 : i32
      %max3A_818 = vector.broadcast %jit3A_816 : i32 to vector<16xi32>
      %max3A_819 = arith.maxsi %max3A_818, %sub3A_815 : vector<16xi32>
      %min3A_820 = vector.broadcast %jit3A_817 : i32 to vector<16xi32>
      %min3A_821 = arith.minsi %min3A_820, %max3A_819 : vector<16xi32>
      %sub3A_822 = arith.subi %gather3A_575, %gather3A_814 : vector<16xi32>
      %jit3A_823 = arith.constant -32 : i32
      %jit3A_824 = arith.constant 32 : i32
      %max3A_825 = vector.broadcast %jit3A_823 : i32 to vector<16xi32>
      %max3A_826 = arith.maxsi %max3A_825, %sub3A_822 : vector<16xi32>
      %min3A_827 = vector.broadcast %jit3A_824 : i32 to vector<16xi32>
      %min3A_828 = arith.minsi %min3A_827, %max3A_826 : vector<16xi32>
      %mul3A_829 = arith.constant 65 : i32
      %mul3A_830 = vector.broadcast %mul3A_829 : i32 to vector<16xi32>
      %mul3A_831 = arith.muli %min3A_821, %mul3A_830 : vector<16xi32>
      %add3A_832 = arith.addi %mul3A_831, %min3A_828 : vector<16xi32>
      %add3A_833 = arith.constant 2112 : i32
      %add3A_834 = vector.broadcast %add3A_833 : i32 to vector<16xi32>
      %add3A_835 = arith.addi %add3A_832, %add3A_834 : vector<16xi32>
      %swap3A_836 = arith.constant 2 : i32
      %swap3A_837 = arith.index_cast %swap3A_836 : i32 to index
      %swap3A_838 = arith.constant 112 : index
      %swap3A_839 = tpu.vector_load %arg6[%swap3A_837, %swap3A_838] {strides = array<i32>} : memref<8x128xi32, #tpu.memory_space<vmem>>, vector<16xi32>,
      tpu.vector_store %arg6[%swap3A_837, %swap3A_838], %add3A_835 {strides = array<i32>} : memref<8x128xi32, #tpu.memory_space<vmem>>, vector<16xi32>,
      %add3A_840 = arith.constant 256 : i32
      %add3A_841 = vector.broadcast %add3A_840 : i32 to vector<16xi32>
      %add3A_842 = arith.addi %mul3A_35, %add3A_841 : vector<16xi32>
      %gather3A_843 = tpu.vector_load_idx %arg5[%add3A_842] : memref<512xi32, #tpu.memory_space<vmem>>[vector<16xi32>], vector<16xi32>,
      %add3A_844 = arith.constant 257 : i32
      %add3A_845 = vector.broadcast %add3A_844 : i32 to vector<16xi32>
      %add3A_846 = arith.addi %mul3A_35, %add3A_845 : vector<16xi32>
      %gather3A_847 = tpu.vector_load_idx %arg5[%add3A_846] : memref<512xi32, #tpu.memory_space<vmem>>[vector<16xi32>], vector<16xi32>,
      %sub3A_848 = arith.subi %gather3A_575, %gather3A_843 : vector<16xi32>
      %jit3A_849 = arith.constant -32 : i32
      %jit3A_850 = arith.constant 32 : i32
      %max3A_851 = vector.broadcast %jit3A_849 : i32 to vector<16xi32>
      %max3A_852 = arith.maxsi %max3A_851, %sub3A_848 : vector<16xi32>
      %min3A_853 = vector.broadcast %jit3A_850 : i32 to vector<16xi32>
      %min3A_854 = arith.minsi %min3A_853, %max3A_852 : vector<16xi32>
      %sub3A_855 = arith.subi %gather3A_575, %gather3A_847 : vector<16xi32>
      %jit3A_856 = arith.constant -32 : i32
      %jit3A_857 = arith.constant 32 : i32
      %max3A_858 = vector.broadcast %jit3A_856 : i32 to vector<16xi32>
      %max3A_859 = arith.maxsi %max3A_858, %sub3A_855 : vector<16xi32>
      %min3A_860 = vector.broadcast %jit3A_857 : i32 to vector<16xi32>
      %min3A_861 = arith.minsi %min3A_860, %max3A_859 : vector<16xi32>
      %mul3A_862 = arith.constant 65 : i32
      %mul3A_863 = vector.broadcast %mul3A_862 : i32 to vector<16xi32>
      %mul3A_864 = arith.muli %min3A_854, %mul3A_863 : vector<16xi32>
      %add3A_865 = arith.addi %mul3A_864, %min3A_861 : vector<16xi32>
      %add3A_866 = arith.constant 2112 : i32
      %add3A_867 = vector.broadcast %add3A_866 : i32 to vector<16xi32>
      %add3A_868 = arith.addi %add3A_865, %add3A_867 : vector<16xi32>
      %swap3A_869 = arith.constant 3 : i32
      %swap3A_870 = arith.index_cast %swap3A_869 : i32 to index
      %swap3A_871 = arith.constant 0 : index
      %swap3A_872 = tpu.vector_load %arg6[%swap3A_870, %swap3A_871] {strides = array<i32>} : memref<8x128xi32, #tpu.memory_space<vmem>>, vector<16xi32>,
      tpu.vector_store %arg6[%swap3A_870, %swap3A_871], %add3A_868 {strides = array<i32>} : memref<8x128xi32, #tpu.memory_space<vmem>>, vector<16xi32>,
      %add3A_873 = arith.constant 288 : i32
      %add3A_874 = vector.broadcast %add3A_873 : i32 to vector<16xi32>
      %add3A_875 = arith.addi %mul3A_35, %add3A_874 : vector<16xi32>
      %gather3A_876 = tpu.vector_load_idx %arg5[%add3A_875] : memref<512xi32, #tpu.memory_space<vmem>>[vector<16xi32>], vector<16xi32>,
      %add3A_877 = arith.constant 289 : i32
      %add3A_878 = vector.broadcast %add3A_877 : i32 to vector<16xi32>
      %add3A_879 = arith.addi %mul3A_35, %add3A_878 : vector<16xi32>
      %gather3A_880 = tpu.vector_load_idx %arg5[%add3A_879] : memref<512xi32, #tpu.memory_space<vmem>>[vector<16xi32>], vector<16xi32>,
      %sub3A_881 = arith.subi %gather3A_575, %gather3A_876 : vector<16xi32>
      %jit3A_882 = arith.constant -32 : i32
      %jit3A_883 = arith.constant 32 : i32
      %max3A_884 = vector.broadcast %jit3A_882 : i32 to vector<16xi32>
      %max3A_885 = arith.maxsi %max3A_884, %sub3A_881 : vector<16xi32>
      %min3A_886 = vector.broadcast %jit3A_883 : i32 to vector<16xi32>
      %min3A_887 = arith.minsi %min3A_886, %max3A_885 : vector<16xi32>
      %sub3A_888 = arith.subi %gather3A_575, %gather3A_880 : vector<16xi32>
      %jit3A_889 = arith.constant -32 : i32
      %jit3A_890 = arith.constant 32 : i32
      %max3A_891 = vector.broadcast %jit3A_889 : i32 to vector<16xi32>
      %max3A_892 = arith.maxsi %max3A_891, %sub3A_888 : vector<16xi32>
      %min3A_893 = vector.broadcast %jit3A_890 : i32 to vector<16xi32>
      %min3A_894 = arith.minsi %min3A_893, %max3A_892 : vector<16xi32>
      %mul3A_895 = arith.constant 65 : i32
      %mul3A_896 = vector.broadcast %mul3A_895 : i32 to vector<16xi32>
      %mul3A_897 = arith.muli %min3A_887, %mul3A_896 : vector<16xi32>
      %add3A_898 = arith.addi %mul3A_897, %min3A_894 : vector<16xi32>
      %add3A_899 = arith.constant 2112 : i32
      %add3A_900 = vector.broadcast %add3A_899 : i32 to vector<16xi32>
      %add3A_901 = arith.addi %add3A_898, %add3A_900 : vector<16xi32>
      %swap3A_902 = arith.constant 3 : i32
      %swap3A_903 = arith.index_cast %swap3A_902 : i32 to index
      %swap3A_904 = arith.constant 16 : index
      %swap3A_905 = tpu.vector_load %arg6[%swap3A_903, %swap3A_904] {strides = array<i32>} : memref<8x128xi32, #tpu.memory_space<vmem>>, vector<16xi32>,
      tpu.vector_store %arg6[%swap3A_903, %swap3A_904], %add3A_901 {strides = array<i32>} : memref<8x128xi32, #tpu.memory_space<vmem>>, vector<16xi32>,
      %add3A_906 = arith.constant 320 : i32
      %add3A_907 = vector.broadcast %add3A_906 : i32 to vector<16xi32>
      %add3A_908 = arith.addi %mul3A_35, %add3A_907 : vector<16xi32>
      %gather3A_909 = tpu.vector_load_idx %arg5[%add3A_908] : memref<512xi32, #tpu.memory_space<vmem>>[vector<16xi32>], vector<16xi32>,
      %add3A_910 = arith.constant 321 : i32
      %add3A_911 = vector.broadcast %add3A_910 : i32 to vector<16xi32>
      %add3A_912 = arith.addi %mul3A_35, %add3A_911 : vector<16xi32>
      %gather3A_913 = tpu.vector_load_idx %arg5[%add3A_912] : memref<512xi32, #tpu.memory_space<vmem>>[vector<16xi32>], vector<16xi32>,
      %sub3A_914 = arith.subi %gather3A_575, %gather3A_909 : vector<16xi32>
      %jit3A_915 = arith.constant -32 : i32
      %jit3A_916 = arith.constant 32 : i32
      %max3A_917 = vector.broadcast %jit3A_915 : i32 to vector<16xi32>
      %max3A_918 = arith.maxsi %max3A_917, %sub3A_914 : vector<16xi32>
      %min3A_919 = vector.broadcast %jit3A_916 : i32 to vector<16xi32>
      %min3A_920 = arith.minsi %min3A_919, %max3A_918 : vector<16xi32>
      %sub3A_921 = arith.subi %gather3A_575, %gather3A_913 : vector<16xi32>
      %jit3A_922 = arith.constant -32 : i32
      %jit3A_923 = arith.constant 32 : i32
      %max3A_924 = vector.broadcast %jit3A_922 : i32 to vector<16xi32>
      %max3A_925 = arith.maxsi %max3A_924, %sub3A_921 : vector<16xi32>
      %min3A_926 = vector.broadcast %jit3A_923 : i32 to vector<16xi32>
      %min3A_927 = arith.minsi %min3A_926, %max3A_925 : vector<16xi32>
      %mul3A_928 = arith.constant 65 : i32
      %mul3A_929 = vector.broadcast %mul3A_928 : i32 to vector<16xi32>
      %mul3A_930 = arith.muli %min3A_920, %mul3A_929 : vector<16xi32>
      %add3A_931 = arith.addi %mul3A_930, %min3A_927 : vector<16xi32>
      %add3A_932 = arith.constant 2112 : i32
      %add3A_933 = vector.broadcast %add3A_932 : i32 to vector<16xi32>
      %add3A_934 = arith.addi %add3A_931, %add3A_933 : vector<16xi32>
      %swap3A_935 = arith.constant 3 : i32
      %swap3A_936 = arith.index_cast %swap3A_935 : i32 to index
      %swap3A_937 = arith.constant 32 : index
      %swap3A_938 = tpu.vector_load %arg6[%swap3A_936, %swap3A_937] {strides = array<i32>} : memref<8x128xi32, #tpu.memory_space<vmem>>, vector<16xi32>,
      tpu.vector_store %arg6[%swap3A_936, %swap3A_937], %add3A_934 {strides = array<i32>} : memref<8x128xi32, #tpu.memory_space<vmem>>, vector<16xi32>,
      %add3A_939 = arith.constant 352 : i32
      %add3A_940 = vector.broadcast %add3A_939 : i32 to vector<16xi32>
      %add3A_941 = arith.addi %mul3A_35, %add3A_940 : vector<16xi32>
      %gather3A_942 = tpu.vector_load_idx %arg5[%add3A_941] : memref<512xi32, #tpu.memory_space<vmem>>[vector<16xi32>], vector<16xi32>,
      %add3A_943 = arith.constant 353 : i32
      %add3A_944 = vector.broadcast %add3A_943 : i32 to vector<16xi32>
      %add3A_945 = arith.addi %mul3A_35, %add3A_944 : vector<16xi32>
      %gather3A_946 = tpu.vector_load_idx %arg5[%add3A_945] : memref<512xi32, #tpu.memory_space<vmem>>[vector<16xi32>], vector<16xi32>,
      %sub3A_947 = arith.subi %gather3A_575, %gather3A_942 : vector<16xi32>
      %jit3A_948 = arith.constant -32 : i32
      %jit3A_949 = arith.constant 32 : i32
      %max3A_950 = vector.broadcast %jit3A_948 : i32 to vector<16xi32>
      %max3A_951 = arith.maxsi %max3A_950, %sub3A_947 : vector<16xi32>
      %min3A_952 = vector.broadcast %jit3A_949 : i32 to vector<16xi32>
      %min3A_953 = arith.minsi %min3A_952, %max3A_951 : vector<16xi32>
      %sub3A_954 = arith.subi %gather3A_575, %gather3A_946 : vector<16xi32>
      %jit3A_955 = arith.constant -32 : i32
      %jit3A_956 = arith.constant 32 : i32
      %max3A_957 = vector.broadcast %jit3A_955 : i32 to vector<16xi32>
      %max3A_958 = arith.maxsi %max3A_957, %sub3A_954 : vector<16xi32>
      %min3A_959 = vector.broadcast %jit3A_956 : i32 to vector<16xi32>
      %min3A_960 = arith.minsi %min3A_959, %max3A_958 : vector<16xi32>
      %mul3A_961 = arith.constant 65 : i32
      %mul3A_962 = vector.broadcast %mul3A_961 : i32 to vector<16xi32>
      %mul3A_963 = arith.muli %min3A_953, %mul3A_962 : vector<16xi32>
      %add3A_964 = arith.addi %mul3A_963, %min3A_960 : vector<16xi32>
      %add3A_965 = arith.constant 2112 : i32
      %add3A_966 = vector.broadcast %add3A_965 : i32 to vector<16xi32>
      %add3A_967 = arith.addi %add3A_964, %add3A_966 : vector<16xi32>
      %swap3A_968 = arith.constant 3 : i32
      %swap3A_969 = arith.index_cast %swap3A_968 : i32 to index
      %swap3A_970 = arith.constant 48 : index
      %swap3A_971 = tpu.vector_load %arg6[%swap3A_969, %swap3A_970] {strides = array<i32>} : memref<8x128xi32, #tpu.memory_space<vmem>>, vector<16xi32>,
      tpu.vector_store %arg6[%swap3A_969, %swap3A_970], %add3A_967 {strides = array<i32>} : memref<8x128xi32, #tpu.memory_space<vmem>>, vector<16xi32>,
      %add3A_972 = arith.constant 384 : i32
      %add3A_973 = vector.broadcast %add3A_972 : i32 to vector<16xi32>
      %add3A_974 = arith.addi %mul3A_35, %add3A_973 : vector<16xi32>
      %gather3A_975 = tpu.vector_load_idx %arg5[%add3A_974] : memref<512xi32, #tpu.memory_space<vmem>>[vector<16xi32>], vector<16xi32>,
      %add3A_976 = arith.constant 385 : i32
      %add3A_977 = vector.broadcast %add3A_976 : i32 to vector<16xi32>
      %add3A_978 = arith.addi %mul3A_35, %add3A_977 : vector<16xi32>
      %gather3A_979 = tpu.vector_load_idx %arg5[%add3A_978] : memref<512xi32, #tpu.memory_space<vmem>>[vector<16xi32>], vector<16xi32>,
      %sub3A_980 = arith.subi %gather3A_575, %gather3A_975 : vector<16xi32>
      %jit3A_981 = arith.constant -32 : i32
      %jit3A_982 = arith.constant 32 : i32
      %max3A_983 = vector.broadcast %jit3A_981 : i32 to vector<16xi32>
      %max3A_984 = arith.maxsi %max3A_983, %sub3A_980 : vector<16xi32>
      %min3A_985 = vector.broadcast %jit3A_982 : i32 to vector<16xi32>
      %min3A_986 = arith.minsi %min3A_985, %max3A_984 : vector<16xi32>
      %sub3A_987 = arith.subi %gather3A_575, %gather3A_979 : vector<16xi32>
      %jit3A_988 = arith.constant -32 : i32
      %jit3A_989 = arith.constant 32 : i32
      %max3A_990 = vector.broadcast %jit3A_988 : i32 to vector<16xi32>
      %max3A_991 = arith.maxsi %max3A_990, %sub3A_987 : vector<16xi32>
      %min3A_992 = vector.broadcast %jit3A_989 : i32 to vector<16xi32>
      %min3A_993 = arith.minsi %min3A_992, %max3A_991 : vector<16xi32>
      %mul3A_994 = arith.constant 65 : i32
      %mul3A_995 = vector.broadcast %mul3A_994 : i32 to vector<16xi32>
      %mul3A_996 = arith.muli %min3A_986, %mul3A_995 : vector<16xi32>
      %add3A_997 = arith.addi %mul3A_996, %min3A_993 : vector<16xi32>
      %add3A_998 = arith.constant 2112 : i32
      %add3A_999 = vector.broadcast %add3A_998 : i32 to vector<16xi32>
      %add3A_1000 = arith.addi %add3A_997, %add3A_999 : vector<16xi32>
      %swap3A_1001 = arith.constant 3 : i32
      %swap3A_1002 = arith.index_cast %swap3A_1001 : i32 to index
      %swap3A_1003 = arith.constant 64 : index
      %swap3A_1004 = tpu.vector_load %arg6[%swap3A_1002, %swap3A_1003] {strides = array<i32>} : memref<8x128xi32, #tpu.memory_space<vmem>>, vector<16xi32>,
      tpu.vector_store %arg6[%swap3A_1002, %swap3A_1003], %add3A_1000 {strides = array<i32>} : memref<8x128xi32, #tpu.memory_space<vmem>>, vector<16xi32>,
      %add3A_1005 = arith.constant 416 : i32
      %add3A_1006 = vector.broadcast %add3A_1005 : i32 to vector<16xi32>
      %add3A_1007 = arith.addi %mul3A_35, %add3A_1006 : vector<16xi32>
      %gather3A_1008 = tpu.vector_load_idx %arg5[%add3A_1007] : memref<512xi32, #tpu.memory_space<vmem>>[vector<16xi32>], vector<16xi32>,
      %add3A_1009 = arith.constant 417 : i32
      %add3A_1010 = vector.broadcast %add3A_1009 : i32 to vector<16xi32>
      %add3A_1011 = arith.addi %mul3A_35, %add3A_1010 : vector<16xi32>
      %gather3A_1012 = tpu.vector_load_idx %arg5[%add3A_1011] : memref<512xi32, #tpu.memory_space<vmem>>[vector<16xi32>], vector<16xi32>,
      %sub3A_1013 = arith.subi %gather3A_575, %gather3A_1008 : vector<16xi32>
      %jit3A_1014 = arith.constant -32 : i32
      %jit3A_1015 = arith.constant 32 : i32
      %max3A_1016 = vector.broadcast %jit3A_1014 : i32 to vector<16xi32>
      %max3A_1017 = arith.maxsi %max3A_1016, %sub3A_1013 : vector<16xi32>
      %min3A_1018 = vector.broadcast %jit3A_1015 : i32 to vector<16xi32>
      %min3A_1019 = arith.minsi %min3A_1018, %max3A_1017 : vector<16xi32>
      %sub3A_1020 = arith.subi %gather3A_575, %gather3A_1012 : vector<16xi32>
      %jit3A_1021 = arith.constant -32 : i32
      %jit3A_1022 = arith.constant 32 : i32
      %max3A_1023 = vector.broadcast %jit3A_1021 : i32 to vector<16xi32>
      %max3A_1024 = arith.maxsi %max3A_1023, %sub3A_1020 : vector<16xi32>
      %min3A_1025 = vector.broadcast %jit3A_1022 : i32 to vector<16xi32>
      %min3A_1026 = arith.minsi %min3A_1025, %max3A_1024 : vector<16xi32>
      %mul3A_1027 = arith.constant 65 : i32
      %mul3A_1028 = vector.broadcast %mul3A_1027 : i32 to vector<16xi32>
      %mul3A_1029 = arith.muli %min3A_1019, %mul3A_1028 : vector<16xi32>
      %add3A_1030 = arith.addi %mul3A_1029, %min3A_1026 : vector<16xi32>
      %add3A_1031 = arith.constant 2112 : i32
      %add3A_1032 = vector.broadcast %add3A_1031 : i32 to vector<16xi32>
      %add3A_1033 = arith.addi %add3A_1030, %add3A_1032 : vector<16xi32>
      %swap3A_1034 = arith.constant 3 : i32
      %swap3A_1035 = arith.index_cast %swap3A_1034 : i32 to index
      %swap3A_1036 = arith.constant 80 : index
      %swap3A_1037 = tpu.vector_load %arg6[%swap3A_1035, %swap3A_1036] {strides = array<i32>} : memref<8x128xi32, #tpu.memory_space<vmem>>, vector<16xi32>,
      tpu.vector_store %arg6[%swap3A_1035, %swap3A_1036], %add3A_1033 {strides = array<i32>} : memref<8x128xi32, #tpu.memory_space<vmem>>, vector<16xi32>,
      %add3A_1038 = arith.constant 448 : i32
      %add3A_1039 = vector.broadcast %add3A_1038 : i32 to vector<16xi32>
      %add3A_1040 = arith.addi %mul3A_35, %add3A_1039 : vector<16xi32>
      %gather3A_1041 = tpu.vector_load_idx %arg5[%add3A_1040] : memref<512xi32, #tpu.memory_space<vmem>>[vector<16xi32>], vector<16xi32>,
      %add3A_1042 = arith.constant 449 : i32
      %add3A_1043 = vector.broadcast %add3A_1042 : i32 to vector<16xi32>
      %add3A_1044 = arith.addi %mul3A_35, %add3A_1043 : vector<16xi32>
      %gather3A_1045 = tpu.vector_load_idx %arg5[%add3A_1044] : memref<512xi32, #tpu.memory_space<vmem>>[vector<16xi32>], vector<16xi32>,
      %sub3A_1046 = arith.subi %gather3A_575, %gather3A_1041 : vector<16xi32>
      %jit3A_1047 = arith.constant -32 : i32
      %jit3A_1048 = arith.constant 32 : i32
      %max3A_1049 = vector.broadcast %jit3A_1047 : i32 to vector<16xi32>
      %max3A_1050 = arith.maxsi %max3A_1049, %sub3A_1046 : vector<16xi32>
      %min3A_1051 = vector.broadcast %jit3A_1048 : i32 to vector<16xi32>
      %min3A_1052 = arith.minsi %min3A_1051, %max3A_1050 : vector<16xi32>
      %sub3A_1053 = arith.subi %gather3A_575, %gather3A_1045 : vector<16xi32>
      %jit3A_1054 = arith.constant -32 : i32
      %jit3A_1055 = arith.constant 32 : i32
      %max3A_1056 = vector.broadcast %jit3A_1054 : i32 to vector<16xi32>
      %max3A_1057 = arith.maxsi %max3A_1056, %sub3A_1053 : vector<16xi32>
      %min3A_1058 = vector.broadcast %jit3A_1055 : i32 to vector<16xi32>
      %min3A_1059 = arith.minsi %min3A_1058, %max3A_1057 : vector<16xi32>
      %mul3A_1060 = arith.constant 65 : i32
      %mul3A_1061 = vector.broadcast %mul3A_1060 : i32 to vector<16xi32>
      %mul3A_1062 = arith.muli %min3A_1052, %mul3A_1061 : vector<16xi32>
      %add3A_1063 = arith.addi %mul3A_1062, %min3A_1059 : vector<16xi32>
      %add3A_1064 = arith.constant 2112 : i32
      %add3A_1065 = vector.broadcast %add3A_1064 : i32 to vector<16xi32>
      %add3A_1066 = arith.addi %add3A_1063, %add3A_1065 : vector<16xi32>
      %swap3A_1067 = arith.constant 3 : i32
      %swap3A_1068 = arith.index_cast %swap3A_1067 : i32 to index
      %swap3A_1069 = arith.constant 96 : index
      %swap3A_1070 = tpu.vector_load %arg6[%swap3A_1068, %swap3A_1069] {strides = array<i32>} : memref<8x128xi32, #tpu.memory_space<vmem>>, vector<16xi32>,
      tpu.vector_store %arg6[%swap3A_1068, %swap3A_1069], %add3A_1066 {strides = array<i32>} : memref<8x128xi32, #tpu.memory_space<vmem>>, vector<16xi32>,
      %add3A_1071 = arith.constant 480 : i32
      %add3A_1072 = vector.broadcast %add3A_1071 : i32 to vector<16xi32>
      %add3A_1073 = arith.addi %mul3A_35, %add3A_1072 : vector<16xi32>
      %gather3A_1074 = tpu.vector_load_idx %arg5[%add3A_1073] : memref<512xi32, #tpu.memory_space<vmem>>[vector<16xi32>], vector<16xi32>,
      %add3A_1075 = arith.constant 481 : i32
      %add3A_1076 = vector.broadcast %add3A_1075 : i32 to vector<16xi32>
      %add3A_1077 = arith.addi %mul3A_35, %add3A_1076 : vector<16xi32>
      %gather3A_1078 = tpu.vector_load_idx %arg5[%add3A_1077] : memref<512xi32, #tpu.memory_space<vmem>>[vector<16xi32>], vector<16xi32>,
      %sub3A_1079 = arith.subi %gather3A_575, %gather3A_1074 : vector<16xi32>
      %jit3A_1080 = arith.constant -32 : i32
      %jit3A_1081 = arith.constant 32 : i32
      %max3A_1082 = vector.broadcast %jit3A_1080 : i32 to vector<16xi32>
      %max3A_1083 = arith.maxsi %max3A_1082, %sub3A_1079 : vector<16xi32>
      %min3A_1084 = vector.broadcast %jit3A_1081 : i32 to vector<16xi32>
      %min3A_1085 = arith.minsi %min3A_1084, %max3A_1083 : vector<16xi32>
      %sub3A_1086 = arith.subi %gather3A_575, %gather3A_1078 : vector<16xi32>
      %jit3A_1087 = arith.constant -32 : i32
      %jit3A_1088 = arith.constant 32 : i32
      %max3A_1089 = vector.broadcast %jit3A_1087 : i32 to vector<16xi32>
      %max3A_1090 = arith.maxsi %max3A_1089, %sub3A_1086 : vector<16xi32>
      %min3A_1091 = vector.broadcast %jit3A_1088 : i32 to vector<16xi32>
      %min3A_1092 = arith.minsi %min3A_1091, %max3A_1090 : vector<16xi32>
      %mul3A_1093 = arith.constant 65 : i32
      %mul3A_1094 = vector.broadcast %mul3A_1093 : i32 to vector<16xi32>
      %mul3A_1095 = arith.muli %min3A_1085, %mul3A_1094 : vector<16xi32>
      %add3A_1096 = arith.addi %mul3A_1095, %min3A_1092 : vector<16xi32>
      %add3A_1097 = arith.constant 2112 : i32
      %add3A_1098 = vector.broadcast %add3A_1097 : i32 to vector<16xi32>
      %add3A_1099 = arith.addi %add3A_1096, %add3A_1098 : vector<16xi32>
      %swap3A_1100 = arith.constant 3 : i32
      %swap3A_1101 = arith.index_cast %swap3A_1100 : i32 to index
      %swap3A_1102 = arith.constant 112 : index
      %swap3A_1103 = tpu.vector_load %arg6[%swap3A_1101, %swap3A_1102] {strides = array<i32>} : memref<8x128xi32, #tpu.memory_space<vmem>>, vector<16xi32>,
      tpu.vector_store %arg6[%swap3A_1101, %swap3A_1102], %add3A_1099 {strides = array<i32>} : memref<8x128xi32, #tpu.memory_space<vmem>>, vector<16xi32>,
      %add3A_1104 = arith.constant 2 : i32
      %add3A_1105 = arith.addi %add3A_44, %add3A_1104 : i32
      %broadcast_in_dim3A_1106 = vector.broadcast %add3A_1105 : i32 to vector<16xi32>
      %gather3A_1107 = tpu.vector_load_idx %arg5[%broadcast_in_dim3A_1106] : memref<512xi32, #tpu.memory_space<vmem>>[vector<16xi32>], vector<16xi32>,
      %add3A_1108 = arith.constant 0 : i32
      %add3A_1109 = vector.broadcast %add3A_1108 : i32 to vector<16xi32>
      %add3A_1110 = arith.addi %mul3A_35, %add3A_1109 : vector<16xi32>
      %gather3A_1111 = tpu.vector_load_idx %arg5[%add3A_1110] : memref<512xi32, #tpu.memory_space<vmem>>[vector<16xi32>], vector<16xi32>,
      %add3A_1112 = arith.constant 1 : i32
      %add3A_1113 = vector.broadcast %add3A_1112 : i32 to vector<16xi32>
      %add3A_1114 = arith.addi %mul3A_35, %add3A_1113 : vector<16xi32>
      %gather3A_1115 = tpu.vector_load_idx %arg5[%add3A_1114] : memref<512xi32, #tpu.memory_space<vmem>>[vector<16xi32>], vector<16xi32>,
      %sub3A_1116 = arith.subi %gather3A_1107, %gather3A_1111 : vector<16xi32>
      %jit3A_1117 = arith.constant -32 : i32
      %jit3A_1118 = arith.constant 32 : i32
      %max3A_1119 = vector.broadcast %jit3A_1117 : i32 to vector<16xi32>
      %max3A_1120 = arith.maxsi %max3A_1119, %sub3A_1116 : vector<16xi32>
      %min3A_1121 = vector.broadcast %jit3A_1118 : i32 to vector<16xi32>
      %min3A_1122 = arith.minsi %min3A_1121, %max3A_1120 : vector<16xi32>
      %sub3A_1123 = arith.subi %gather3A_1107, %gather3A_1115 : vector<16xi32>
      %jit3A_1124 = arith.constant -32 : i32
      %jit3A_1125 = arith.constant 32 : i32
      %max3A_1126 = vector.broadcast %jit3A_1124 : i32 to vector<16xi32>
      %max3A_1127 = arith.maxsi %max3A_1126, %sub3A_1123 : vector<16xi32>
      %min3A_1128 = vector.broadcast %jit3A_1125 : i32 to vector<16xi32>
      %min3A_1129 = arith.minsi %min3A_1128, %max3A_1127 : vector<16xi32>
      %mul3A_1130 = arith.constant 65 : i32
      %mul3A_1131 = vector.broadcast %mul3A_1130 : i32 to vector<16xi32>
      %mul3A_1132 = arith.muli %min3A_1122, %mul3A_1131 : vector<16xi32>
      %add3A_1133 = arith.addi %mul3A_1132, %min3A_1129 : vector<16xi32>
      %add3A_1134 = arith.constant 2112 : i32
      %add3A_1135 = vector.broadcast %add3A_1134 : i32 to vector<16xi32>
      %add3A_1136 = arith.addi %add3A_1133, %add3A_1135 : vector<16xi32>
      %swap3A_1137 = arith.constant 4 : i32
      %swap3A_1138 = arith.index_cast %swap3A_1137 : i32 to index
      %swap3A_1139 = arith.constant 0 : index
      %swap3A_1140 = tpu.vector_load %arg6[%swap3A_1138, %swap3A_1139] {strides = array<i32>} : memref<8x128xi32, #tpu.memory_space<vmem>>, vector<16xi32>,
      tpu.vector_store %arg6[%swap3A_1138, %swap3A_1139], %add3A_1136 {strides = array<i32>} : memref<8x128xi32, #tpu.memory_space<vmem>>, vector<16xi32>,
      %add3A_1141 = arith.constant 32 : i32
      %add3A_1142 = vector.broadcast %add3A_1141 : i32 to vector<16xi32>
      %add3A_1143 = arith.addi %mul3A_35, %add3A_1142 : vector<16xi32>
      %gather3A_1144 = tpu.vector_load_idx %arg5[%add3A_1143] : memref<512xi32, #tpu.memory_space<vmem>>[vector<16xi32>], vector<16xi32>,
      %add3A_1145 = arith.constant 33 : i32
      %add3A_1146 = vector.broadcast %add3A_1145 : i32 to vector<16xi32>
      %add3A_1147 = arith.addi %mul3A_35, %add3A_1146 : vector<16xi32>
      %gather3A_1148 = tpu.vector_load_idx %arg5[%add3A_1147] : memref<512xi32, #tpu.memory_space<vmem>>[vector<16xi32>], vector<16xi32>,
      %sub3A_1149 = arith.subi %gather3A_1107, %gather3A_1144 : vector<16xi32>
      %jit3A_1150 = arith.constant -32 : i32
      %jit3A_1151 = arith.constant 32 : i32
      %max3A_1152 = vector.broadcast %jit3A_1150 : i32 to vector<16xi32>
      %max3A_1153 = arith.maxsi %max3A_1152, %sub3A_1149 : vector<16xi32>
      %min3A_1154 = vector.broadcast %jit3A_1151 : i32 to vector<16xi32>
      %min3A_1155 = arith.minsi %min3A_1154, %max3A_1153 : vector<16xi32>
      %sub3A_1156 = arith.subi %gather3A_1107, %gather3A_1148 : vector<16xi32>
      %jit3A_1157 = arith.constant -32 : i32
      %jit3A_1158 = arith.constant 32 : i32
      %max3A_1159 = vector.broadcast %jit3A_1157 : i32 to vector<16xi32>
      %max3A_1160 = arith.maxsi %max3A_1159, %sub3A_1156 : vector<16xi32>
      %min3A_1161 = vector.broadcast %jit3A_1158 : i32 to vector<16xi32>
      %min3A_1162 = arith.minsi %min3A_1161, %max3A_1160 : vector<16xi32>
      %mul3A_1163 = arith.constant 65 : i32
      %mul3A_1164 = vector.broadcast %mul3A_1163 : i32 to vector<16xi32>
      %mul3A_1165 = arith.muli %min3A_1155, %mul3A_1164 : vector<16xi32>
      %add3A_1166 = arith.addi %mul3A_1165, %min3A_1162 : vector<16xi32>
      %add3A_1167 = arith.constant 2112 : i32
      %add3A_1168 = vector.broadcast %add3A_1167 : i32 to vector<16xi32>
      %add3A_1169 = arith.addi %add3A_1166, %add3A_1168 : vector<16xi32>
      %swap3A_1170 = arith.constant 4 : i32
      %swap3A_1171 = arith.index_cast %swap3A_1170 : i32 to index
      %swap3A_1172 = arith.constant 16 : index
      %swap3A_1173 = tpu.vector_load %arg6[%swap3A_1171, %swap3A_1172] {strides = array<i32>} : memref<8x128xi32, #tpu.memory_space<vmem>>, vector<16xi32>,
      tpu.vector_store %arg6[%swap3A_1171, %swap3A_1172], %add3A_1169 {strides = array<i32>} : memref<8x128xi32, #tpu.memory_space<vmem>>, vector<16xi32>,
      %add3A_1174 = arith.constant 64 : i32
      %add3A_1175 = vector.broadcast %add3A_1174 : i32 to vector<16xi32>
      %add3A_1176 = arith.addi %mul3A_35, %add3A_1175 : vector<16xi32>
      %gather3A_1177 = tpu.vector_load_idx %arg5[%add3A_1176] : memref<512xi32, #tpu.memory_space<vmem>>[vector<16xi32>], vector<16xi32>,
      %add3A_1178 = arith.constant 65 : i32
      %add3A_1179 = vector.broadcast %add3A_1178 : i32 to vector<16xi32>
      %add3A_1180 = arith.addi %mul3A_35, %add3A_1179 : vector<16xi32>
      %gather3A_1181 = tpu.vector_load_idx %arg5[%add3A_1180] : memref<512xi32, #tpu.memory_space<vmem>>[vector<16xi32>], vector<16xi32>,
      %sub3A_1182 = arith.subi %gather3A_1107, %gather3A_1177 : vector<16xi32>
      %jit3A_1183 = arith.constant -32 : i32
      %jit3A_1184 = arith.constant 32 : i32
      %max3A_1185 = vector.broadcast %jit3A_1183 : i32 to vector<16xi32>
      %max3A_1186 = arith.maxsi %max3A_1185, %sub3A_1182 : vector<16xi32>
      %min3A_1187 = vector.broadcast %jit3A_1184 : i32 to vector<16xi32>
      %min3A_1188 = arith.minsi %min3A_1187, %max3A_1186 : vector<16xi32>
      %sub3A_1189 = arith.subi %gather3A_1107, %gather3A_1181 : vector<16xi32>
      %jit3A_1190 = arith.constant -32 : i32
      %jit3A_1191 = arith.constant 32 : i32
      %max3A_1192 = vector.broadcast %jit3A_1190 : i32 to vector<16xi32>
      %max3A_1193 = arith.maxsi %max3A_1192, %sub3A_1189 : vector<16xi32>
      %min3A_1194 = vector.broadcast %jit3A_1191 : i32 to vector<16xi32>
      %min3A_1195 = arith.minsi %min3A_1194, %max3A_1193 : vector<16xi32>
      %mul3A_1196 = arith.constant 65 : i32
      %mul3A_1197 = vector.broadcast %mul3A_1196 : i32 to vector<16xi32>
      %mul3A_1198 = arith.muli %min3A_1188, %mul3A_1197 : vector<16xi32>
      %add3A_1199 = arith.addi %mul3A_1198, %min3A_1195 : vector<16xi32>
      %add3A_1200 = arith.constant 2112 : i32
      %add3A_1201 = vector.broadcast %add3A_1200 : i32 to vector<16xi32>
      %add3A_1202 = arith.addi %add3A_1199, %add3A_1201 : vector<16xi32>
      %swap3A_1203 = arith.constant 4 : i32
      %swap3A_1204 = arith.index_cast %swap3A_1203 : i32 to index
      %swap3A_1205 = arith.constant 32 : index
      %swap3A_1206 = tpu.vector_load %arg6[%swap3A_1204, %swap3A_1205] {strides = array<i32>} : memref<8x128xi32, #tpu.memory_space<vmem>>, vector<16xi32>,
      tpu.vector_store %arg6[%swap3A_1204, %swap3A_1205], %add3A_1202 {strides = array<i32>} : memref<8x128xi32, #tpu.memory_space<vmem>>, vector<16xi32>,
      %add3A_1207 = arith.constant 96 : i32
      %add3A_1208 = vector.broadcast %add3A_1207 : i32 to vector<16xi32>
      %add3A_1209 = arith.addi %mul3A_35, %add3A_1208 : vector<16xi32>
      %gather3A_1210 = tpu.vector_load_idx %arg5[%add3A_1209] : memref<512xi32, #tpu.memory_space<vmem>>[vector<16xi32>], vector<16xi32>,
      %add3A_1211 = arith.constant 97 : i32
      %add3A_1212 = vector.broadcast %add3A_1211 : i32 to vector<16xi32>
      %add3A_1213 = arith.addi %mul3A_35, %add3A_1212 : vector<16xi32>
      %gather3A_1214 = tpu.vector_load_idx %arg5[%add3A_1213] : memref<512xi32, #tpu.memory_space<vmem>>[vector<16xi32>], vector<16xi32>,
      %sub3A_1215 = arith.subi %gather3A_1107, %gather3A_1210 : vector<16xi32>
      %jit3A_1216 = arith.constant -32 : i32
      %jit3A_1217 = arith.constant 32 : i32
      %max3A_1218 = vector.broadcast %jit3A_1216 : i32 to vector<16xi32>
      %max3A_1219 = arith.maxsi %max3A_1218, %sub3A_1215 : vector<16xi32>
      %min3A_1220 = vector.broadcast %jit3A_1217 : i32 to vector<16xi32>
      %min3A_1221 = arith.minsi %min3A_1220, %max3A_1219 : vector<16xi32>
      %sub3A_1222 = arith.subi %gather3A_1107, %gather3A_1214 : vector<16xi32>
      %jit3A_1223 = arith.constant -32 : i32
      %jit3A_1224 = arith.constant 32 : i32
      %max3A_1225 = vector.broadcast %jit3A_1223 : i32 to vector<16xi32>
      %max3A_1226 = arith.maxsi %max3A_1225, %sub3A_1222 : vector<16xi32>
      %min3A_1227 = vector.broadcast %jit3A_1224 : i32 to vector<16xi32>
      %min3A_1228 = arith.minsi %min3A_1227, %max3A_1226 : vector<16xi32>
      %mul3A_1229 = arith.constant 65 : i32
      %mul3A_1230 = vector.broadcast %mul3A_1229 : i32 to vector<16xi32>
      %mul3A_1231 = arith.muli %min3A_1221, %mul3A_1230 : vector<16xi32>
      %add3A_1232 = arith.addi %mul3A_1231, %min3A_1228 : vector<16xi32>
      %add3A_1233 = arith.constant 2112 : i32
      %add3A_1234 = vector.broadcast %add3A_1233 : i32 to vector<16xi32>
      %add3A_1235 = arith.addi %add3A_1232, %add3A_1234 : vector<16xi32>
      %swap3A_1236 = arith.constant 4 : i32
      %swap3A_1237 = arith.index_cast %swap3A_1236 : i32 to index
      %swap3A_1238 = arith.constant 48 : index
      %swap3A_1239 = tpu.vector_load %arg6[%swap3A_1237, %swap3A_1238] {strides = array<i32>} : memref<8x128xi32, #tpu.memory_space<vmem>>, vector<16xi32>,
      tpu.vector_store %arg6[%swap3A_1237, %swap3A_1238], %add3A_1235 {strides = array<i32>} : memref<8x128xi32, #tpu.memory_space<vmem>>, vector<16xi32>,
      %add3A_1240 = arith.constant 128 : i32
      %add3A_1241 = vector.broadcast %add3A_1240 : i32 to vector<16xi32>
      %add3A_1242 = arith.addi %mul3A_35, %add3A_1241 : vector<16xi32>
      %gather3A_1243 = tpu.vector_load_idx %arg5[%add3A_1242] : memref<512xi32, #tpu.memory_space<vmem>>[vector<16xi32>], vector<16xi32>,
      %add3A_1244 = arith.constant 129 : i32
      %add3A_1245 = vector.broadcast %add3A_1244 : i32 to vector<16xi32>
      %add3A_1246 = arith.addi %mul3A_35, %add3A_1245 : vector<16xi32>
      %gather3A_1247 = tpu.vector_load_idx %arg5[%add3A_1246] : memref<512xi32, #tpu.memory_space<vmem>>[vector<16xi32>], vector<16xi32>,
      %sub3A_1248 = arith.subi %gather3A_1107, %gather3A_1243 : vector<16xi32>
      %jit3A_1249 = arith.constant -32 : i32
      %jit3A_1250 = arith.constant 32 : i32
      %max3A_1251 = vector.broadcast %jit3A_1249 : i32 to vector<16xi32>
      %max3A_1252 = arith.maxsi %max3A_1251, %sub3A_1248 : vector<16xi32>
      %min3A_1253 = vector.broadcast %jit3A_1250 : i32 to vector<16xi32>
      %min3A_1254 = arith.minsi %min3A_1253, %max3A_1252 : vector<16xi32>
      %sub3A_1255 = arith.subi %gather3A_1107, %gather3A_1247 : vector<16xi32>
      %jit3A_1256 = arith.constant -32 : i32
      %jit3A_1257 = arith.constant 32 : i32
      %max3A_1258 = vector.broadcast %jit3A_1256 : i32 to vector<16xi32>
      %max3A_1259 = arith.maxsi %max3A_1258, %sub3A_1255 : vector<16xi32>
      %min3A_1260 = vector.broadcast %jit3A_1257 : i32 to vector<16xi32>
      %min3A_1261 = arith.minsi %min3A_1260, %max3A_1259 : vector<16xi32>
      %mul3A_1262 = arith.constant 65 : i32
      %mul3A_1263 = vector.broadcast %mul3A_1262 : i32 to vector<16xi32>
      %mul3A_1264 = arith.muli %min3A_1254, %mul3A_1263 : vector<16xi32>
      %add3A_1265 = arith.addi %mul3A_1264, %min3A_1261 : vector<16xi32>
      %add3A_1266 = arith.constant 2112 : i32
      %add3A_1267 = vector.broadcast %add3A_1266 : i32 to vector<16xi32>
      %add3A_1268 = arith.addi %add3A_1265, %add3A_1267 : vector<16xi32>
      %swap3A_1269 = arith.constant 4 : i32
      %swap3A_1270 = arith.index_cast %swap3A_1269 : i32 to index
      %swap3A_1271 = arith.constant 64 : index
      %swap3A_1272 = tpu.vector_load %arg6[%swap3A_1270, %swap3A_1271] {strides = array<i32>} : memref<8x128xi32, #tpu.memory_space<vmem>>, vector<16xi32>,
      tpu.vector_store %arg6[%swap3A_1270, %swap3A_1271], %add3A_1268 {strides = array<i32>} : memref<8x128xi32, #tpu.memory_space<vmem>>, vector<16xi32>,
      %add3A_1273 = arith.constant 160 : i32
      %add3A_1274 = vector.broadcast %add3A_1273 : i32 to vector<16xi32>
      %add3A_1275 = arith.addi %mul3A_35, %add3A_1274 : vector<16xi32>
      %gather3A_1276 = tpu.vector_load_idx %arg5[%add3A_1275] : memref<512xi32, #tpu.memory_space<vmem>>[vector<16xi32>], vector<16xi32>,
      %add3A_1277 = arith.constant 161 : i32
      %add3A_1278 = vector.broadcast %add3A_1277 : i32 to vector<16xi32>
      %add3A_1279 = arith.addi %mul3A_35, %add3A_1278 : vector<16xi32>
      %gather3A_1280 = tpu.vector_load_idx %arg5[%add3A_1279] : memref<512xi32, #tpu.memory_space<vmem>>[vector<16xi32>], vector<16xi32>,
      %sub3A_1281 = arith.subi %gather3A_1107, %gather3A_1276 : vector<16xi32>
      %jit3A_1282 = arith.constant -32 : i32
      %jit3A_1283 = arith.constant 32 : i32
      %max3A_1284 = vector.broadcast %jit3A_1282 : i32 to vector<16xi32>
      %max3A_1285 = arith.maxsi %max3A_1284, %sub3A_1281 : vector<16xi32>
      %min3A_1286 = vector.broadcast %jit3A_1283 : i32 to vector<16xi32>
      %min3A_1287 = arith.minsi %min3A_1286, %max3A_1285 : vector<16xi32>
      %sub3A_1288 = arith.subi %gather3A_1107, %gather3A_1280 : vector<16xi32>
      %jit3A_1289 = arith.constant -32 : i32
      %jit3A_1290 = arith.constant 32 : i32
      %max3A_1291 = vector.broadcast %jit3A_1289 : i32 to vector<16xi32>
      %max3A_1292 = arith.maxsi %max3A_1291, %sub3A_1288 : vector<16xi32>
      %min3A_1293 = vector.broadcast %jit3A_1290 : i32 to vector<16xi32>
      %min3A_1294 = arith.minsi %min3A_1293, %max3A_1292 : vector<16xi32>
      %mul3A_1295 = arith.constant 65 : i32
      %mul3A_1296 = vector.broadcast %mul3A_1295 : i32 to vector<16xi32>
      %mul3A_1297 = arith.muli %min3A_1287, %mul3A_1296 : vector<16xi32>
      %add3A_1298 = arith.addi %mul3A_1297, %min3A_1294 : vector<16xi32>
      %add3A_1299 = arith.constant 2112 : i32
      %add3A_1300 = vector.broadcast %add3A_1299 : i32 to vector<16xi32>
      %add3A_1301 = arith.addi %add3A_1298, %add3A_1300 : vector<16xi32>
      %swap3A_1302 = arith.constant 4 : i32
      %swap3A_1303 = arith.index_cast %swap3A_1302 : i32 to index
      %swap3A_1304 = arith.constant 80 : index
      %swap3A_1305 = tpu.vector_load %arg6[%swap3A_1303, %swap3A_1304] {strides = array<i32>} : memref<8x128xi32, #tpu.memory_space<vmem>>, vector<16xi32>,
      tpu.vector_store %arg6[%swap3A_1303, %swap3A_1304], %add3A_1301 {strides = array<i32>} : memref<8x128xi32, #tpu.memory_space<vmem>>, vector<16xi32>,
      %add3A_1306 = arith.constant 192 : i32
      %add3A_1307 = vector.broadcast %add3A_1306 : i32 to vector<16xi32>
      %add3A_1308 = arith.addi %mul3A_35, %add3A_1307 : vector<16xi32>
      %gather3A_1309 = tpu.vector_load_idx %arg5[%add3A_1308] : memref<512xi32, #tpu.memory_space<vmem>>[vector<16xi32>], vector<16xi32>,
      %add3A_1310 = arith.constant 193 : i32
      %add3A_1311 = vector.broadcast %add3A_1310 : i32 to vector<16xi32>
      %add3A_1312 = arith.addi %mul3A_35, %add3A_1311 : vector<16xi32>
      %gather3A_1313 = tpu.vector_load_idx %arg5[%add3A_1312] : memref<512xi32, #tpu.memory_space<vmem>>[vector<16xi32>], vector<16xi32>,
      %sub3A_1314 = arith.subi %gather3A_1107, %gather3A_1309 : vector<16xi32>
      %jit3A_1315 = arith.constant -32 : i32
      %jit3A_1316 = arith.constant 32 : i32
      %max3A_1317 = vector.broadcast %jit3A_1315 : i32 to vector<16xi32>
      %max3A_1318 = arith.maxsi %max3A_1317, %sub3A_1314 : vector<16xi32>
      %min3A_1319 = vector.broadcast %jit3A_1316 : i32 to vector<16xi32>
      %min3A_1320 = arith.minsi %min3A_1319, %max3A_1318 : vector<16xi32>
      %sub3A_1321 = arith.subi %gather3A_1107, %gather3A_1313 : vector<16xi32>
      %jit3A_1322 = arith.constant -32 : i32
      %jit3A_1323 = arith.constant 32 : i32
      %max3A_1324 = vector.broadcast %jit3A_1322 : i32 to vector<16xi32>
      %max3A_1325 = arith.maxsi %max3A_1324, %sub3A_1321 : vector<16xi32>
      %min3A_1326 = vector.broadcast %jit3A_1323 : i32 to vector<16xi32>
      %min3A_1327 = arith.minsi %min3A_1326, %max3A_1325 : vector<16xi32>
      %mul3A_1328 = arith.constant 65 : i32
      %mul3A_1329 = vector.broadcast %mul3A_1328 : i32 to vector<16xi32>
      %mul3A_1330 = arith.muli %min3A_1320, %mul3A_1329 : vector<16xi32>
      %add3A_1331 = arith.addi %mul3A_1330, %min3A_1327 : vector<16xi32>
      %add3A_1332 = arith.constant 2112 : i32
      %add3A_1333 = vector.broadcast %add3A_1332 : i32 to vector<16xi32>
      %add3A_1334 = arith.addi %add3A_1331, %add3A_1333 : vector<16xi32>
      %swap3A_1335 = arith.constant 4 : i32
      %swap3A_1336 = arith.index_cast %swap3A_1335 : i32 to index
      %swap3A_1337 = arith.constant 96 : index
      %swap3A_1338 = tpu.vector_load %arg6[%swap3A_1336, %swap3A_1337] {strides = array<i32>} : memref<8x128xi32, #tpu.memory_space<vmem>>, vector<16xi32>,
      tpu.vector_store %arg6[%swap3A_1336, %swap3A_1337], %add3A_1334 {strides = array<i32>} : memref<8x128xi32, #tpu.memory_space<vmem>>, vector<16xi32>,
      %add3A_1339 = arith.constant 224 : i32
      %add3A_1340 = vector.broadcast %add3A_1339 : i32 to vector<16xi32>
      %add3A_1341 = arith.addi %mul3A_35, %add3A_1340 : vector<16xi32>
      %gather3A_1342 = tpu.vector_load_idx %arg5[%add3A_1341] : memref<512xi32, #tpu.memory_space<vmem>>[vector<16xi32>], vector<16xi32>,
      %add3A_1343 = arith.constant 225 : i32
      %add3A_1344 = vector.broadcast %add3A_1343 : i32 to vector<16xi32>
      %add3A_1345 = arith.addi %mul3A_35, %add3A_1344 : vector<16xi32>
      %gather3A_1346 = tpu.vector_load_idx %arg5[%add3A_1345] : memref<512xi32, #tpu.memory_space<vmem>>[vector<16xi32>], vector<16xi32>,
      %sub3A_1347 = arith.subi %gather3A_1107, %gather3A_1342 : vector<16xi32>
      %jit3A_1348 = arith.constant -32 : i32
      %jit3A_1349 = arith.constant 32 : i32
      %max3A_1350 = vector.broadcast %jit3A_1348 : i32 to vector<16xi32>
      %max3A_1351 = arith.maxsi %max3A_1350, %sub3A_1347 : vector<16xi32>
      %min3A_1352 = vector.broadcast %jit3A_1349 : i32 to vector<16xi32>
      %min3A_1353 = arith.minsi %min3A_1352, %max3A_1351 : vector<16xi32>
      %sub3A_1354 = arith.subi %gather3A_1107, %gather3A_1346 : vector<16xi32>
      %jit3A_1355 = arith.constant -32 : i32
      %jit3A_1356 = arith.constant 32 : i32
      %max3A_1357 = vector.broadcast %jit3A_1355 : i32 to vector<16xi32>
      %max3A_1358 = arith.maxsi %max3A_1357, %sub3A_1354 : vector<16xi32>
      %min3A_1359 = vector.broadcast %jit3A_1356 : i32 to vector<16xi32>
      %min3A_1360 = arith.minsi %min3A_1359, %max3A_1358 : vector<16xi32>
      %mul3A_1361 = arith.constant 65 : i32
      %mul3A_1362 = vector.broadcast %mul3A_1361 : i32 to vector<16xi32>
      %mul3A_1363 = arith.muli %min3A_1353, %mul3A_1362 : vector<16xi32>
      %add3A_1364 = arith.addi %mul3A_1363, %min3A_1360 : vector<16xi32>
      %add3A_1365 = arith.constant 2112 : i32
      %add3A_1366 = vector.broadcast %add3A_1365 : i32 to vector<16xi32>
      %add3A_1367 = arith.addi %add3A_1364, %add3A_1366 : vector<16xi32>
      %swap3A_1368 = arith.constant 4 : i32
      %swap3A_1369 = arith.index_cast %swap3A_1368 : i32 to index
      %swap3A_1370 = arith.constant 112 : index
      %swap3A_1371 = tpu.vector_load %arg6[%swap3A_1369, %swap3A_1370] {strides = array<i32>} : memref<8x128xi32, #tpu.memory_space<vmem>>, vector<16xi32>,
      tpu.vector_store %arg6[%swap3A_1369, %swap3A_1370], %add3A_1367 {strides = array<i32>} : memref<8x128xi32, #tpu.memory_space<vmem>>, vector<16xi32>,
      %add3A_1372 = arith.constant 256 : i32
      %add3A_1373 = vector.broadcast %add3A_1372 : i32 to vector<16xi32>
      %add3A_1374 = arith.addi %mul3A_35, %add3A_1373 : vector<16xi32>
      %gather3A_1375 = tpu.vector_load_idx %arg5[%add3A_1374] : memref<512xi32, #tpu.memory_space<vmem>>[vector<16xi32>], vector<16xi32>,
      %add3A_1376 = arith.constant 257 : i32
      %add3A_1377 = vector.broadcast %add3A_1376 : i32 to vector<16xi32>
      %add3A_1378 = arith.addi %mul3A_35, %add3A_1377 : vector<16xi32>
      %gather3A_1379 = tpu.vector_load_idx %arg5[%add3A_1378] : memref<512xi32, #tpu.memory_space<vmem>>[vector<16xi32>], vector<16xi32>,
      %sub3A_1380 = arith.subi %gather3A_1107, %gather3A_1375 : vector<16xi32>
      %jit3A_1381 = arith.constant -32 : i32
      %jit3A_1382 = arith.constant 32 : i32
      %max3A_1383 = vector.broadcast %jit3A_1381 : i32 to vector<16xi32>
      %max3A_1384 = arith.maxsi %max3A_1383, %sub3A_1380 : vector<16xi32>
      %min3A_1385 = vector.broadcast %jit3A_1382 : i32 to vector<16xi32>
      %min3A_1386 = arith.minsi %min3A_1385, %max3A_1384 : vector<16xi32>
      %sub3A_1387 = arith.subi %gather3A_1107, %gather3A_1379 : vector<16xi32>
      %jit3A_1388 = arith.constant -32 : i32
      %jit3A_1389 = arith.constant 32 : i32
      %max3A_1390 = vector.broadcast %jit3A_1388 : i32 to vector<16xi32>
      %max3A_1391 = arith.maxsi %max3A_1390, %sub3A_1387 : vector<16xi32>
      %min3A_1392 = vector.broadcast %jit3A_1389 : i32 to vector<16xi32>
      %min3A_1393 = arith.minsi %min3A_1392, %max3A_1391 : vector<16xi32>
      %mul3A_1394 = arith.constant 65 : i32
      %mul3A_1395 = vector.broadcast %mul3A_1394 : i32 to vector<16xi32>
      %mul3A_1396 = arith.muli %min3A_1386, %mul3A_1395 : vector<16xi32>
      %add3A_1397 = arith.addi %mul3A_1396, %min3A_1393 : vector<16xi32>
      %add3A_1398 = arith.constant 2112 : i32
      %add3A_1399 = vector.broadcast %add3A_1398 : i32 to vector<16xi32>
      %add3A_1400 = arith.addi %add3A_1397, %add3A_1399 : vector<16xi32>
      %swap3A_1401 = arith.constant 5 : i32
      %swap3A_1402 = arith.index_cast %swap3A_1401 : i32 to index
      %swap3A_1403 = arith.constant 0 : index
      %swap3A_1404 = tpu.vector_load %arg6[%swap3A_1402, %swap3A_1403] {strides = array<i32>} : memref<8x128xi32, #tpu.memory_space<vmem>>, vector<16xi32>,
      tpu.vector_store %arg6[%swap3A_1402, %swap3A_1403], %add3A_1400 {strides = array<i32>} : memref<8x128xi32, #tpu.memory_space<vmem>>, vector<16xi32>,
      %add3A_1405 = arith.constant 288 : i32
      %add3A_1406 = vector.broadcast %add3A_1405 : i32 to vector<16xi32>
      %add3A_1407 = arith.addi %mul3A_35, %add3A_1406 : vector<16xi32>
      %gather3A_1408 = tpu.vector_load_idx %arg5[%add3A_1407] : memref<512xi32, #tpu.memory_space<vmem>>[vector<16xi32>], vector<16xi32>,
      %add3A_1409 = arith.constant 289 : i32
      %add3A_1410 = vector.broadcast %add3A_1409 : i32 to vector<16xi32>
      %add3A_1411 = arith.addi %mul3A_35, %add3A_1410 : vector<16xi32>
      %gather3A_1412 = tpu.vector_load_idx %arg5[%add3A_1411] : memref<512xi32, #tpu.memory_space<vmem>>[vector<16xi32>], vector<16xi32>,
      %sub3A_1413 = arith.subi %gather3A_1107, %gather3A_1408 : vector<16xi32>
      %jit3A_1414 = arith.constant -32 : i32
      %jit3A_1415 = arith.constant 32 : i32
      %max3A_1416 = vector.broadcast %jit3A_1414 : i32 to vector<16xi32>
      %max3A_1417 = arith.maxsi %max3A_1416, %sub3A_1413 : vector<16xi32>
      %min3A_1418 = vector.broadcast %jit3A_1415 : i32 to vector<16xi32>
      %min3A_1419 = arith.minsi %min3A_1418, %max3A_1417 : vector<16xi32>
      %sub3A_1420 = arith.subi %gather3A_1107, %gather3A_1412 : vector<16xi32>
      %jit3A_1421 = arith.constant -32 : i32
      %jit3A_1422 = arith.constant 32 : i32
      %max3A_1423 = vector.broadcast %jit3A_1421 : i32 to vector<16xi32>
      %max3A_1424 = arith.maxsi %max3A_1423, %sub3A_1420 : vector<16xi32>
      %min3A_1425 = vector.broadcast %jit3A_1422 : i32 to vector<16xi32>
      %min3A_1426 = arith.minsi %min3A_1425, %max3A_1424 : vector<16xi32>
      %mul3A_1427 = arith.constant 65 : i32
      %mul3A_1428 = vector.broadcast %mul3A_1427 : i32 to vector<16xi32>
      %mul3A_1429 = arith.muli %min3A_1419, %mul3A_1428 : vector<16xi32>
      %add3A_1430 = arith.addi %mul3A_1429, %min3A_1426 : vector<16xi32>
      %add3A_1431 = arith.constant 2112 : i32
      %add3A_1432 = vector.broadcast %add3A_1431 : i32 to vector<16xi32>
      %add3A_1433 = arith.addi %add3A_1430, %add3A_1432 : vector<16xi32>
      %swap3A_1434 = arith.constant 5 : i32
      %swap3A_1435 = arith.index_cast %swap3A_1434 : i32 to index
      %swap3A_1436 = arith.constant 16 : index
      %swap3A_1437 = tpu.vector_load %arg6[%swap3A_1435, %swap3A_1436] {strides = array<i32>} : memref<8x128xi32, #tpu.memory_space<vmem>>, vector<16xi32>,
      tpu.vector_store %arg6[%swap3A_1435, %swap3A_1436], %add3A_1433 {strides = array<i32>} : memref<8x128xi32, #tpu.memory_space<vmem>>, vector<16xi32>,
      %add3A_1438 = arith.constant 320 : i32
      %add3A_1439 = vector.broadcast %add3A_1438 : i32 to vector<16xi32>
      %add3A_1440 = arith.addi %mul3A_35, %add3A_1439 : vector<16xi32>
      %gather3A_1441 = tpu.vector_load_idx %arg5[%add3A_1440] : memref<512xi32, #tpu.memory_space<vmem>>[vector<16xi32>], vector<16xi32>,
      %add3A_1442 = arith.constant 321 : i32
      %add3A_1443 = vector.broadcast %add3A_1442 : i32 to vector<16xi32>
      %add3A_1444 = arith.addi %mul3A_35, %add3A_1443 : vector<16xi32>
      %gather3A_1445 = tpu.vector_load_idx %arg5[%add3A_1444] : memref<512xi32, #tpu.memory_space<vmem>>[vector<16xi32>], vector<16xi32>,
      %sub3A_1446 = arith.subi %gather3A_1107, %gather3A_1441 : vector<16xi32>
      %jit3A_1447 = arith.constant -32 : i32
      %jit3A_1448 = arith.constant 32 : i32
      %max3A_1449 = vector.broadcast %jit3A_1447 : i32 to vector<16xi32>
      %max3A_1450 = arith.maxsi %max3A_1449, %sub3A_1446 : vector<16xi32>
      %min3A_1451 = vector.broadcast %jit3A_1448 : i32 to vector<16xi32>
      %min3A_1452 = arith.minsi %min3A_1451, %max3A_1450 : vector<16xi32>
      %sub3A_1453 = arith.subi %gather3A_1107, %gather3A_1445 : vector<16xi32>
      %jit3A_1454 = arith.constant -32 : i32
      %jit3A_1455 = arith.constant 32 : i32
      %max3A_1456 = vector.broadcast %jit3A_1454 : i32 to vector<16xi32>
      %max3A_1457 = arith.maxsi %max3A_1456, %sub3A_1453 : vector<16xi32>
      %min3A_1458 = vector.broadcast %jit3A_1455 : i32 to vector<16xi32>
      %min3A_1459 = arith.minsi %min3A_1458, %max3A_1457 : vector<16xi32>
      %mul3A_1460 = arith.constant 65 : i32
      %mul3A_1461 = vector.broadcast %mul3A_1460 : i32 to vector<16xi32>
      %mul3A_1462 = arith.muli %min3A_1452, %mul3A_1461 : vector<16xi32>
      %add3A_1463 = arith.addi %mul3A_1462, %min3A_1459 : vector<16xi32>
      %add3A_1464 = arith.constant 2112 : i32
      %add3A_1465 = vector.broadcast %add3A_1464 : i32 to vector<16xi32>
      %add3A_1466 = arith.addi %add3A_1463, %add3A_1465 : vector<16xi32>
      %swap3A_1467 = arith.constant 5 : i32
      %swap3A_1468 = arith.index_cast %swap3A_1467 : i32 to index
      %swap3A_1469 = arith.constant 32 : index
      %swap3A_1470 = tpu.vector_load %arg6[%swap3A_1468, %swap3A_1469] {strides = array<i32>} : memref<8x128xi32, #tpu.memory_space<vmem>>, vector<16xi32>,
      tpu.vector_store %arg6[%swap3A_1468, %swap3A_1469], %add3A_1466 {strides = array<i32>} : memref<8x128xi32, #tpu.memory_space<vmem>>, vector<16xi32>,
      %add3A_1471 = arith.constant 352 : i32
      %add3A_1472 = vector.broadcast %add3A_1471 : i32 to vector<16xi32>
      %add3A_1473 = arith.addi %mul3A_35, %add3A_1472 : vector<16xi32>
      %gather3A_1474 = tpu.vector_load_idx %arg5[%add3A_1473] : memref<512xi32, #tpu.memory_space<vmem>>[vector<16xi32>], vector<16xi32>,
      %add3A_1475 = arith.constant 353 : i32
      %add3A_1476 = vector.broadcast %add3A_1475 : i32 to vector<16xi32>
      %add3A_1477 = arith.addi %mul3A_35, %add3A_1476 : vector<16xi32>
      %gather3A_1478 = tpu.vector_load_idx %arg5[%add3A_1477] : memref<512xi32, #tpu.memory_space<vmem>>[vector<16xi32>], vector<16xi32>,
      %sub3A_1479 = arith.subi %gather3A_1107, %gather3A_1474 : vector<16xi32>
      %jit3A_1480 = arith.constant -32 : i32
      %jit3A_1481 = arith.constant 32 : i32
      %max3A_1482 = vector.broadcast %jit3A_1480 : i32 to vector<16xi32>
      %max3A_1483 = arith.maxsi %max3A_1482, %sub3A_1479 : vector<16xi32>
      %min3A_1484 = vector.broadcast %jit3A_1481 : i32 to vector<16xi32>
      %min3A_1485 = arith.minsi %min3A_1484, %max3A_1483 : vector<16xi32>
      %sub3A_1486 = arith.subi %gather3A_1107, %gather3A_1478 : vector<16xi32>
      %jit3A_1487 = arith.constant -32 : i32
      %jit3A_1488 = arith.constant 32 : i32
      %max3A_1489 = vector.broadcast %jit3A_1487 : i32 to vector<16xi32>
      %max3A_1490 = arith.maxsi %max3A_1489, %sub3A_1486 : vector<16xi32>
      %min3A_1491 = vector.broadcast %jit3A_1488 : i32 to vector<16xi32>
      %min3A_1492 = arith.minsi %min3A_1491, %max3A_1490 : vector<16xi32>
      %mul3A_1493 = arith.constant 65 : i32
      %mul3A_1494 = vector.broadcast %mul3A_1493 : i32 to vector<16xi32>
      %mul3A_1495 = arith.muli %min3A_1485, %mul3A_1494 : vector<16xi32>
      %add3A_1496 = arith.addi %mul3A_1495, %min3A_1492 : vector<16xi32>
      %add3A_1497 = arith.constant 2112 : i32
      %add3A_1498 = vector.broadcast %add3A_1497 : i32 to vector<16xi32>
      %add3A_1499 = arith.addi %add3A_1496, %add3A_1498 : vector<16xi32>
      %swap3A_1500 = arith.constant 5 : i32
      %swap3A_1501 = arith.index_cast %swap3A_1500 : i32 to index
      %swap3A_1502 = arith.constant 48 : index
      %swap3A_1503 = tpu.vector_load %arg6[%swap3A_1501, %swap3A_1502] {strides = array<i32>} : memref<8x128xi32, #tpu.memory_space<vmem>>, vector<16xi32>,
      tpu.vector_store %arg6[%swap3A_1501, %swap3A_1502], %add3A_1499 {strides = array<i32>} : memref<8x128xi32, #tpu.memory_space<vmem>>, vector<16xi32>,
      %add3A_1504 = arith.constant 384 : i32
      %add3A_1505 = vector.broadcast %add3A_1504 : i32 to vector<16xi32>
      %add3A_1506 = arith.addi %mul3A_35, %add3A_1505 : vector<16xi32>
      %gather3A_1507 = tpu.vector_load_idx %arg5[%add3A_1506] : memref<512xi32, #tpu.memory_space<vmem>>[vector<16xi32>], vector<16xi32>,
      %add3A_1508 = arith.constant 385 : i32
      %add3A_1509 = vector.broadcast %add3A_1508 : i32 to vector<16xi32>
      %add3A_1510 = arith.addi %mul3A_35, %add3A_1509 : vector<16xi32>
      %gather3A_1511 = tpu.vector_load_idx %arg5[%add3A_1510] : memref<512xi32, #tpu.memory_space<vmem>>[vector<16xi32>], vector<16xi32>,
      %sub3A_1512 = arith.subi %gather3A_1107, %gather3A_1507 : vector<16xi32>
      %jit3A_1513 = arith.constant -32 : i32
      %jit3A_1514 = arith.constant 32 : i32
      %max3A_1515 = vector.broadcast %jit3A_1513 : i32 to vector<16xi32>
      %max3A_1516 = arith.maxsi %max3A_1515, %sub3A_1512 : vector<16xi32>
      %min3A_1517 = vector.broadcast %jit3A_1514 : i32 to vector<16xi32>
      %min3A_1518 = arith.minsi %min3A_1517, %max3A_1516 : vector<16xi32>
      %sub3A_1519 = arith.subi %gather3A_1107, %gather3A_1511 : vector<16xi32>
      %jit3A_1520 = arith.constant -32 : i32
      %jit3A_1521 = arith.constant 32 : i32
      %max3A_1522 = vector.broadcast %jit3A_1520 : i32 to vector<16xi32>
      %max3A_1523 = arith.maxsi %max3A_1522, %sub3A_1519 : vector<16xi32>
      %min3A_1524 = vector.broadcast %jit3A_1521 : i32 to vector<16xi32>
      %min3A_1525 = arith.minsi %min3A_1524, %max3A_1523 : vector<16xi32>
      %mul3A_1526 = arith.constant 65 : i32
      %mul3A_1527 = vector.broadcast %mul3A_1526 : i32 to vector<16xi32>
      %mul3A_1528 = arith.muli %min3A_1518, %mul3A_1527 : vector<16xi32>
      %add3A_1529 = arith.addi %mul3A_1528, %min3A_1525 : vector<16xi32>
      %add3A_1530 = arith.constant 2112 : i32
      %add3A_1531 = vector.broadcast %add3A_1530 : i32 to vector<16xi32>
      %add3A_1532 = arith.addi %add3A_1529, %add3A_1531 : vector<16xi32>
      %swap3A_1533 = arith.constant 5 : i32
      %swap3A_1534 = arith.index_cast %swap3A_1533 : i32 to index
      %swap3A_1535 = arith.constant 64 : index
      %swap3A_1536 = tpu.vector_load %arg6[%swap3A_1534, %swap3A_1535] {strides = array<i32>} : memref<8x128xi32, #tpu.memory_space<vmem>>, vector<16xi32>,
      tpu.vector_store %arg6[%swap3A_1534, %swap3A_1535], %add3A_1532 {strides = array<i32>} : memref<8x128xi32, #tpu.memory_space<vmem>>, vector<16xi32>,
      %add3A_1537 = arith.constant 416 : i32
      %add3A_1538 = vector.broadcast %add3A_1537 : i32 to vector<16xi32>
      %add3A_1539 = arith.addi %mul3A_35, %add3A_1538 : vector<16xi32>
      %gather3A_1540 = tpu.vector_load_idx %arg5[%add3A_1539] : memref<512xi32, #tpu.memory_space<vmem>>[vector<16xi32>], vector<16xi32>,
      %add3A_1541 = arith.constant 417 : i32
      %add3A_1542 = vector.broadcast %add3A_1541 : i32 to vector<16xi32>
      %add3A_1543 = arith.addi %mul3A_35, %add3A_1542 : vector<16xi32>
      %gather3A_1544 = tpu.vector_load_idx %arg5[%add3A_1543] : memref<512xi32, #tpu.memory_space<vmem>>[vector<16xi32>], vector<16xi32>,
      %sub3A_1545 = arith.subi %gather3A_1107, %gather3A_1540 : vector<16xi32>
      %jit3A_1546 = arith.constant -32 : i32
      %jit3A_1547 = arith.constant 32 : i32
      %max3A_1548 = vector.broadcast %jit3A_1546 : i32 to vector<16xi32>
      %max3A_1549 = arith.maxsi %max3A_1548, %sub3A_1545 : vector<16xi32>
      %min3A_1550 = vector.broadcast %jit3A_1547 : i32 to vector<16xi32>
      %min3A_1551 = arith.minsi %min3A_1550, %max3A_1549 : vector<16xi32>
      %sub3A_1552 = arith.subi %gather3A_1107, %gather3A_1544 : vector<16xi32>
      %jit3A_1553 = arith.constant -32 : i32
      %jit3A_1554 = arith.constant 32 : i32
      %max3A_1555 = vector.broadcast %jit3A_1553 : i32 to vector<16xi32>
      %max3A_1556 = arith.maxsi %max3A_1555, %sub3A_1552 : vector<16xi32>
      %min3A_1557 = vector.broadcast %jit3A_1554 : i32 to vector<16xi32>
      %min3A_1558 = arith.minsi %min3A_1557, %max3A_1556 : vector<16xi32>
      %mul3A_1559 = arith.constant 65 : i32
      %mul3A_1560 = vector.broadcast %mul3A_1559 : i32 to vector<16xi32>
      %mul3A_1561 = arith.muli %min3A_1551, %mul3A_1560 : vector<16xi32>
      %add3A_1562 = arith.addi %mul3A_1561, %min3A_1558 : vector<16xi32>
      %add3A_1563 = arith.constant 2112 : i32
      %add3A_1564 = vector.broadcast %add3A_1563 : i32 to vector<16xi32>
      %add3A_1565 = arith.addi %add3A_1562, %add3A_1564 : vector<16xi32>
      %swap3A_1566 = arith.constant 5 : i32
      %swap3A_1567 = arith.index_cast %swap3A_1566 : i32 to index
      %swap3A_1568 = arith.constant 80 : index
      %swap3A_1569 = tpu.vector_load %arg6[%swap3A_1567, %swap3A_1568] {strides = array<i32>} : memref<8x128xi32, #tpu.memory_space<vmem>>, vector<16xi32>,
      tpu.vector_store %arg6[%swap3A_1567, %swap3A_1568], %add3A_1565 {strides = array<i32>} : memref<8x128xi32, #tpu.memory_space<vmem>>, vector<16xi32>,
      %add3A_1570 = arith.constant 448 : i32
      %add3A_1571 = vector.broadcast %add3A_1570 : i32 to vector<16xi32>
      %add3A_1572 = arith.addi %mul3A_35, %add3A_1571 : vector<16xi32>
      %gather3A_1573 = tpu.vector_load_idx %arg5[%add3A_1572] : memref<512xi32, #tpu.memory_space<vmem>>[vector<16xi32>], vector<16xi32>,
      %add3A_1574 = arith.constant 449 : i32
      %add3A_1575 = vector.broadcast %add3A_1574 : i32 to vector<16xi32>
      %add3A_1576 = arith.addi %mul3A_35, %add3A_1575 : vector<16xi32>
      %gather3A_1577 = tpu.vector_load_idx %arg5[%add3A_1576] : memref<512xi32, #tpu.memory_space<vmem>>[vector<16xi32>], vector<16xi32>,
      %sub3A_1578 = arith.subi %gather3A_1107, %gather3A_1573 : vector<16xi32>
      %jit3A_1579 = arith.constant -32 : i32
      %jit3A_1580 = arith.constant 32 : i32
      %max3A_1581 = vector.broadcast %jit3A_1579 : i32 to vector<16xi32>
      %max3A_1582 = arith.maxsi %max3A_1581, %sub3A_1578 : vector<16xi32>
      %min3A_1583 = vector.broadcast %jit3A_1580 : i32 to vector<16xi32>
      %min3A_1584 = arith.minsi %min3A_1583, %max3A_1582 : vector<16xi32>
      %sub3A_1585 = arith.subi %gather3A_1107, %gather3A_1577 : vector<16xi32>
      %jit3A_1586 = arith.constant -32 : i32
      %jit3A_1587 = arith.constant 32 : i32
      %max3A_1588 = vector.broadcast %jit3A_1586 : i32 to vector<16xi32>
      %max3A_1589 = arith.maxsi %max3A_1588, %sub3A_1585 : vector<16xi32>
      %min3A_1590 = vector.broadcast %jit3A_1587 : i32 to vector<16xi32>
      %min3A_1591 = arith.minsi %min3A_1590, %max3A_1589 : vector<16xi32>
      %mul3A_1592 = arith.constant 65 : i32
      %mul3A_1593 = vector.broadcast %mul3A_1592 : i32 to vector<16xi32>
      %mul3A_1594 = arith.muli %min3A_1584, %mul3A_1593 : vector<16xi32>
      %add3A_1595 = arith.addi %mul3A_1594, %min3A_1591 : vector<16xi32>
      %add3A_1596 = arith.constant 2112 : i32
      %add3A_1597 = vector.broadcast %add3A_1596 : i32 to vector<16xi32>
      %add3A_1598 = arith.addi %add3A_1595, %add3A_1597 : vector<16xi32>
      %swap3A_1599 = arith.constant 5 : i32
      %swap3A_1600 = arith.index_cast %swap3A_1599 : i32 to index
      %swap3A_1601 = arith.constant 96 : index
      %swap3A_1602 = tpu.vector_load %arg6[%swap3A_1600, %swap3A_1601] {strides = array<i32>} : memref<8x128xi32, #tpu.memory_space<vmem>>, vector<16xi32>,
      tpu.vector_store %arg6[%swap3A_1600, %swap3A_1601], %add3A_1598 {strides = array<i32>} : memref<8x128xi32, #tpu.memory_space<vmem>>, vector<16xi32>,
      %add3A_1603 = arith.constant 480 : i32
      %add3A_1604 = vector.broadcast %add3A_1603 : i32 to vector<16xi32>
      %add3A_1605 = arith.addi %mul3A_35, %add3A_1604 : vector<16xi32>
      %gather3A_1606 = tpu.vector_load_idx %arg5[%add3A_1605] : memref<512xi32, #tpu.memory_space<vmem>>[vector<16xi32>], vector<16xi32>,
      %add3A_1607 = arith.constant 481 : i32
      %add3A_1608 = vector.broadcast %add3A_1607 : i32 to vector<16xi32>
      %add3A_1609 = arith.addi %mul3A_35, %add3A_1608 : vector<16xi32>
      %gather3A_1610 = tpu.vector_load_idx %arg5[%add3A_1609] : memref<512xi32, #tpu.memory_space<vmem>>[vector<16xi32>], vector<16xi32>,
      %sub3A_1611 = arith.subi %gather3A_1107, %gather3A_1606 : vector<16xi32>
      %jit3A_1612 = arith.constant -32 : i32
      %jit3A_1613 = arith.constant 32 : i32
      %max3A_1614 = vector.broadcast %jit3A_1612 : i32 to vector<16xi32>
      %max3A_1615 = arith.maxsi %max3A_1614, %sub3A_1611 : vector<16xi32>
      %min3A_1616 = vector.broadcast %jit3A_1613 : i32 to vector<16xi32>
      %min3A_1617 = arith.minsi %min3A_1616, %max3A_1615 : vector<16xi32>
      %sub3A_1618 = arith.subi %gather3A_1107, %gather3A_1610 : vector<16xi32>
      %jit3A_1619 = arith.constant -32 : i32
      %jit3A_1620 = arith.constant 32 : i32
      %max3A_1621 = vector.broadcast %jit3A_1619 : i32 to vector<16xi32>
      %max3A_1622 = arith.maxsi %max3A_1621, %sub3A_1618 : vector<16xi32>
      %min3A_1623 = vector.broadcast %jit3A_1620 : i32 to vector<16xi32>
      %min3A_1624 = arith.minsi %min3A_1623, %max3A_1622 : vector<16xi32>
      %mul3A_1625 = arith.constant 65 : i32
      %mul3A_1626 = vector.broadcast %mul3A_1625 : i32 to vector<16xi32>
      %mul3A_1627 = arith.muli %min3A_1617, %mul3A_1626 : vector<16xi32>
      %add3A_1628 = arith.addi %mul3A_1627, %min3A_1624 : vector<16xi32>
      %add3A_1629 = arith.constant 2112 : i32
      %add3A_1630 = vector.broadcast %add3A_1629 : i32 to vector<16xi32>
      %add3A_1631 = arith.addi %add3A_1628, %add3A_1630 : vector<16xi32>
      %swap3A_1632 = arith.constant 5 : i32
      %swap3A_1633 = arith.index_cast %swap3A_1632 : i32 to index
      %swap3A_1634 = arith.constant 112 : index
      %swap3A_1635 = tpu.vector_load %arg6[%swap3A_1633, %swap3A_1634] {strides = array<i32>} : memref<8x128xi32, #tpu.memory_space<vmem>>, vector<16xi32>,
      tpu.vector_store %arg6[%swap3A_1633, %swap3A_1634], %add3A_1631 {strides = array<i32>} : memref<8x128xi32, #tpu.memory_space<vmem>>, vector<16xi32>,
      %add3A_1636 = arith.constant 3 : i32
      %add3A_1637 = arith.addi %add3A_44, %add3A_1636 : i32
      %broadcast_in_dim3A_1638 = vector.broadcast %add3A_1637 : i32 to vector<16xi32>
      %gather3A_1639 = tpu.vector_load_idx %arg5[%broadcast_in_dim3A_1638] : memref<512xi32, #tpu.memory_space<vmem>>[vector<16xi32>], vector<16xi32>,
      %add3A_1640 = arith.constant 0 : i32
      %add3A_1641 = vector.broadcast %add3A_1640 : i32 to vector<16xi32>
      %add3A_1642 = arith.addi %mul3A_35, %add3A_1641 : vector<16xi32>
      %gather3A_1643 = tpu.vector_load_idx %arg5[%add3A_1642] : memref<512xi32, #tpu.memory_space<vmem>>[vector<16xi32>], vector<16xi32>,
      %add3A_1644 = arith.constant 1 : i32
      %add3A_1645 = vector.broadcast %add3A_1644 : i32 to vector<16xi32>
      %add3A_1646 = arith.addi %mul3A_35, %add3A_1645 : vector<16xi32>
      %gather3A_1647 = tpu.vector_load_idx %arg5[%add3A_1646] : memref<512xi32, #tpu.memory_space<vmem>>[vector<16xi32>], vector<16xi32>,
      %sub3A_1648 = arith.subi %gather3A_1639, %gather3A_1643 : vector<16xi32>
      %jit3A_1649 = arith.constant -32 : i32
      %jit3A_1650 = arith.constant 32 : i32
      %max3A_1651 = vector.broadcast %jit3A_1649 : i32 to vector<16xi32>
      %max3A_1652 = arith.maxsi %max3A_1651, %sub3A_1648 : vector<16xi32>
      %min3A_1653 = vector.broadcast %jit3A_1650 : i32 to vector<16xi32>
      %min3A_1654 = arith.minsi %min3A_1653, %max3A_1652 : vector<16xi32>
      %sub3A_1655 = arith.subi %gather3A_1639, %gather3A_1647 : vector<16xi32>
      %jit3A_1656 = arith.constant -32 : i32
      %jit3A_1657 = arith.constant 32 : i32
      %max3A_1658 = vector.broadcast %jit3A_1656 : i32 to vector<16xi32>
      %max3A_1659 = arith.maxsi %max3A_1658, %sub3A_1655 : vector<16xi32>
      %min3A_1660 = vector.broadcast %jit3A_1657 : i32 to vector<16xi32>
      %min3A_1661 = arith.minsi %min3A_1660, %max3A_1659 : vector<16xi32>
      %mul3A_1662 = arith.constant 65 : i32
      %mul3A_1663 = vector.broadcast %mul3A_1662 : i32 to vector<16xi32>
      %mul3A_1664 = arith.muli %min3A_1654, %mul3A_1663 : vector<16xi32>
      %add3A_1665 = arith.addi %mul3A_1664, %min3A_1661 : vector<16xi32>
      %add3A_1666 = arith.constant 2112 : i32
      %add3A_1667 = vector.broadcast %add3A_1666 : i32 to vector<16xi32>
      %add3A_1668 = arith.addi %add3A_1665, %add3A_1667 : vector<16xi32>
      %swap3A_1669 = arith.constant 6 : i32
      %swap3A_1670 = arith.index_cast %swap3A_1669 : i32 to index
      %swap3A_1671 = arith.constant 0 : index
      %swap3A_1672 = tpu.vector_load %arg6[%swap3A_1670, %swap3A_1671] {strides = array<i32>} : memref<8x128xi32, #tpu.memory_space<vmem>>, vector<16xi32>,
      tpu.vector_store %arg6[%swap3A_1670, %swap3A_1671], %add3A_1668 {strides = array<i32>} : memref<8x128xi32, #tpu.memory_space<vmem>>, vector<16xi32>,
      %add3A_1673 = arith.constant 32 : i32
      %add3A_1674 = vector.broadcast %add3A_1673 : i32 to vector<16xi32>
      %add3A_1675 = arith.addi %mul3A_35, %add3A_1674 : vector<16xi32>
      %gather3A_1676 = tpu.vector_load_idx %arg5[%add3A_1675] : memref<512xi32, #tpu.memory_space<vmem>>[vector<16xi32>], vector<16xi32>,
      %add3A_1677 = arith.constant 33 : i32
      %add3A_1678 = vector.broadcast %add3A_1677 : i32 to vector<16xi32>
      %add3A_1679 = arith.addi %mul3A_35, %add3A_1678 : vector<16xi32>
      %gather3A_1680 = tpu.vector_load_idx %arg5[%add3A_1679] : memref<512xi32, #tpu.memory_space<vmem>>[vector<16xi32>], vector<16xi32>,
      %sub3A_1681 = arith.subi %gather3A_1639, %gather3A_1676 : vector<16xi32>
      %jit3A_1682 = arith.constant -32 : i32
      %jit3A_1683 = arith.constant 32 : i32
      %max3A_1684 = vector.broadcast %jit3A_1682 : i32 to vector<16xi32>
      %max3A_1685 = arith.maxsi %max3A_1684, %sub3A_1681 : vector<16xi32>
      %min3A_1686 = vector.broadcast %jit3A_1683 : i32 to vector<16xi32>
      %min3A_1687 = arith.minsi %min3A_1686, %max3A_1685 : vector<16xi32>
      %sub3A_1688 = arith.subi %gather3A_1639, %gather3A_1680 : vector<16xi32>
      %jit3A_1689 = arith.constant -32 : i32
      %jit3A_1690 = arith.constant 32 : i32
      %max3A_1691 = vector.broadcast %jit3A_1689 : i32 to vector<16xi32>
      %max3A_1692 = arith.maxsi %max3A_1691, %sub3A_1688 : vector<16xi32>
      %min3A_1693 = vector.broadcast %jit3A_1690 : i32 to vector<16xi32>
      %min3A_1694 = arith.minsi %min3A_1693, %max3A_1692 : vector<16xi32>
      %mul3A_1695 = arith.constant 65 : i32
      %mul3A_1696 = vector.broadcast %mul3A_1695 : i32 to vector<16xi32>
      %mul3A_1697 = arith.muli %min3A_1687, %mul3A_1696 : vector<16xi32>
      %add3A_1698 = arith.addi %mul3A_1697, %min3A_1694 : vector<16xi32>
      %add3A_1699 = arith.constant 2112 : i32
      %add3A_1700 = vector.broadcast %add3A_1699 : i32 to vector<16xi32>
      %add3A_1701 = arith.addi %add3A_1698, %add3A_1700 : vector<16xi32>
      %swap3A_1702 = arith.constant 6 : i32
      %swap3A_1703 = arith.index_cast %swap3A_1702 : i32 to index
      %swap3A_1704 = arith.constant 16 : index
      %swap3A_1705 = tpu.vector_load %arg6[%swap3A_1703, %swap3A_1704] {strides = array<i32>} : memref<8x128xi32, #tpu.memory_space<vmem>>, vector<16xi32>,
      tpu.vector_store %arg6[%swap3A_1703, %swap3A_1704], %add3A_1701 {strides = array<i32>} : memref<8x128xi32, #tpu.memory_space<vmem>>, vector<16xi32>,
      %add3A_1706 = arith.constant 64 : i32
      %add3A_1707 = vector.broadcast %add3A_1706 : i32 to vector<16xi32>
      %add3A_1708 = arith.addi %mul3A_35, %add3A_1707 : vector<16xi32>
      %gather3A_1709 = tpu.vector_load_idx %arg5[%add3A_1708] : memref<512xi32, #tpu.memory_space<vmem>>[vector<16xi32>], vector<16xi32>,
      %add3A_1710 = arith.constant 65 : i32
      %add3A_1711 = vector.broadcast %add3A_1710 : i32 to vector<16xi32>
      %add3A_1712 = arith.addi %mul3A_35, %add3A_1711 : vector<16xi32>
      %gather3A_1713 = tpu.vector_load_idx %arg5[%add3A_1712] : memref<512xi32, #tpu.memory_space<vmem>>[vector<16xi32>], vector<16xi32>,
      %sub3A_1714 = arith.subi %gather3A_1639, %gather3A_1709 : vector<16xi32>
      %jit3A_1715 = arith.constant -32 : i32
      %jit3A_1716 = arith.constant 32 : i32
      %max3A_1717 = vector.broadcast %jit3A_1715 : i32 to vector<16xi32>
      %max3A_1718 = arith.maxsi %max3A_1717, %sub3A_1714 : vector<16xi32>
      %min3A_1719 = vector.broadcast %jit3A_1716 : i32 to vector<16xi32>
      %min3A_1720 = arith.minsi %min3A_1719, %max3A_1718 : vector<16xi32>
      %sub3A_1721 = arith.subi %gather3A_1639, %gather3A_1713 : vector<16xi32>
      %jit3A_1722 = arith.constant -32 : i32
      %jit3A_1723 = arith.constant 32 : i32
      %max3A_1724 = vector.broadcast %jit3A_1722 : i32 to vector<16xi32>
      %max3A_1725 = arith.maxsi %max3A_1724, %sub3A_1721 : vector<16xi32>
      %min3A_1726 = vector.broadcast %jit3A_1723 : i32 to vector<16xi32>
      %min3A_1727 = arith.minsi %min3A_1726, %max3A_1725 : vector<16xi32>
      %mul3A_1728 = arith.constant 65 : i32
      %mul3A_1729 = vector.broadcast %mul3A_1728 : i32 to vector<16xi32>
      %mul3A_1730 = arith.muli %min3A_1720, %mul3A_1729 : vector<16xi32>
      %add3A_1731 = arith.addi %mul3A_1730, %min3A_1727 : vector<16xi32>
      %add3A_1732 = arith.constant 2112 : i32
      %add3A_1733 = vector.broadcast %add3A_1732 : i32 to vector<16xi32>
      %add3A_1734 = arith.addi %add3A_1731, %add3A_1733 : vector<16xi32>
      %swap3A_1735 = arith.constant 6 : i32
      %swap3A_1736 = arith.index_cast %swap3A_1735 : i32 to index
      %swap3A_1737 = arith.constant 32 : index
      %swap3A_1738 = tpu.vector_load %arg6[%swap3A_1736, %swap3A_1737] {strides = array<i32>} : memref<8x128xi32, #tpu.memory_space<vmem>>, vector<16xi32>,
      tpu.vector_store %arg6[%swap3A_1736, %swap3A_1737], %add3A_1734 {strides = array<i32>} : memref<8x128xi32, #tpu.memory_space<vmem>>, vector<16xi32>,
      %add3A_1739 = arith.constant 96 : i32
      %add3A_1740 = vector.broadcast %add3A_1739 : i32 to vector<16xi32>
      %add3A_1741 = arith.addi %mul3A_35, %add3A_1740 : vector<16xi32>
      %gather3A_1742 = tpu.vector_load_idx %arg5[%add3A_1741] : memref<512xi32, #tpu.memory_space<vmem>>[vector<16xi32>], vector<16xi32>,
      %add3A_1743 = arith.constant 97 : i32
      %add3A_1744 = vector.broadcast %add3A_1743 : i32 to vector<16xi32>
      %add3A_1745 = arith.addi %mul3A_35, %add3A_1744 : vector<16xi32>
      %gather3A_1746 = tpu.vector_load_idx %arg5[%add3A_1745] : memref<512xi32, #tpu.memory_space<vmem>>[vector<16xi32>], vector<16xi32>,
      %sub3A_1747 = arith.subi %gather3A_1639, %gather3A_1742 : vector<16xi32>
      %jit3A_1748 = arith.constant -32 : i32
      %jit3A_1749 = arith.constant 32 : i32
      %max3A_1750 = vector.broadcast %jit3A_1748 : i32 to vector<16xi32>
      %max3A_1751 = arith.maxsi %max3A_1750, %sub3A_1747 : vector<16xi32>
      %min3A_1752 = vector.broadcast %jit3A_1749 : i32 to vector<16xi32>
      %min3A_1753 = arith.minsi %min3A_1752, %max3A_1751 : vector<16xi32>
      %sub3A_1754 = arith.subi %gather3A_1639, %gather3A_1746 : vector<16xi32>
      %jit3A_1755 = arith.constant -32 : i32
      %jit3A_1756 = arith.constant 32 : i32
      %max3A_1757 = vector.broadcast %jit3A_1755 : i32 to vector<16xi32>
      %max3A_1758 = arith.maxsi %max3A_1757, %sub3A_1754 : vector<16xi32>
      %min3A_1759 = vector.broadcast %jit3A_1756 : i32 to vector<16xi32>
      %min3A_1760 = arith.minsi %min3A_1759, %max3A_1758 : vector<16xi32>
      %mul3A_1761 = arith.constant 65 : i32
      %mul3A_1762 = vector.broadcast %mul3A_1761 : i32 to vector<16xi32>
      %mul3A_1763 = arith.muli %min3A_1753, %mul3A_1762 : vector<16xi32>
      %add3A_1764 = arith.addi %mul3A_1763, %min3A_1760 : vector<16xi32>
      %add3A_1765 = arith.constant 2112 : i32
      %add3A_1766 = vector.broadcast %add3A_1765 : i32 to vector<16xi32>
      %add3A_1767 = arith.addi %add3A_1764, %add3A_1766 : vector<16xi32>
      %swap3A_1768 = arith.constant 6 : i32
      %swap3A_1769 = arith.index_cast %swap3A_1768 : i32 to index
      %swap3A_1770 = arith.constant 48 : index
      %swap3A_1771 = tpu.vector_load %arg6[%swap3A_1769, %swap3A_1770] {strides = array<i32>} : memref<8x128xi32, #tpu.memory_space<vmem>>, vector<16xi32>,
      tpu.vector_store %arg6[%swap3A_1769, %swap3A_1770], %add3A_1767 {strides = array<i32>} : memref<8x128xi32, #tpu.memory_space<vmem>>, vector<16xi32>,
      %add3A_1772 = arith.constant 128 : i32
      %add3A_1773 = vector.broadcast %add3A_1772 : i32 to vector<16xi32>
      %add3A_1774 = arith.addi %mul3A_35, %add3A_1773 : vector<16xi32>
      %gather3A_1775 = tpu.vector_load_idx %arg5[%add3A_1774] : memref<512xi32, #tpu.memory_space<vmem>>[vector<16xi32>], vector<16xi32>,
      %add3A_1776 = arith.constant 129 : i32
      %add3A_1777 = vector.broadcast %add3A_1776 : i32 to vector<16xi32>
      %add3A_1778 = arith.addi %mul3A_35, %add3A_1777 : vector<16xi32>
      %gather3A_1779 = tpu.vector_load_idx %arg5[%add3A_1778] : memref<512xi32, #tpu.memory_space<vmem>>[vector<16xi32>], vector<16xi32>,
      %sub3A_1780 = arith.subi %gather3A_1639, %gather3A_1775 : vector<16xi32>
      %jit3A_1781 = arith.constant -32 : i32
      %jit3A_1782 = arith.constant 32 : i32
      %max3A_1783 = vector.broadcast %jit3A_1781 : i32 to vector<16xi32>
      %max3A_1784 = arith.maxsi %max3A_1783, %sub3A_1780 : vector<16xi32>
      %min3A_1785 = vector.broadcast %jit3A_1782 : i32 to vector<16xi32>
      %min3A_1786 = arith.minsi %min3A_1785, %max3A_1784 : vector<16xi32>
      %sub3A_1787 = arith.subi %gather3A_1639, %gather3A_1779 : vector<16xi32>
      %jit3A_1788 = arith.constant -32 : i32
      %jit3A_1789 = arith.constant 32 : i32
      %max3A_1790 = vector.broadcast %jit3A_1788 : i32 to vector<16xi32>
      %max3A_1791 = arith.maxsi %max3A_1790, %sub3A_1787 : vector<16xi32>
      %min3A_1792 = vector.broadcast %jit3A_1789 : i32 to vector<16xi32>
      %min3A_1793 = arith.minsi %min3A_1792, %max3A_1791 : vector<16xi32>
      %mul3A_1794 = arith.constant 65 : i32
      %mul3A_1795 = vector.broadcast %mul3A_1794 : i32 to vector<16xi32>
      %mul3A_1796 = arith.muli %min3A_1786, %mul3A_1795 : vector<16xi32>
      %add3A_1797 = arith.addi %mul3A_1796, %min3A_1793 : vector<16xi32>
      %add3A_1798 = arith.constant 2112 : i32
      %add3A_1799 = vector.broadcast %add3A_1798 : i32 to vector<16xi32>
      %add3A_1800 = arith.addi %add3A_1797, %add3A_1799 : vector<16xi32>
      %swap3A_1801 = arith.constant 6 : i32
      %swap3A_1802 = arith.index_cast %swap3A_1801 : i32 to index
      %swap3A_1803 = arith.constant 64 : index
      %swap3A_1804 = tpu.vector_load %arg6[%swap3A_1802, %swap3A_1803] {strides = array<i32>} : memref<8x128xi32, #tpu.memory_space<vmem>>, vector<16xi32>,
      tpu.vector_store %arg6[%swap3A_1802, %swap3A_1803], %add3A_1800 {strides = array<i32>} : memref<8x128xi32, #tpu.memory_space<vmem>>, vector<16xi32>,
      %add3A_1805 = arith.constant 160 : i32
      %add3A_1806 = vector.broadcast %add3A_1805 : i32 to vector<16xi32>
      %add3A_1807 = arith.addi %mul3A_35, %add3A_1806 : vector<16xi32>
      %gather3A_1808 = tpu.vector_load_idx %arg5[%add3A_1807] : memref<512xi32, #tpu.memory_space<vmem>>[vector<16xi32>], vector<16xi32>,
      %add3A_1809 = arith.constant 161 : i32
      %add3A_1810 = vector.broadcast %add3A_1809 : i32 to vector<16xi32>
      %add3A_1811 = arith.addi %mul3A_35, %add3A_1810 : vector<16xi32>
      %gather3A_1812 = tpu.vector_load_idx %arg5[%add3A_1811] : memref<512xi32, #tpu.memory_space<vmem>>[vector<16xi32>], vector<16xi32>,
      %sub3A_1813 = arith.subi %gather3A_1639, %gather3A_1808 : vector<16xi32>
      %jit3A_1814 = arith.constant -32 : i32
      %jit3A_1815 = arith.constant 32 : i32
      %max3A_1816 = vector.broadcast %jit3A_1814 : i32 to vector<16xi32>
      %max3A_1817 = arith.maxsi %max3A_1816, %sub3A_1813 : vector<16xi32>
      %min3A_1818 = vector.broadcast %jit3A_1815 : i32 to vector<16xi32>
      %min3A_1819 = arith.minsi %min3A_1818, %max3A_1817 : vector<16xi32>
      %sub3A_1820 = arith.subi %gather3A_1639, %gather3A_1812 : vector<16xi32>
      %jit3A_1821 = arith.constant -32 : i32
      %jit3A_1822 = arith.constant 32 : i32
      %max3A_1823 = vector.broadcast %jit3A_1821 : i32 to vector<16xi32>
      %max3A_1824 = arith.maxsi %max3A_1823, %sub3A_1820 : vector<16xi32>
      %min3A_1825 = vector.broadcast %jit3A_1822 : i32 to vector<16xi32>
      %min3A_1826 = arith.minsi %min3A_1825, %max3A_1824 : vector<16xi32>
      %mul3A_1827 = arith.constant 65 : i32
      %mul3A_1828 = vector.broadcast %mul3A_1827 : i32 to vector<16xi32>
      %mul3A_1829 = arith.muli %min3A_1819, %mul3A_1828 : vector<16xi32>
      %add3A_1830 = arith.addi %mul3A_1829, %min3A_1826 : vector<16xi32>
      %add3A_1831 = arith.constant 2112 : i32
      %add3A_1832 = vector.broadcast %add3A_1831 : i32 to vector<16xi32>
      %add3A_1833 = arith.addi %add3A_1830, %add3A_1832 : vector<16xi32>
      %swap3A_1834 = arith.constant 6 : i32
      %swap3A_1835 = arith.index_cast %swap3A_1834 : i32 to index
      %swap3A_1836 = arith.constant 80 : index
      %swap3A_1837 = tpu.vector_load %arg6[%swap3A_1835, %swap3A_1836] {strides = array<i32>} : memref<8x128xi32, #tpu.memory_space<vmem>>, vector<16xi32>,
      tpu.vector_store %arg6[%swap3A_1835, %swap3A_1836], %add3A_1833 {strides = array<i32>} : memref<8x128xi32, #tpu.memory_space<vmem>>, vector<16xi32>,
      %add3A_1838 = arith.constant 192 : i32
      %add3A_1839 = vector.broadcast %add3A_1838 : i32 to vector<16xi32>
      %add3A_1840 = arith.addi %mul3A_35, %add3A_1839 : vector<16xi32>
      %gather3A_1841 = tpu.vector_load_idx %arg5[%add3A_1840] : memref<512xi32, #tpu.memory_space<vmem>>[vector<16xi32>], vector<16xi32>,
      %add3A_1842 = arith.constant 193 : i32
      %add3A_1843 = vector.broadcast %add3A_1842 : i32 to vector<16xi32>
      %add3A_1844 = arith.addi %mul3A_35, %add3A_1843 : vector<16xi32>
      %gather3A_1845 = tpu.vector_load_idx %arg5[%add3A_1844] : memref<512xi32, #tpu.memory_space<vmem>>[vector<16xi32>], vector<16xi32>,
      %sub3A_1846 = arith.subi %gather3A_1639, %gather3A_1841 : vector<16xi32>
      %jit3A_1847 = arith.constant -32 : i32
      %jit3A_1848 = arith.constant 32 : i32
      %max3A_1849 = vector.broadcast %jit3A_1847 : i32 to vector<16xi32>
      %max3A_1850 = arith.maxsi %max3A_1849, %sub3A_1846 : vector<16xi32>
      %min3A_1851 = vector.broadcast %jit3A_1848 : i32 to vector<16xi32>
      %min3A_1852 = arith.minsi %min3A_1851, %max3A_1850 : vector<16xi32>
      %sub3A_1853 = arith.subi %gather3A_1639, %gather3A_1845 : vector<16xi32>
      %jit3A_1854 = arith.constant -32 : i32
      %jit3A_1855 = arith.constant 32 : i32
      %max3A_1856 = vector.broadcast %jit3A_1854 : i32 to vector<16xi32>
      %max3A_1857 = arith.maxsi %max3A_1856, %sub3A_1853 : vector<16xi32>
      %min3A_1858 = vector.broadcast %jit3A_1855 : i32 to vector<16xi32>
      %min3A_1859 = arith.minsi %min3A_1858, %max3A_1857 : vector<16xi32>
      %mul3A_1860 = arith.constant 65 : i32
      %mul3A_1861 = vector.broadcast %mul3A_1860 : i32 to vector<16xi32>
      %mul3A_1862 = arith.muli %min3A_1852, %mul3A_1861 : vector<16xi32>
      %add3A_1863 = arith.addi %mul3A_1862, %min3A_1859 : vector<16xi32>
      %add3A_1864 = arith.constant 2112 : i32
      %add3A_1865 = vector.broadcast %add3A_1864 : i32 to vector<16xi32>
      %add3A_1866 = arith.addi %add3A_1863, %add3A_1865 : vector<16xi32>
      %swap3A_1867 = arith.constant 6 : i32
      %swap3A_1868 = arith.index_cast %swap3A_1867 : i32 to index
      %swap3A_1869 = arith.constant 96 : index
      %swap3A_1870 = tpu.vector_load %arg6[%swap3A_1868, %swap3A_1869] {strides = array<i32>} : memref<8x128xi32, #tpu.memory_space<vmem>>, vector<16xi32>,
      tpu.vector_store %arg6[%swap3A_1868, %swap3A_1869], %add3A_1866 {strides = array<i32>} : memref<8x128xi32, #tpu.memory_space<vmem>>, vector<16xi32>,
      %add3A_1871 = arith.constant 224 : i32
      %add3A_1872 = vector.broadcast %add3A_1871 : i32 to vector<16xi32>
      %add3A_1873 = arith.addi %mul3A_35, %add3A_1872 : vector<16xi32>
      %gather3A_1874 = tpu.vector_load_idx %arg5[%add3A_1873] : memref<512xi32, #tpu.memory_space<vmem>>[vector<16xi32>], vector<16xi32>,
      %add3A_1875 = arith.constant 225 : i32
      %add3A_1876 = vector.broadcast %add3A_1875 : i32 to vector<16xi32>
      %add3A_1877 = arith.addi %mul3A_35, %add3A_1876 : vector<16xi32>
      %gather3A_1878 = tpu.vector_load_idx %arg5[%add3A_1877] : memref<512xi32, #tpu.memory_space<vmem>>[vector<16xi32>], vector<16xi32>,
      %sub3A_1879 = arith.subi %gather3A_1639, %gather3A_1874 : vector<16xi32>
      %jit3A_1880 = arith.constant -32 : i32
      %jit3A_1881 = arith.constant 32 : i32
      %max3A_1882 = vector.broadcast %jit3A_1880 : i32 to vector<16xi32>
      %max3A_1883 = arith.maxsi %max3A_1882, %sub3A_1879 : vector<16xi32>
      %min3A_1884 = vector.broadcast %jit3A_1881 : i32 to vector<16xi32>
      %min3A_1885 = arith.minsi %min3A_1884, %max3A_1883 : vector<16xi32>
      %sub3A_1886 = arith.subi %gather3A_1639, %gather3A_1878 : vector<16xi32>
      %jit3A_1887 = arith.constant -32 : i32
      %jit3A_1888 = arith.constant 32 : i32
      %max3A_1889 = vector.broadcast %jit3A_1887 : i32 to vector<16xi32>
      %max3A_1890 = arith.maxsi %max3A_1889, %sub3A_1886 : vector<16xi32>
      %min3A_1891 = vector.broadcast %jit3A_1888 : i32 to vector<16xi32>
      %min3A_1892 = arith.minsi %min3A_1891, %max3A_1890 : vector<16xi32>
      %mul3A_1893 = arith.constant 65 : i32
      %mul3A_1894 = vector.broadcast %mul3A_1893 : i32 to vector<16xi32>
      %mul3A_1895 = arith.muli %min3A_1885, %mul3A_1894 : vector<16xi32>
      %add3A_1896 = arith.addi %mul3A_1895, %min3A_1892 : vector<16xi32>
      %add3A_1897 = arith.constant 2112 : i32
      %add3A_1898 = vector.broadcast %add3A_1897 : i32 to vector<16xi32>
      %add3A_1899 = arith.addi %add3A_1896, %add3A_1898 : vector<16xi32>
      %swap3A_1900 = arith.constant 6 : i32
      %swap3A_1901 = arith.index_cast %swap3A_1900 : i32 to index
      %swap3A_1902 = arith.constant 112 : index
      %swap3A_1903 = tpu.vector_load %arg6[%swap3A_1901, %swap3A_1902] {strides = array<i32>} : memref<8x128xi32, #tpu.memory_space<vmem>>, vector<16xi32>,
      tpu.vector_store %arg6[%swap3A_1901, %swap3A_1902], %add3A_1899 {strides = array<i32>} : memref<8x128xi32, #tpu.memory_space<vmem>>, vector<16xi32>,
      %add3A_1904 = arith.constant 256 : i32
      %add3A_1905 = vector.broadcast %add3A_1904 : i32 to vector<16xi32>
      %add3A_1906 = arith.addi %mul3A_35, %add3A_1905 : vector<16xi32>
      %gather3A_1907 = tpu.vector_load_idx %arg5[%add3A_1906] : memref<512xi32, #tpu.memory_space<vmem>>[vector<16xi32>], vector<16xi32>,
      %add3A_1908 = arith.constant 257 : i32
      %add3A_1909 = vector.broadcast %add3A_1908 : i32 to vector<16xi32>
      %add3A_1910 = arith.addi %mul3A_35, %add3A_1909 : vector<16xi32>
      %gather3A_1911 = tpu.vector_load_idx %arg5[%add3A_1910] : memref<512xi32, #tpu.memory_space<vmem>>[vector<16xi32>], vector<16xi32>,
      %sub3A_1912 = arith.subi %gather3A_1639, %gather3A_1907 : vector<16xi32>
      %jit3A_1913 = arith.constant -32 : i32
      %jit3A_1914 = arith.constant 32 : i32
      %max3A_1915 = vector.broadcast %jit3A_1913 : i32 to vector<16xi32>
      %max3A_1916 = arith.maxsi %max3A_1915, %sub3A_1912 : vector<16xi32>
      %min3A_1917 = vector.broadcast %jit3A_1914 : i32 to vector<16xi32>
      %min3A_1918 = arith.minsi %min3A_1917, %max3A_1916 : vector<16xi32>
      %sub3A_1919 = arith.subi %gather3A_1639, %gather3A_1911 : vector<16xi32>
      %jit3A_1920 = arith.constant -32 : i32
      %jit3A_1921 = arith.constant 32 : i32
      %max3A_1922 = vector.broadcast %jit3A_1920 : i32 to vector<16xi32>
      %max3A_1923 = arith.maxsi %max3A_1922, %sub3A_1919 : vector<16xi32>
      %min3A_1924 = vector.broadcast %jit3A_1921 : i32 to vector<16xi32>
      %min3A_1925 = arith.minsi %min3A_1924, %max3A_1923 : vector<16xi32>
      %mul3A_1926 = arith.constant 65 : i32
      %mul3A_1927 = vector.broadcast %mul3A_1926 : i32 to vector<16xi32>
      %mul3A_1928 = arith.muli %min3A_1918, %mul3A_1927 : vector<16xi32>
      %add3A_1929 = arith.addi %mul3A_1928, %min3A_1925 : vector<16xi32>
      %add3A_1930 = arith.constant 2112 : i32
      %add3A_1931 = vector.broadcast %add3A_1930 : i32 to vector<16xi32>
      %add3A_1932 = arith.addi %add3A_1929, %add3A_1931 : vector<16xi32>
      %swap3A_1933 = arith.constant 7 : i32
      %swap3A_1934 = arith.index_cast %swap3A_1933 : i32 to index
      %swap3A_1935 = arith.constant 0 : index
      %swap3A_1936 = tpu.vector_load %arg6[%swap3A_1934, %swap3A_1935] {strides = array<i32>} : memref<8x128xi32, #tpu.memory_space<vmem>>, vector<16xi32>,
      tpu.vector_store %arg6[%swap3A_1934, %swap3A_1935], %add3A_1932 {strides = array<i32>} : memref<8x128xi32, #tpu.memory_space<vmem>>, vector<16xi32>,
      %add3A_1937 = arith.constant 288 : i32
      %add3A_1938 = vector.broadcast %add3A_1937 : i32 to vector<16xi32>
      %add3A_1939 = arith.addi %mul3A_35, %add3A_1938 : vector<16xi32>
      %gather3A_1940 = tpu.vector_load_idx %arg5[%add3A_1939] : memref<512xi32, #tpu.memory_space<vmem>>[vector<16xi32>], vector<16xi32>,
      %add3A_1941 = arith.constant 289 : i32
      %add3A_1942 = vector.broadcast %add3A_1941 : i32 to vector<16xi32>
      %add3A_1943 = arith.addi %mul3A_35, %add3A_1942 : vector<16xi32>
      %gather3A_1944 = tpu.vector_load_idx %arg5[%add3A_1943] : memref<512xi32, #tpu.memory_space<vmem>>[vector<16xi32>], vector<16xi32>,
      %sub3A_1945 = arith.subi %gather3A_1639, %gather3A_1940 : vector<16xi32>
      %jit3A_1946 = arith.constant -32 : i32
      %jit3A_1947 = arith.constant 32 : i32
      %max3A_1948 = vector.broadcast %jit3A_1946 : i32 to vector<16xi32>
      %max3A_1949 = arith.maxsi %max3A_1948, %sub3A_1945 : vector<16xi32>
      %min3A_1950 = vector.broadcast %jit3A_1947 : i32 to vector<16xi32>
      %min3A_1951 = arith.minsi %min3A_1950, %max3A_1949 : vector<16xi32>
      %sub3A_1952 = arith.subi %gather3A_1639, %gather3A_1944 : vector<16xi32>
      %jit3A_1953 = arith.constant -32 : i32
      %jit3A_1954 = arith.constant 32 : i32
      %max3A_1955 = vector.broadcast %jit3A_1953 : i32 to vector<16xi32>
      %max3A_1956 = arith.maxsi %max3A_1955, %sub3A_1952 : vector<16xi32>
      %min3A_1957 = vector.broadcast %jit3A_1954 : i32 to vector<16xi32>
      %min3A_1958 = arith.minsi %min3A_1957, %max3A_1956 : vector<16xi32>
      %mul3A_1959 = arith.constant 65 : i32
      %mul3A_1960 = vector.broadcast %mul3A_1959 : i32 to vector<16xi32>
      %mul3A_1961 = arith.muli %min3A_1951, %mul3A_1960 : vector<16xi32>
      %add3A_1962 = arith.addi %mul3A_1961, %min3A_1958 : vector<16xi32>
      %add3A_1963 = arith.constant 2112 : i32
      %add3A_1964 = vector.broadcast %add3A_1963 : i32 to vector<16xi32>
      %add3A_1965 = arith.addi %add3A_1962, %add3A_1964 : vector<16xi32>
      %swap3A_1966 = arith.constant 7 : i32
      %swap3A_1967 = arith.index_cast %swap3A_1966 : i32 to index
      %swap3A_1968 = arith.constant 16 : index
      %swap3A_1969 = tpu.vector_load %arg6[%swap3A_1967, %swap3A_1968] {strides = array<i32>} : memref<8x128xi32, #tpu.memory_space<vmem>>, vector<16xi32>,
      tpu.vector_store %arg6[%swap3A_1967, %swap3A_1968], %add3A_1965 {strides = array<i32>} : memref<8x128xi32, #tpu.memory_space<vmem>>, vector<16xi32>,
      %add3A_1970 = arith.constant 320 : i32
      %add3A_1971 = vector.broadcast %add3A_1970 : i32 to vector<16xi32>
      %add3A_1972 = arith.addi %mul3A_35, %add3A_1971 : vector<16xi32>
      %gather3A_1973 = tpu.vector_load_idx %arg5[%add3A_1972] : memref<512xi32, #tpu.memory_space<vmem>>[vector<16xi32>], vector<16xi32>,
      %add3A_1974 = arith.constant 321 : i32
      %add3A_1975 = vector.broadcast %add3A_1974 : i32 to vector<16xi32>
      %add3A_1976 = arith.addi %mul3A_35, %add3A_1975 : vector<16xi32>
      %gather3A_1977 = tpu.vector_load_idx %arg5[%add3A_1976] : memref<512xi32, #tpu.memory_space<vmem>>[vector<16xi32>], vector<16xi32>,
      %sub3A_1978 = arith.subi %gather3A_1639, %gather3A_1973 : vector<16xi32>
      %jit3A_1979 = arith.constant -32 : i32
      %jit3A_1980 = arith.constant 32 : i32
      %max3A_1981 = vector.broadcast %jit3A_1979 : i32 to vector<16xi32>
      %max3A_1982 = arith.maxsi %max3A_1981, %sub3A_1978 : vector<16xi32>
      %min3A_1983 = vector.broadcast %jit3A_1980 : i32 to vector<16xi32>
      %min3A_1984 = arith.minsi %min3A_1983, %max3A_1982 : vector<16xi32>
      %sub3A_1985 = arith.subi %gather3A_1639, %gather3A_1977 : vector<16xi32>
      %jit3A_1986 = arith.constant -32 : i32
      %jit3A_1987 = arith.constant 32 : i32
      %max3A_1988 = vector.broadcast %jit3A_1986 : i32 to vector<16xi32>
      %max3A_1989 = arith.maxsi %max3A_1988, %sub3A_1985 : vector<16xi32>
      %min3A_1990 = vector.broadcast %jit3A_1987 : i32 to vector<16xi32>
      %min3A_1991 = arith.minsi %min3A_1990, %max3A_1989 : vector<16xi32>
      %mul3A_1992 = arith.constant 65 : i32
      %mul3A_1993 = vector.broadcast %mul3A_1992 : i32 to vector<16xi32>
      %mul3A_1994 = arith.muli %min3A_1984, %mul3A_1993 : vector<16xi32>
      %add3A_1995 = arith.addi %mul3A_1994, %min3A_1991 : vector<16xi32>
      %add3A_1996 = arith.constant 2112 : i32
      %add3A_1997 = vector.broadcast %add3A_1996 : i32 to vector<16xi32>
      %add3A_1998 = arith.addi %add3A_1995, %add3A_1997 : vector<16xi32>
      %swap3A_1999 = arith.constant 7 : i32
      %swap3A_2000 = arith.index_cast %swap3A_1999 : i32 to index
      %swap3A_2001 = arith.constant 32 : index
      %swap3A_2002 = tpu.vector_load %arg6[%swap3A_2000, %swap3A_2001] {strides = array<i32>} : memref<8x128xi32, #tpu.memory_space<vmem>>, vector<16xi32>,
      tpu.vector_store %arg6[%swap3A_2000, %swap3A_2001], %add3A_1998 {strides = array<i32>} : memref<8x128xi32, #tpu.memory_space<vmem>>, vector<16xi32>,
      %add3A_2003 = arith.constant 352 : i32
      %add3A_2004 = vector.broadcast %add3A_2003 : i32 to vector<16xi32>
      %add3A_2005 = arith.addi %mul3A_35, %add3A_2004 : vector<16xi32>
      %gather3A_2006 = tpu.vector_load_idx %arg5[%add3A_2005] : memref<512xi32, #tpu.memory_space<vmem>>[vector<16xi32>], vector<16xi32>,
      %add3A_2007 = arith.constant 353 : i32
      %add3A_2008 = vector.broadcast %add3A_2007 : i32 to vector<16xi32>
      %add3A_2009 = arith.addi %mul3A_35, %add3A_2008 : vector<16xi32>
      %gather3A_2010 = tpu.vector_load_idx %arg5[%add3A_2009] : memref<512xi32, #tpu.memory_space<vmem>>[vector<16xi32>], vector<16xi32>,
      %sub3A_2011 = arith.subi %gather3A_1639, %gather3A_2006 : vector<16xi32>
      %jit3A_2012 = arith.constant -32 : i32
      %jit3A_2013 = arith.constant 32 : i32
      %max3A_2014 = vector.broadcast %jit3A_2012 : i32 to vector<16xi32>
      %max3A_2015 = arith.maxsi %max3A_2014, %sub3A_2011 : vector<16xi32>
      %min3A_2016 = vector.broadcast %jit3A_2013 : i32 to vector<16xi32>
      %min3A_2017 = arith.minsi %min3A_2016, %max3A_2015 : vector<16xi32>
      %sub3A_2018 = arith.subi %gather3A_1639, %gather3A_2010 : vector<16xi32>
      %jit3A_2019 = arith.constant -32 : i32
      %jit3A_2020 = arith.constant 32 : i32
      %max3A_2021 = vector.broadcast %jit3A_2019 : i32 to vector<16xi32>
      %max3A_2022 = arith.maxsi %max3A_2021, %sub3A_2018 : vector<16xi32>
      %min3A_2023 = vector.broadcast %jit3A_2020 : i32 to vector<16xi32>
      %min3A_2024 = arith.minsi %min3A_2023, %max3A_2022 : vector<16xi32>
      %mul3A_2025 = arith.constant 65 : i32
      %mul3A_2026 = vector.broadcast %mul3A_2025 : i32 to vector<16xi32>
      %mul3A_2027 = arith.muli %min3A_2017, %mul3A_2026 : vector<16xi32>
      %add3A_2028 = arith.addi %mul3A_2027, %min3A_2024 : vector<16xi32>
      %add3A_2029 = arith.constant 2112 : i32
      %add3A_2030 = vector.broadcast %add3A_2029 : i32 to vector<16xi32>
      %add3A_2031 = arith.addi %add3A_2028, %add3A_2030 : vector<16xi32>
      %swap3A_2032 = arith.constant 7 : i32
      %swap3A_2033 = arith.index_cast %swap3A_2032 : i32 to index
      %swap3A_2034 = arith.constant 48 : index
      %swap3A_2035 = tpu.vector_load %arg6[%swap3A_2033, %swap3A_2034] {strides = array<i32>} : memref<8x128xi32, #tpu.memory_space<vmem>>, vector<16xi32>,
      tpu.vector_store %arg6[%swap3A_2033, %swap3A_2034], %add3A_2031 {strides = array<i32>} : memref<8x128xi32, #tpu.memory_space<vmem>>, vector<16xi32>,
      %add3A_2036 = arith.constant 384 : i32
      %add3A_2037 = vector.broadcast %add3A_2036 : i32 to vector<16xi32>
      %add3A_2038 = arith.addi %mul3A_35, %add3A_2037 : vector<16xi32>
      %gather3A_2039 = tpu.vector_load_idx %arg5[%add3A_2038] : memref<512xi32, #tpu.memory_space<vmem>>[vector<16xi32>], vector<16xi32>,
      %add3A_2040 = arith.constant 385 : i32
      %add3A_2041 = vector.broadcast %add3A_2040 : i32 to vector<16xi32>
      %add3A_2042 = arith.addi %mul3A_35, %add3A_2041 : vector<16xi32>
      %gather3A_2043 = tpu.vector_load_idx %arg5[%add3A_2042] : memref<512xi32, #tpu.memory_space<vmem>>[vector<16xi32>], vector<16xi32>,
      %sub3A_2044 = arith.subi %gather3A_1639, %gather3A_2039 : vector<16xi32>
      %jit3A_2045 = arith.constant -32 : i32
      %jit3A_2046 = arith.constant 32 : i32
      %max3A_2047 = vector.broadcast %jit3A_2045 : i32 to vector<16xi32>
      %max3A_2048 = arith.maxsi %max3A_2047, %sub3A_2044 : vector<16xi32>
      %min3A_2049 = vector.broadcast %jit3A_2046 : i32 to vector<16xi32>
      %min3A_2050 = arith.minsi %min3A_2049, %max3A_2048 : vector<16xi32>
      %sub3A_2051 = arith.subi %gather3A_1639, %gather3A_2043 : vector<16xi32>
      %jit3A_2052 = arith.constant -32 : i32
      %jit3A_2053 = arith.constant 32 : i32
      %max3A_2054 = vector.broadcast %jit3A_2052 : i32 to vector<16xi32>
      %max3A_2055 = arith.maxsi %max3A_2054, %sub3A_2051 : vector<16xi32>
      %min3A_2056 = vector.broadcast %jit3A_2053 : i32 to vector<16xi32>
      %min3A_2057 = arith.minsi %min3A_2056, %max3A_2055 : vector<16xi32>
      %mul3A_2058 = arith.constant 65 : i32
      %mul3A_2059 = vector.broadcast %mul3A_2058 : i32 to vector<16xi32>
      %mul3A_2060 = arith.muli %min3A_2050, %mul3A_2059 : vector<16xi32>
      %add3A_2061 = arith.addi %mul3A_2060, %min3A_2057 : vector<16xi32>
      %add3A_2062 = arith.constant 2112 : i32
      %add3A_2063 = vector.broadcast %add3A_2062 : i32 to vector<16xi32>
      %add3A_2064 = arith.addi %add3A_2061, %add3A_2063 : vector<16xi32>
      %swap3A_2065 = arith.constant 7 : i32
      %swap3A_2066 = arith.index_cast %swap3A_2065 : i32 to index
      %swap3A_2067 = arith.constant 64 : index
      %swap3A_2068 = tpu.vector_load %arg6[%swap3A_2066, %swap3A_2067] {strides = array<i32>} : memref<8x128xi32, #tpu.memory_space<vmem>>, vector<16xi32>,
      tpu.vector_store %arg6[%swap3A_2066, %swap3A_2067], %add3A_2064 {strides = array<i32>} : memref<8x128xi32, #tpu.memory_space<vmem>>, vector<16xi32>,
      %add3A_2069 = arith.constant 416 : i32
      %add3A_2070 = vector.broadcast %add3A_2069 : i32 to vector<16xi32>
      %add3A_2071 = arith.addi %mul3A_35, %add3A_2070 : vector<16xi32>
      %gather3A_2072 = tpu.vector_load_idx %arg5[%add3A_2071] : memref<512xi32, #tpu.memory_space<vmem>>[vector<16xi32>], vector<16xi32>,
      %add3A_2073 = arith.constant 417 : i32
      %add3A_2074 = vector.broadcast %add3A_2073 : i32 to vector<16xi32>
      %add3A_2075 = arith.addi %mul3A_35, %add3A_2074 : vector<16xi32>
      %gather3A_2076 = tpu.vector_load_idx %arg5[%add3A_2075] : memref<512xi32, #tpu.memory_space<vmem>>[vector<16xi32>], vector<16xi32>,
      %sub3A_2077 = arith.subi %gather3A_1639, %gather3A_2072 : vector<16xi32>
      %jit3A_2078 = arith.constant -32 : i32
      %jit3A_2079 = arith.constant 32 : i32
      %max3A_2080 = vector.broadcast %jit3A_2078 : i32 to vector<16xi32>
      %max3A_2081 = arith.maxsi %max3A_2080, %sub3A_2077 : vector<16xi32>
      %min3A_2082 = vector.broadcast %jit3A_2079 : i32 to vector<16xi32>
      %min3A_2083 = arith.minsi %min3A_2082, %max3A_2081 : vector<16xi32>
      %sub3A_2084 = arith.subi %gather3A_1639, %gather3A_2076 : vector<16xi32>
      %jit3A_2085 = arith.constant -32 : i32
      %jit3A_2086 = arith.constant 32 : i32
      %max3A_2087 = vector.broadcast %jit3A_2085 : i32 to vector<16xi32>
      %max3A_2088 = arith.maxsi %max3A_2087, %sub3A_2084 : vector<16xi32>
      %min3A_2089 = vector.broadcast %jit3A_2086 : i32 to vector<16xi32>
      %min3A_2090 = arith.minsi %min3A_2089, %max3A_2088 : vector<16xi32>
      %mul3A_2091 = arith.constant 65 : i32
      %mul3A_2092 = vector.broadcast %mul3A_2091 : i32 to vector<16xi32>
      %mul3A_2093 = arith.muli %min3A_2083, %mul3A_2092 : vector<16xi32>
      %add3A_2094 = arith.addi %mul3A_2093, %min3A_2090 : vector<16xi32>
      %add3A_2095 = arith.constant 2112 : i32
      %add3A_2096 = vector.broadcast %add3A_2095 : i32 to vector<16xi32>
      %add3A_2097 = arith.addi %add3A_2094, %add3A_2096 : vector<16xi32>
      %swap3A_2098 = arith.constant 7 : i32
      %swap3A_2099 = arith.index_cast %swap3A_2098 : i32 to index
      %swap3A_2100 = arith.constant 80 : index
      %swap3A_2101 = tpu.vector_load %arg6[%swap3A_2099, %swap3A_2100] {strides = array<i32>} : memref<8x128xi32, #tpu.memory_space<vmem>>, vector<16xi32>,
      tpu.vector_store %arg6[%swap3A_2099, %swap3A_2100], %add3A_2097 {strides = array<i32>} : memref<8x128xi32, #tpu.memory_space<vmem>>, vector<16xi32>,
      %add3A_2102 = arith.constant 448 : i32
      %add3A_2103 = vector.broadcast %add3A_2102 : i32 to vector<16xi32>
      %add3A_2104 = arith.addi %mul3A_35, %add3A_2103 : vector<16xi32>
      %gather3A_2105 = tpu.vector_load_idx %arg5[%add3A_2104] : memref<512xi32, #tpu.memory_space<vmem>>[vector<16xi32>], vector<16xi32>,
      %add3A_2106 = arith.constant 449 : i32
      %add3A_2107 = vector.broadcast %add3A_2106 : i32 to vector<16xi32>
      %add3A_2108 = arith.addi %mul3A_35, %add3A_2107 : vector<16xi32>
      %gather3A_2109 = tpu.vector_load_idx %arg5[%add3A_2108] : memref<512xi32, #tpu.memory_space<vmem>>[vector<16xi32>], vector<16xi32>,
      %sub3A_2110 = arith.subi %gather3A_1639, %gather3A_2105 : vector<16xi32>
      %jit3A_2111 = arith.constant -32 : i32
      %jit3A_2112 = arith.constant 32 : i32
      %max3A_2113 = vector.broadcast %jit3A_2111 : i32 to vector<16xi32>
      %max3A_2114 = arith.maxsi %max3A_2113, %sub3A_2110 : vector<16xi32>
      %min3A_2115 = vector.broadcast %jit3A_2112 : i32 to vector<16xi32>
      %min3A_2116 = arith.minsi %min3A_2115, %max3A_2114 : vector<16xi32>
      %sub3A_2117 = arith.subi %gather3A_1639, %gather3A_2109 : vector<16xi32>
      %jit3A_2118 = arith.constant -32 : i32
      %jit3A_2119 = arith.constant 32 : i32
      %max3A_2120 = vector.broadcast %jit3A_2118 : i32 to vector<16xi32>
      %max3A_2121 = arith.maxsi %max3A_2120, %sub3A_2117 : vector<16xi32>
      %min3A_2122 = vector.broadcast %jit3A_2119 : i32 to vector<16xi32>
      %min3A_2123 = arith.minsi %min3A_2122, %max3A_2121 : vector<16xi32>
      %mul3A_2124 = arith.constant 65 : i32
      %mul3A_2125 = vector.broadcast %mul3A_2124 : i32 to vector<16xi32>
      %mul3A_2126 = arith.muli %min3A_2116, %mul3A_2125 : vector<16xi32>
      %add3A_2127 = arith.addi %mul3A_2126, %min3A_2123 : vector<16xi32>
      %add3A_2128 = arith.constant 2112 : i32
      %add3A_2129 = vector.broadcast %add3A_2128 : i32 to vector<16xi32>
      %add3A_2130 = arith.addi %add3A_2127, %add3A_2129 : vector<16xi32>
      %swap3A_2131 = arith.constant 7 : i32
      %swap3A_2132 = arith.index_cast %swap3A_2131 : i32 to index
      %swap3A_2133 = arith.constant 96 : index
      %swap3A_2134 = tpu.vector_load %arg6[%swap3A_2132, %swap3A_2133] {strides = array<i32>} : memref<8x128xi32, #tpu.memory_space<vmem>>, vector<16xi32>,
      tpu.vector_store %arg6[%swap3A_2132, %swap3A_2133], %add3A_2130 {strides = array<i32>} : memref<8x128xi32, #tpu.memory_space<vmem>>, vector<16xi32>,
      %add3A_2135 = arith.constant 480 : i32
      %add3A_2136 = vector.broadcast %add3A_2135 : i32 to vector<16xi32>
      %add3A_2137 = arith.addi %mul3A_35, %add3A_2136 : vector<16xi32>
      %gather3A_2138 = tpu.vector_load_idx %arg5[%add3A_2137] : memref<512xi32, #tpu.memory_space<vmem>>[vector<16xi32>], vector<16xi32>,
      %add3A_2139 = arith.constant 481 : i32
      %add3A_2140 = vector.broadcast %add3A_2139 : i32 to vector<16xi32>
      %add3A_2141 = arith.addi %mul3A_35, %add3A_2140 : vector<16xi32>
      %gather3A_2142 = tpu.vector_load_idx %arg5[%add3A_2141] : memref<512xi32, #tpu.memory_space<vmem>>[vector<16xi32>], vector<16xi32>,
      %sub3A_2143 = arith.subi %gather3A_1639, %gather3A_2138 : vector<16xi32>
      %jit3A_2144 = arith.constant -32 : i32
      %jit3A_2145 = arith.constant 32 : i32
      %max3A_2146 = vector.broadcast %jit3A_2144 : i32 to vector<16xi32>
      %max3A_2147 = arith.maxsi %max3A_2146, %sub3A_2143 : vector<16xi32>
      %min3A_2148 = vector.broadcast %jit3A_2145 : i32 to vector<16xi32>
      %min3A_2149 = arith.minsi %min3A_2148, %max3A_2147 : vector<16xi32>
      %sub3A_2150 = arith.subi %gather3A_1639, %gather3A_2142 : vector<16xi32>
      %jit3A_2151 = arith.constant -32 : i32
      %jit3A_2152 = arith.constant 32 : i32
      %max3A_2153 = vector.broadcast %jit3A_2151 : i32 to vector<16xi32>
      %max3A_2154 = arith.maxsi %max3A_2153, %sub3A_2150 : vector<16xi32>
      %min3A_2155 = vector.broadcast %jit3A_2152 : i32 to vector<16xi32>
      %min3A_2156 = arith.minsi %min3A_2155, %max3A_2154 : vector<16xi32>
      %mul3A_2157 = arith.constant 65 : i32
      %mul3A_2158 = vector.broadcast %mul3A_2157 : i32 to vector<16xi32>
      %mul3A_2159 = arith.muli %min3A_2149, %mul3A_2158 : vector<16xi32>
      %add3A_2160 = arith.addi %mul3A_2159, %min3A_2156 : vector<16xi32>
      %add3A_2161 = arith.constant 2112 : i32
      %add3A_2162 = vector.broadcast %add3A_2161 : i32 to vector<16xi32>
      %add3A_2163 = arith.addi %add3A_2160, %add3A_2162 : vector<16xi32>
      %swap3A_2164 = arith.constant 7 : i32
      %swap3A_2165 = arith.index_cast %swap3A_2164 : i32 to index
      %swap3A_2166 = arith.constant 112 : index
      %swap3A_2167 = tpu.vector_load %arg6[%swap3A_2165, %swap3A_2166] {strides = array<i32>} : memref<8x128xi32, #tpu.memory_space<vmem>>, vector<16xi32>,
      tpu.vector_store %arg6[%swap3A_2165, %swap3A_2166], %add3A_2163 {strides = array<i32>} : memref<8x128xi32, #tpu.memory_space<vmem>>, vector<16xi32>,
      %dma_start3A = arith.constant 0 : i32
      %dma_start3A_2168 = arith.constant 0 : i32
      %dma_start3A_2169 = arith.constant 0 : i32
      %dma_start3A_2170 = arith.constant 0 : i32
      %dma_start3A_2171 = tpu.memref_slice %arg7[%dma_start3A_2168, %dma_start3A_2169, %dma_start3A_2170] : memref<4x256x16xf32, #tpu.memory_space<vmem>> -> memref<1x128x16xf32, #tpu.memory_space<vmem>>
      %dma_start3A_2172 = tpu.memref_squeeze %dma_start3A_2171 : memref<1x128x16xf32, #tpu.memory_space<vmem>> -> memref<128x16xf32, #tpu.memory_space<vmem>>
      %dma_start3A_2173 = arith.constant 0 : i32
      %dma_start3A_2174 = tpu.memref_slice %arg6[%dma_start3A, %dma_start3A_2173] : memref<8x128xi32, #tpu.memory_space<vmem>> -> memref<1x128xi32, #tpu.memory_space<vmem>>
      %dma_start3A_2175 = tpu.memref_squeeze %dma_start3A_2174 : memref<1x128xi32, #tpu.memory_space<vmem>> -> memref<128xi32, #tpu.memory_space<vmem>>
      %dma_start3A_2176 = arith.constant 0 : i32
      %dma_start3A_2177 = arith.constant 0 : i32
      %dma_start3A_2178 = tpu.memref_slice %arg3[%dma_start3A_2176, %dma_start3A_2177] : memref<4225x16xf32, #tpu.memory_space<hbm>> -> memref<4225x16xf32, #tpu.memory_space<hbm>>
      tpu.enqueue_indirect_dma source(%dma_start3A_2178 : memref<4225x16xf32, #tpu.memory_space<hbm>>) target(%dma_start3A_2172 : memref<128x16xf32, #tpu.memory_space<vmem>>) offsets(%dma_start3A_2175 : memref<128xi32, #tpu.memory_space<vmem>>) semaphore(%arg8 : memref<!tpu.dma_semaphore, #tpu.memory_space<semaphore_mem>>)
      %dma_start3A_2179 = arith.constant 1 : i32
      %dma_start3A_2180 = arith.constant 0 : i32
      %dma_start3A_2181 = arith.constant 128 : i32
      %dma_start3A_2182 = arith.constant 0 : i32
      %dma_start3A_2183 = tpu.memref_slice %arg7[%dma_start3A_2180, %dma_start3A_2181, %dma_start3A_2182] : memref<4x256x16xf32, #tpu.memory_space<vmem>> -> memref<1x128x16xf32, #tpu.memory_space<vmem>>
      %dma_start3A_2184 = tpu.memref_squeeze %dma_start3A_2183 : memref<1x128x16xf32, #tpu.memory_space<vmem>> -> memref<128x16xf32, #tpu.memory_space<vmem>>
      %dma_start3A_2185 = arith.constant 0 : i32
      %dma_start3A_2186 = tpu.memref_slice %arg6[%dma_start3A_2179, %dma_start3A_2185] : memref<8x128xi32, #tpu.memory_space<vmem>> -> memref<1x128xi32, #tpu.memory_space<vmem>>
      %dma_start3A_2187 = tpu.memref_squeeze %dma_start3A_2186 : memref<1x128xi32, #tpu.memory_space<vmem>> -> memref<128xi32, #tpu.memory_space<vmem>>
      %dma_start3A_2188 = arith.constant 0 : i32
      %dma_start3A_2189 = arith.constant 0 : i32
      %dma_start3A_2190 = tpu.memref_slice %arg3[%dma_start3A_2188, %dma_start3A_2189] : memref<4225x16xf32, #tpu.memory_space<hbm>> -> memref<4225x16xf32, #tpu.memory_space<hbm>>
      tpu.enqueue_indirect_dma source(%dma_start3A_2190 : memref<4225x16xf32, #tpu.memory_space<hbm>>) target(%dma_start3A_2184 : memref<128x16xf32, #tpu.memory_space<vmem>>) offsets(%dma_start3A_2187 : memref<128xi32, #tpu.memory_space<vmem>>) semaphore(%arg8 : memref<!tpu.dma_semaphore, #tpu.memory_space<semaphore_mem>>)
      %dma_start3A_2191 = arith.constant 2 : i32
      %dma_start3A_2192 = arith.constant 1 : i32
      %dma_start3A_2193 = arith.constant 0 : i32
      %dma_start3A_2194 = arith.constant 0 : i32
      %dma_start3A_2195 = tpu.memref_slice %arg7[%dma_start3A_2192, %dma_start3A_2193, %dma_start3A_2194] : memref<4x256x16xf32, #tpu.memory_space<vmem>> -> memref<1x128x16xf32, #tpu.memory_space<vmem>>
      %dma_start3A_2196 = tpu.memref_squeeze %dma_start3A_2195 : memref<1x128x16xf32, #tpu.memory_space<vmem>> -> memref<128x16xf32, #tpu.memory_space<vmem>>
      %dma_start3A_2197 = arith.constant 0 : i32
      %dma_start3A_2198 = tpu.memref_slice %arg6[%dma_start3A_2191, %dma_start3A_2197] : memref<8x128xi32, #tpu.memory_space<vmem>> -> memref<1x128xi32, #tpu.memory_space<vmem>>
      %dma_start3A_2199 = tpu.memref_squeeze %dma_start3A_2198 : memref<1x128xi32, #tpu.memory_space<vmem>> -> memref<128xi32, #tpu.memory_space<vmem>>
      %dma_start3A_2200 = arith.constant 0 : i32
      %dma_start3A_2201 = arith.constant 0 : i32
      %dma_start3A_2202 = tpu.memref_slice %arg3[%dma_start3A_2200, %dma_start3A_2201] : memref<4225x16xf32, #tpu.memory_space<hbm>> -> memref<4225x16xf32, #tpu.memory_space<hbm>>
      tpu.enqueue_indirect_dma source(%dma_start3A_2202 : memref<4225x16xf32, #tpu.memory_space<hbm>>) target(%dma_start3A_2196 : memref<128x16xf32, #tpu.memory_space<vmem>>) offsets(%dma_start3A_2199 : memref<128xi32, #tpu.memory_space<vmem>>) semaphore(%arg8 : memref<!tpu.dma_semaphore, #tpu.memory_space<semaphore_mem>>)
      %dma_start3A_2203 = arith.constant 3 : i32
      %dma_start3A_2204 = arith.constant 1 : i32
      %dma_start3A_2205 = arith.constant 128 : i32
      %dma_start3A_2206 = arith.constant 0 : i32
      %dma_start3A_2207 = tpu.memref_slice %arg7[%dma_start3A_2204, %dma_start3A_2205, %dma_start3A_2206] : memref<4x256x16xf32, #tpu.memory_space<vmem>> -> memref<1x128x16xf32, #tpu.memory_space<vmem>>
      %dma_start3A_2208 = tpu.memref_squeeze %dma_start3A_2207 : memref<1x128x16xf32, #tpu.memory_space<vmem>> -> memref<128x16xf32, #tpu.memory_space<vmem>>
      %dma_start3A_2209 = arith.constant 0 : i32
      %dma_start3A_2210 = tpu.memref_slice %arg6[%dma_start3A_2203, %dma_start3A_2209] : memref<8x128xi32, #tpu.memory_space<vmem>> -> memref<1x128xi32, #tpu.memory_space<vmem>>
      %dma_start3A_2211 = tpu.memref_squeeze %dma_start3A_2210 : memref<1x128xi32, #tpu.memory_space<vmem>> -> memref<128xi32, #tpu.memory_space<vmem>>
      %dma_start3A_2212 = arith.constant 0 : i32
      %dma_start3A_2213 = arith.constant 0 : i32
      %dma_start3A_2214 = tpu.memref_slice %arg3[%dma_start3A_2212, %dma_start3A_2213] : memref<4225x16xf32, #tpu.memory_space<hbm>> -> memref<4225x16xf32, #tpu.memory_space<hbm>>
      tpu.enqueue_indirect_dma source(%dma_start3A_2214 : memref<4225x16xf32, #tpu.memory_space<hbm>>) target(%dma_start3A_2208 : memref<128x16xf32, #tpu.memory_space<vmem>>) offsets(%dma_start3A_2211 : memref<128xi32, #tpu.memory_space<vmem>>) semaphore(%arg8 : memref<!tpu.dma_semaphore, #tpu.memory_space<semaphore_mem>>)
      %dma_start3A_2215 = arith.constant 4 : i32
      %dma_start3A_2216 = arith.constant 2 : i32
      %dma_start3A_2217 = arith.constant 0 : i32
      %dma_start3A_2218 = arith.constant 0 : i32
      %dma_start3A_2219 = tpu.memref_slice %arg7[%dma_start3A_2216, %dma_start3A_2217, %dma_start3A_2218] : memref<4x256x16xf32, #tpu.memory_space<vmem>> -> memref<1x128x16xf32, #tpu.memory_space<vmem>>
      %dma_start3A_2220 = tpu.memref_squeeze %dma_start3A_2219 : memref<1x128x16xf32, #tpu.memory_space<vmem>> -> memref<128x16xf32, #tpu.memory_space<vmem>>
      %dma_start3A_2221 = arith.constant 0 : i32
      %dma_start3A_2222 = tpu.memref_slice %arg6[%dma_start3A_2215, %dma_start3A_2221] : memref<8x128xi32, #tpu.memory_space<vmem>> -> memref<1x128xi32, #tpu.memory_space<vmem>>
      %dma_start3A_2223 = tpu.memref_squeeze %dma_start3A_2222 : memref<1x128xi32, #tpu.memory_space<vmem>> -> memref<128xi32, #tpu.memory_space<vmem>>
      %dma_start3A_2224 = arith.constant 0 : i32
      %dma_start3A_2225 = arith.constant 0 : i32
      %dma_start3A_2226 = tpu.memref_slice %arg3[%dma_start3A_2224, %dma_start3A_2225] : memref<4225x16xf32, #tpu.memory_space<hbm>> -> memref<4225x16xf32, #tpu.memory_space<hbm>>
      tpu.enqueue_indirect_dma source(%dma_start3A_2226 : memref<4225x16xf32, #tpu.memory_space<hbm>>) target(%dma_start3A_2220 : memref<128x16xf32, #tpu.memory_space<vmem>>) offsets(%dma_start3A_2223 : memref<128xi32, #tpu.memory_space<vmem>>) semaphore(%arg8 : memref<!tpu.dma_semaphore, #tpu.memory_space<semaphore_mem>>)
      %dma_start3A_2227 = arith.constant 5 : i32
      %dma_start3A_2228 = arith.constant 2 : i32
      %dma_start3A_2229 = arith.constant 128 : i32
      %dma_start3A_2230 = arith.constant 0 : i32
      %dma_start3A_2231 = tpu.memref_slice %arg7[%dma_start3A_2228, %dma_start3A_2229, %dma_start3A_2230] : memref<4x256x16xf32, #tpu.memory_space<vmem>> -> memref<1x128x16xf32, #tpu.memory_space<vmem>>
      %dma_start3A_2232 = tpu.memref_squeeze %dma_start3A_2231 : memref<1x128x16xf32, #tpu.memory_space<vmem>> -> memref<128x16xf32, #tpu.memory_space<vmem>>
      %dma_start3A_2233 = arith.constant 0 : i32
      %dma_start3A_2234 = tpu.memref_slice %arg6[%dma_start3A_2227, %dma_start3A_2233] : memref<8x128xi32, #tpu.memory_space<vmem>> -> memref<1x128xi32, #tpu.memory_space<vmem>>
      %dma_start3A_2235 = tpu.memref_squeeze %dma_start3A_2234 : memref<1x128xi32, #tpu.memory_space<vmem>> -> memref<128xi32, #tpu.memory_space<vmem>>
      %dma_start3A_2236 = arith.constant 0 : i32
      %dma_start3A_2237 = arith.constant 0 : i32
      %dma_start3A_2238 = tpu.memref_slice %arg3[%dma_start3A_2236, %dma_start3A_2237] : memref<4225x16xf32, #tpu.memory_space<hbm>> -> memref<4225x16xf32, #tpu.memory_space<hbm>>
      tpu.enqueue_indirect_dma source(%dma_start3A_2238 : memref<4225x16xf32, #tpu.memory_space<hbm>>) target(%dma_start3A_2232 : memref<128x16xf32, #tpu.memory_space<vmem>>) offsets(%dma_start3A_2235 : memref<128xi32, #tpu.memory_space<vmem>>) semaphore(%arg8 : memref<!tpu.dma_semaphore, #tpu.memory_space<semaphore_mem>>)
      %dma_start3A_2239 = arith.constant 6 : i32
      %dma_start3A_2240 = arith.constant 3 : i32
      %dma_start3A_2241 = arith.constant 0 : i32
      %dma_start3A_2242 = arith.constant 0 : i32
      %dma_start3A_2243 = tpu.memref_slice %arg7[%dma_start3A_2240, %dma_start3A_2241, %dma_start3A_2242] : memref<4x256x16xf32, #tpu.memory_space<vmem>> -> memref<1x128x16xf32, #tpu.memory_space<vmem>>
      %dma_start3A_2244 = tpu.memref_squeeze %dma_start3A_2243 : memref<1x128x16xf32, #tpu.memory_space<vmem>> -> memref<128x16xf32, #tpu.memory_space<vmem>>
      %dma_start3A_2245 = arith.constant 0 : i32
      %dma_start3A_2246 = tpu.memref_slice %arg6[%dma_start3A_2239, %dma_start3A_2245] : memref<8x128xi32, #tpu.memory_space<vmem>> -> memref<1x128xi32, #tpu.memory_space<vmem>>
      %dma_start3A_2247 = tpu.memref_squeeze %dma_start3A_2246 : memref<1x128xi32, #tpu.memory_space<vmem>> -> memref<128xi32, #tpu.memory_space<vmem>>
      %dma_start3A_2248 = arith.constant 0 : i32
      %dma_start3A_2249 = arith.constant 0 : i32
      %dma_start3A_2250 = tpu.memref_slice %arg3[%dma_start3A_2248, %dma_start3A_2249] : memref<4225x16xf32, #tpu.memory_space<hbm>> -> memref<4225x16xf32, #tpu.memory_space<hbm>>
      tpu.enqueue_indirect_dma source(%dma_start3A_2250 : memref<4225x16xf32, #tpu.memory_space<hbm>>) target(%dma_start3A_2244 : memref<128x16xf32, #tpu.memory_space<vmem>>) offsets(%dma_start3A_2247 : memref<128xi32, #tpu.memory_space<vmem>>) semaphore(%arg8 : memref<!tpu.dma_semaphore, #tpu.memory_space<semaphore_mem>>)
      %dma_start3A_2251 = arith.constant 7 : i32
      %dma_start3A_2252 = arith.constant 3 : i32
      %dma_start3A_2253 = arith.constant 128 : i32
      %dma_start3A_2254 = arith.constant 0 : i32
      %dma_start3A_2255 = tpu.memref_slice %arg7[%dma_start3A_2252, %dma_start3A_2253, %dma_start3A_2254] : memref<4x256x16xf32, #tpu.memory_space<vmem>> -> memref<1x128x16xf32, #tpu.memory_space<vmem>>
      %dma_start3A_2256 = tpu.memref_squeeze %dma_start3A_2255 : memref<1x128x16xf32, #tpu.memory_space<vmem>> -> memref<128x16xf32, #tpu.memory_space<vmem>>
      %dma_start3A_2257 = arith.constant 0 : i32
      %dma_start3A_2258 = tpu.memref_slice %arg6[%dma_start3A_2251, %dma_start3A_2257] : memref<8x128xi32, #tpu.memory_space<vmem>> -> memref<1x128xi32, #tpu.memory_space<vmem>>
      %dma_start3A_2259 = tpu.memref_squeeze %dma_start3A_2258 : memref<1x128xi32, #tpu.memory_space<vmem>> -> memref<128xi32, #tpu.memory_space<vmem>>
      %dma_start3A_2260 = arith.constant 0 : i32
      %dma_start3A_2261 = arith.constant 0 : i32
      %dma_start3A_2262 = tpu.memref_slice %arg3[%dma_start3A_2260, %dma_start3A_2261] : memref<4225x16xf32, #tpu.memory_space<hbm>> -> memref<4225x16xf32, #tpu.memory_space<hbm>>
      tpu.enqueue_indirect_dma source(%dma_start3A_2262 : memref<4225x16xf32, #tpu.memory_space<hbm>>) target(%dma_start3A_2256 : memref<128x16xf32, #tpu.memory_space<vmem>>) offsets(%dma_start3A_2259 : memref<128xi32, #tpu.memory_space<vmem>>) semaphore(%arg8 : memref<!tpu.dma_semaphore, #tpu.memory_space<semaphore_mem>>)
      %dma_wait3A = arith.constant 0 : i32
      %dma_wait3A_2263 = arith.constant 0 : i32
      %dma_wait3A_2264 = arith.constant 0 : i32
      %dma_wait3A_2265 = arith.constant 0 : i32
      %dma_wait3A_2266 = tpu.memref_slice %arg7[%dma_wait3A_2263, %dma_wait3A_2264, %dma_wait3A_2265] : memref<4x256x16xf32, #tpu.memory_space<vmem>> -> memref<1x128x16xf32, #tpu.memory_space<vmem>>
      %dma_wait3A_2267 = tpu.memref_squeeze %dma_wait3A_2266 : memref<1x128x16xf32, #tpu.memory_space<vmem>> -> memref<128x16xf32, #tpu.memory_space<vmem>>
      %dma_wait3A_2268 = arith.constant 0 : i32
      %dma_wait3A_2269 = tpu.memref_slice %arg6[%dma_wait3A, %dma_wait3A_2268] : memref<8x128xi32, #tpu.memory_space<vmem>> -> memref<1x128xi32, #tpu.memory_space<vmem>>
      %dma_wait3A_2270 = tpu.memref_squeeze %dma_wait3A_2269 : memref<1x128xi32, #tpu.memory_space<vmem>> -> memref<128xi32, #tpu.memory_space<vmem>>
      %dma_wait3A_2271 = arith.constant 0 : i32
      %dma_wait3A_2272 = arith.constant 0 : i32
      %dma_wait3A_2273 = tpu.memref_slice %arg3[%dma_wait3A_2271, %dma_wait3A_2272] : memref<4225x16xf32, #tpu.memory_space<hbm>> -> memref<4225x16xf32, #tpu.memory_space<hbm>>
      tpu.wait_indirect_dma semaphore(%arg8 : memref<!tpu.dma_semaphore, #tpu.memory_space<semaphore_mem>>) src(%dma_wait3A_2273 : memref<4225x16xf32, #tpu.memory_space<hbm>>) dst(%dma_wait3A_2267 : memref<128x16xf32, #tpu.memory_space<vmem>>)
      %dma_wait3A_2274 = arith.constant 1 : i32
      %dma_wait3A_2275 = arith.constant 0 : i32
      %dma_wait3A_2276 = arith.constant 128 : i32
      %dma_wait3A_2277 = arith.constant 0 : i32
      %dma_wait3A_2278 = tpu.memref_slice %arg7[%dma_wait3A_2275, %dma_wait3A_2276, %dma_wait3A_2277] : memref<4x256x16xf32, #tpu.memory_space<vmem>> -> memref<1x128x16xf32, #tpu.memory_space<vmem>>
      %dma_wait3A_2279 = tpu.memref_squeeze %dma_wait3A_2278 : memref<1x128x16xf32, #tpu.memory_space<vmem>> -> memref<128x16xf32, #tpu.memory_space<vmem>>
      %dma_wait3A_2280 = arith.constant 0 : i32
      %dma_wait3A_2281 = tpu.memref_slice %arg6[%dma_wait3A_2274, %dma_wait3A_2280] : memref<8x128xi32, #tpu.memory_space<vmem>> -> memref<1x128xi32, #tpu.memory_space<vmem>>
      %dma_wait3A_2282 = tpu.memref_squeeze %dma_wait3A_2281 : memref<1x128xi32, #tpu.memory_space<vmem>> -> memref<128xi32, #tpu.memory_space<vmem>>
      %dma_wait3A_2283 = arith.constant 0 : i32
      %dma_wait3A_2284 = arith.constant 0 : i32
      %dma_wait3A_2285 = tpu.memref_slice %arg3[%dma_wait3A_2283, %dma_wait3A_2284] : memref<4225x16xf32, #tpu.memory_space<hbm>> -> memref<4225x16xf32, #tpu.memory_space<hbm>>
      tpu.wait_indirect_dma semaphore(%arg8 : memref<!tpu.dma_semaphore, #tpu.memory_space<semaphore_mem>>) src(%dma_wait3A_2285 : memref<4225x16xf32, #tpu.memory_space<hbm>>) dst(%dma_wait3A_2279 : memref<128x16xf32, #tpu.memory_space<vmem>>)
      %dma_wait3A_2286 = arith.constant 2 : i32
      %dma_wait3A_2287 = arith.constant 1 : i32
      %dma_wait3A_2288 = arith.constant 0 : i32
      %dma_wait3A_2289 = arith.constant 0 : i32
      %dma_wait3A_2290 = tpu.memref_slice %arg7[%dma_wait3A_2287, %dma_wait3A_2288, %dma_wait3A_2289] : memref<4x256x16xf32, #tpu.memory_space<vmem>> -> memref<1x128x16xf32, #tpu.memory_space<vmem>>
      %dma_wait3A_2291 = tpu.memref_squeeze %dma_wait3A_2290 : memref<1x128x16xf32, #tpu.memory_space<vmem>> -> memref<128x16xf32, #tpu.memory_space<vmem>>
      %dma_wait3A_2292 = arith.constant 0 : i32
      %dma_wait3A_2293 = tpu.memref_slice %arg6[%dma_wait3A_2286, %dma_wait3A_2292] : memref<8x128xi32, #tpu.memory_space<vmem>> -> memref<1x128xi32, #tpu.memory_space<vmem>>
      %dma_wait3A_2294 = tpu.memref_squeeze %dma_wait3A_2293 : memref<1x128xi32, #tpu.memory_space<vmem>> -> memref<128xi32, #tpu.memory_space<vmem>>
      %dma_wait3A_2295 = arith.constant 0 : i32
      %dma_wait3A_2296 = arith.constant 0 : i32
      %dma_wait3A_2297 = tpu.memref_slice %arg3[%dma_wait3A_2295, %dma_wait3A_2296] : memref<4225x16xf32, #tpu.memory_space<hbm>> -> memref<4225x16xf32, #tpu.memory_space<hbm>>
      tpu.wait_indirect_dma semaphore(%arg8 : memref<!tpu.dma_semaphore, #tpu.memory_space<semaphore_mem>>) src(%dma_wait3A_2297 : memref<4225x16xf32, #tpu.memory_space<hbm>>) dst(%dma_wait3A_2291 : memref<128x16xf32, #tpu.memory_space<vmem>>)
      %dma_wait3A_2298 = arith.constant 3 : i32
      %dma_wait3A_2299 = arith.constant 1 : i32
      %dma_wait3A_2300 = arith.constant 128 : i32
      %dma_wait3A_2301 = arith.constant 0 : i32
      %dma_wait3A_2302 = tpu.memref_slice %arg7[%dma_wait3A_2299, %dma_wait3A_2300, %dma_wait3A_2301] : memref<4x256x16xf32, #tpu.memory_space<vmem>> -> memref<1x128x16xf32, #tpu.memory_space<vmem>>
      %dma_wait3A_2303 = tpu.memref_squeeze %dma_wait3A_2302 : memref<1x128x16xf32, #tpu.memory_space<vmem>> -> memref<128x16xf32, #tpu.memory_space<vmem>>
      %dma_wait3A_2304 = arith.constant 0 : i32
      %dma_wait3A_2305 = tpu.memref_slice %arg6[%dma_wait3A_2298, %dma_wait3A_2304] : memref<8x128xi32, #tpu.memory_space<vmem>> -> memref<1x128xi32, #tpu.memory_space<vmem>>
      %dma_wait3A_2306 = tpu.memref_squeeze %dma_wait3A_2305 : memref<1x128xi32, #tpu.memory_space<vmem>> -> memref<128xi32, #tpu.memory_space<vmem>>
      %dma_wait3A_2307 = arith.constant 0 : i32
      %dma_wait3A_2308 = arith.constant 0 : i32
      %dma_wait3A_2309 = tpu.memref_slice %arg3[%dma_wait3A_2307, %dma_wait3A_2308] : memref<4225x16xf32, #tpu.memory_space<hbm>> -> memref<4225x16xf32, #tpu.memory_space<hbm>>
      tpu.wait_indirect_dma semaphore(%arg8 : memref<!tpu.dma_semaphore, #tpu.memory_space<semaphore_mem>>) src(%dma_wait3A_2309 : memref<4225x16xf32, #tpu.memory_space<hbm>>) dst(%dma_wait3A_2303 : memref<128x16xf32, #tpu.memory_space<vmem>>)
      %dma_wait3A_2310 = arith.constant 4 : i32
      %dma_wait3A_2311 = arith.constant 2 : i32
      %dma_wait3A_2312 = arith.constant 0 : i32
      %dma_wait3A_2313 = arith.constant 0 : i32
      %dma_wait3A_2314 = tpu.memref_slice %arg7[%dma_wait3A_2311, %dma_wait3A_2312, %dma_wait3A_2313] : memref<4x256x16xf32, #tpu.memory_space<vmem>> -> memref<1x128x16xf32, #tpu.memory_space<vmem>>
      %dma_wait3A_2315 = tpu.memref_squeeze %dma_wait3A_2314 : memref<1x128x16xf32, #tpu.memory_space<vmem>> -> memref<128x16xf32, #tpu.memory_space<vmem>>
      %dma_wait3A_2316 = arith.constant 0 : i32
      %dma_wait3A_2317 = tpu.memref_slice %arg6[%dma_wait3A_2310, %dma_wait3A_2316] : memref<8x128xi32, #tpu.memory_space<vmem>> -> memref<1x128xi32, #tpu.memory_space<vmem>>
      %dma_wait3A_2318 = tpu.memref_squeeze %dma_wait3A_2317 : memref<1x128xi32, #tpu.memory_space<vmem>> -> memref<128xi32, #tpu.memory_space<vmem>>
      %dma_wait3A_2319 = arith.constant 0 : i32
      %dma_wait3A_2320 = arith.constant 0 : i32
      %dma_wait3A_2321 = tpu.memref_slice %arg3[%dma_wait3A_2319, %dma_wait3A_2320] : memref<4225x16xf32, #tpu.memory_space<hbm>> -> memref<4225x16xf32, #tpu.memory_space<hbm>>
      tpu.wait_indirect_dma semaphore(%arg8 : memref<!tpu.dma_semaphore, #tpu.memory_space<semaphore_mem>>) src(%dma_wait3A_2321 : memref<4225x16xf32, #tpu.memory_space<hbm>>) dst(%dma_wait3A_2315 : memref<128x16xf32, #tpu.memory_space<vmem>>)
      %dma_wait3A_2322 = arith.constant 5 : i32
      %dma_wait3A_2323 = arith.constant 2 : i32
      %dma_wait3A_2324 = arith.constant 128 : i32
      %dma_wait3A_2325 = arith.constant 0 : i32
      %dma_wait3A_2326 = tpu.memref_slice %arg7[%dma_wait3A_2323, %dma_wait3A_2324, %dma_wait3A_2325] : memref<4x256x16xf32, #tpu.memory_space<vmem>> -> memref<1x128x16xf32, #tpu.memory_space<vmem>>
      %dma_wait3A_2327 = tpu.memref_squeeze %dma_wait3A_2326 : memref<1x128x16xf32, #tpu.memory_space<vmem>> -> memref<128x16xf32, #tpu.memory_space<vmem>>
      %dma_wait3A_2328 = arith.constant 0 : i32
      %dma_wait3A_2329 = tpu.memref_slice %arg6[%dma_wait3A_2322, %dma_wait3A_2328] : memref<8x128xi32, #tpu.memory_space<vmem>> -> memref<1x128xi32, #tpu.memory_space<vmem>>
      %dma_wait3A_2330 = tpu.memref_squeeze %dma_wait3A_2329 : memref<1x128xi32, #tpu.memory_space<vmem>> -> memref<128xi32, #tpu.memory_space<vmem>>
      %dma_wait3A_2331 = arith.constant 0 : i32
      %dma_wait3A_2332 = arith.constant 0 : i32
      %dma_wait3A_2333 = tpu.memref_slice %arg3[%dma_wait3A_2331, %dma_wait3A_2332] : memref<4225x16xf32, #tpu.memory_space<hbm>> -> memref<4225x16xf32, #tpu.memory_space<hbm>>
      tpu.wait_indirect_dma semaphore(%arg8 : memref<!tpu.dma_semaphore, #tpu.memory_space<semaphore_mem>>) src(%dma_wait3A_2333 : memref<4225x16xf32, #tpu.memory_space<hbm>>) dst(%dma_wait3A_2327 : memref<128x16xf32, #tpu.memory_space<vmem>>)
      %dma_wait3A_2334 = arith.constant 6 : i32
      %dma_wait3A_2335 = arith.constant 3 : i32
      %dma_wait3A_2336 = arith.constant 0 : i32
      %dma_wait3A_2337 = arith.constant 0 : i32
      %dma_wait3A_2338 = tpu.memref_slice %arg7[%dma_wait3A_2335, %dma_wait3A_2336, %dma_wait3A_2337] : memref<4x256x16xf32, #tpu.memory_space<vmem>> -> memref<1x128x16xf32, #tpu.memory_space<vmem>>
      %dma_wait3A_2339 = tpu.memref_squeeze %dma_wait3A_2338 : memref<1x128x16xf32, #tpu.memory_space<vmem>> -> memref<128x16xf32, #tpu.memory_space<vmem>>
      %dma_wait3A_2340 = arith.constant 0 : i32
      %dma_wait3A_2341 = tpu.memref_slice %arg6[%dma_wait3A_2334, %dma_wait3A_2340] : memref<8x128xi32, #tpu.memory_space<vmem>> -> memref<1x128xi32, #tpu.memory_space<vmem>>
      %dma_wait3A_2342 = tpu.memref_squeeze %dma_wait3A_2341 : memref<1x128xi32, #tpu.memory_space<vmem>> -> memref<128xi32, #tpu.memory_space<vmem>>
      %dma_wait3A_2343 = arith.constant 0 : i32
      %dma_wait3A_2344 = arith.constant 0 : i32
      %dma_wait3A_2345 = tpu.memref_slice %arg3[%dma_wait3A_2343, %dma_wait3A_2344] : memref<4225x16xf32, #tpu.memory_space<hbm>> -> memref<4225x16xf32, #tpu.memory_space<hbm>>
      tpu.wait_indirect_dma semaphore(%arg8 : memref<!tpu.dma_semaphore, #tpu.memory_space<semaphore_mem>>) src(%dma_wait3A_2345 : memref<4225x16xf32, #tpu.memory_space<hbm>>) dst(%dma_wait3A_2339 : memref<128x16xf32, #tpu.memory_space<vmem>>)
      %dma_wait3A_2346 = arith.constant 7 : i32
      %dma_wait3A_2347 = arith.constant 3 : i32
      %dma_wait3A_2348 = arith.constant 128 : i32
      %dma_wait3A_2349 = arith.constant 0 : i32
      %dma_wait3A_2350 = tpu.memref_slice %arg7[%dma_wait3A_2347, %dma_wait3A_2348, %dma_wait3A_2349] : memref<4x256x16xf32, #tpu.memory_space<vmem>> -> memref<1x128x16xf32, #tpu.memory_space<vmem>>
      %dma_wait3A_2351 = tpu.memref_squeeze %dma_wait3A_2350 : memref<1x128x16xf32, #tpu.memory_space<vmem>> -> memref<128x16xf32, #tpu.memory_space<vmem>>
      %dma_wait3A_2352 = arith.constant 0 : i32
      %dma_wait3A_2353 = tpu.memref_slice %arg6[%dma_wait3A_2346, %dma_wait3A_2352] : memref<8x128xi32, #tpu.memory_space<vmem>> -> memref<1x128xi32, #tpu.memory_space<vmem>>
      %dma_wait3A_2354 = tpu.memref_squeeze %dma_wait3A_2353 : memref<1x128xi32, #tpu.memory_space<vmem>> -> memref<128xi32, #tpu.memory_space<vmem>>
      %dma_wait3A_2355 = arith.constant 0 : i32
      %dma_wait3A_2356 = arith.constant 0 : i32
      %dma_wait3A_2357 = tpu.memref_slice %arg3[%dma_wait3A_2355, %dma_wait3A_2356] : memref<4225x16xf32, #tpu.memory_space<hbm>> -> memref<4225x16xf32, #tpu.memory_space<hbm>>
      tpu.wait_indirect_dma semaphore(%arg8 : memref<!tpu.dma_semaphore, #tpu.memory_space<semaphore_mem>>) src(%dma_wait3A_2357 : memref<4225x16xf32, #tpu.memory_space<hbm>>) dst(%dma_wait3A_2351 : memref<128x16xf32, #tpu.memory_space<vmem>>)
      "tpu.region"() ({
        %run_scoped3A = tpu.sem_alloc : memref<!tpu.dma_semaphore, #tpu.memory_space<semaphore_mem>>
        %dma_start3A_2358 = arith.constant 0 : i32
        %dma_start3A_2359 = arith.constant 0 : i32
        %dma_start3A_2360 = tpu.memref_slice %arg4[%select_n3A, %add3A_44, %dma_start3A_2358, %dma_start3A_2359] : memref<4x512x256x16xf32, #tpu.memory_space<hbm>> -> memref<1x4x256x16xf32, #tpu.memory_space<hbm>>
        %dma_start3A_2361 = tpu.memref_squeeze %dma_start3A_2360 : memref<1x4x256x16xf32, #tpu.memory_space<hbm>> -> memref<4x256x16xf32, #tpu.memory_space<hbm>>
        %dma_start3A_2362 = arith.constant 0 : i32
        %dma_start3A_2363 = arith.constant 0 : i32
        %dma_start3A_2364 = tpu.memref_slice %arg4[%select_n3A, %add3A_44, %dma_start3A_2362, %dma_start3A_2363] : memref<4x512x256x16xf32, #tpu.memory_space<hbm>> -> memref<1x4x256x16xf32, #tpu.memory_space<hbm>>
        %dma_start3A_2365 = tpu.memref_squeeze %dma_start3A_2364 : memref<1x4x256x16xf32, #tpu.memory_space<hbm>> -> memref<4x256x16xf32, #tpu.memory_space<hbm>>
        tpu.enqueue_dma source(%arg7 : memref<4x256x16xf32, #tpu.memory_space<vmem>>) target(%dma_start3A_2365 : memref<4x256x16xf32, #tpu.memory_space<hbm>>) target_semaphore(%run_scoped3A : memref<!tpu.dma_semaphore, #tpu.memory_space<semaphore_mem>>)
        %dma_wait3A_2366 = arith.constant 0 : i32
        %dma_wait3A_2367 = arith.constant 0 : i32
        %dma_wait3A_2368 = tpu.memref_slice %arg4[%select_n3A, %add3A_44, %dma_wait3A_2366, %dma_wait3A_2367] : memref<4x512x256x16xf32, #tpu.memory_space<hbm>> -> memref<1x4x256x16xf32, #tpu.memory_space<hbm>>
        %dma_wait3A_2369 = tpu.memref_squeeze %dma_wait3A_2368 : memref<1x4x256x16xf32, #tpu.memory_space<hbm>> -> memref<4x256x16xf32, #tpu.memory_space<hbm>>
        %dma_wait3A_2370 = arith.constant 0 : i32
        %dma_wait3A_2371 = arith.constant 0 : i32
        %dma_wait3A_2372 = tpu.memref_slice %arg4[%select_n3A, %add3A_44, %dma_wait3A_2370, %dma_wait3A_2371] : memref<4x512x256x16xf32, #tpu.memory_space<hbm>> -> memref<1x4x256x16xf32, #tpu.memory_space<hbm>>
        %dma_wait3A_2373 = tpu.memref_squeeze %dma_wait3A_2372 : memref<1x4x256x16xf32, #tpu.memory_space<hbm>> -> memref<4x256x16xf32, #tpu.memory_space<hbm>>
        tpu.wait_dma2 semaphore(%run_scoped3A : memref<!tpu.dma_semaphore, #tpu.memory_space<semaphore_mem>>) src(%arg7 : memref<4x256x16xf32, #tpu.memory_space<vmem>>) dst(%dma_wait3A_2373 : memref<4x256x16xf32, #tpu.memory_space<hbm>>)
        tpu.yield
      }) : () -> ()
    }
    %scan3A_40 = arith.constant 16 : i32
    return
  }
}

</mosaic_0001>

<sc_bundles>
// kernel: kernel.3.cloned.1.call-start
scs
__scs_entry_jumppad:
0x0: {  	(pc) =	sbr.rel $0x88, $3  }
0x1: {  	(tag) =	ssettag $0x0;
	lr =	simm.s32 $0x1  }
0x2: {  	[smem:$0x3F9E] =	sst lr;
	_ =	strace $0xD0000000  }
0x3: {  	_ = 	snop  }
0x4: {  	_ = 	snop  }
0x5: {  	_ = 	snop  }
0x6: {  	_ = 	snop  }
0x7: {  	_ = 	snop  }
__scs_overlays_trampoline_lowered:
0x8: {  	[smem:$0x3FAD] =	sst s0  }
0x9: {  	[smem:$0x3FAE] =	sst s1  }
0xa: {  	[smem:$0x3FAF] =	sst s2  }
0xb: {  	[smem:$0x3FB0] =	sst s3  }
0xc: {  	[smem:$0x3FB1] =	sst s4  }
0xd: {  	[smem:$0x3FB2] =	sst s5  }
0xe: {  	[smem:$0x3FB3] =	sst s6  }
0xf: {  	[smem:$0x3FB4] =	sst s7  }
0x10: {  	[smem:$0x3FB5] =	sst s8  }
0x11: {  	[smem:$0x3FB6] =	sst s9;
	s0 =	simm.s32 @!p0 $0x0  }
0x12: {  	s1 =	sld [smem:$0x3F9C];
	s0 =	simm.s32 @p0 $0x1  }
0x13: {  	[smem:$0x3FB7] =	sst s0;
	s0 =	simm.s32 @!p1 $0x0  }
0x14: {  	s2 =	sld [smem:$0x3F9B];
	s0 =	simm.s32 @p1 $0x1  }
0x15: {  	[smem:$0x3FB8] =	sst s0;
	s0 =	simm.s32 @!p2 $0x0  }
0x16: {  	s3 =	sld [smem:$0x3FDB];
	s0 =	simm.s32 @p2 $0x1  }
0x17: {  	s4 =	simm.s32 $0x1BF5;
	[smem:$0x3FBA] =	sst s0  }
0x18: {  	s0 =	sld [smem:$0x3F9D];
	_ =	swait.ge [sflag:s4], $0x0  }
0x19: {  	s7 =	sld [smem:$0x3F9E]  }
0x1a: {  	s8 =	sadd.s32 $0xFFFFE003, lr  }
0x1b: {  	s9 =	sadd.s32 $0xFFFFFEF7, lr;
	s5 =	simm.s32 $0xFFFFFFFF;
	p2 =	slt.u32 s8, $0xFFFFF086  }
0x1c: {  	p1 =	slt.u32 s9, $0xF7A;
	s5 =	simm.s32 @!p2 $0x0  }
0x1d: {  	s5 =	simm.s32 @p1 $0x1;
	p0 =	seq.s32 s7, s2  }
0x1e: {  	s7 =	smul.u32 @!p0 $0xF7A, s2;
	p2 =	seq.s32 @!p0 s5, $0x0  }
0x1f: {  	s9 =	smul.u32 $0xF7A, s1;
	s8 =	simm.s32 @!p0 $0x1BF5;
	p2 =	por !p2, p0  }
0x20: {  	[sflag:s8] =	ssyncset.s32 @!p0 $0xFFFFF086;
	s6 =	sadd.s32 @!p0 s3, s7;
	s7 =	simm.s32 @!p0 $0x108  }
0x21: {  	s3 =	sadd.s32 s3, s9;
	s6 =	sadd.s32 @!p0 $0x88, s6;
	s7 =	simm.s32 @p2 $0x1082  }
0x22: {  	[simem:s7], [sflag:s8] =	dma.local @!p0 [hbm:s6], $0xF7A  }
0x23: {  	s9 =	sor.u32 $0xD0000000, s2;
	s6 =	simm.s32 $0x108;
	_ =	swait.ge @!p0 [sflag:s8], $0x0  }
0x24: {  	s3 =	sadd.s32 $0x88, s3;
	s6 =	simm.s32 @!p1 $0x1082;
	[sflag:s4] =	ssyncset.s32 $0xFFFFF086  }
0x25: {  	[simem:s6], [sflag:s4] =	dma.local [hbm:s3], $0xF7A  }
0x26: {  	[smem:$0x3F9E] =	sst s1;
	(tag) =	ssettag s2;
	_ =	strace s9  }
0x27: {  	s1 =	sld [smem:$0x3FAE]  }
0x28: {  	s2 =	sld [smem:$0x3FAF]  }
0x29: {  	s4 =	sld [smem:$0x3FB1]  }
0x2a: {  	p0 =	seq.s32 s5, $0x0;
	s5 =	sld [smem:$0x3FB2]  }
0x2b: {  	s6 =	sld [smem:$0x3FB3]  }
0x2c: {  	s7 =	sld [smem:$0x3FB4]  }
0x2d: {  	s3 =	simm.s32 $0x108;
	s8 =	sld [smem:$0x3FB5]  }
0x2e: {  	s3 =	simm.s32 @!p0 $0x1082;
	s9 =	sld [smem:$0x3FB6]  }
0x2f: {  	lr =	sadd.s32 s0, s3;
	s0 =	sld [smem:$0x3FAD]  }
0x30: {  	s3 =	sld [smem:$0x3FB0]  }
0x31: {  	[smem:$0x3FB9] =	sst s10  }
0x32: {  	s10 =	sld [smem:$0x3FB7];
	_ =	sdelay $0x3  }
0x33: {  	p0 =	seq.s32 s10, $0x1;
	s10 =	sld [smem:$0x3FB9];
	_ =	sdelay $0x3  }
0x34: {  	[smem:$0x3FB9] =	sst s10  }
0x35: {  	s10 =	sld [smem:$0x3FB8];
	_ =	sdelay $0x3  }
0x36: {  	p1 =	seq.s32 s10, $0x1;
	s10 =	sld [smem:$0x3FB9];
	_ =	sdelay $0x3  }
0x37: {  	[smem:$0x3FB9] =	sst s10  }
0x38: {  	s10 =	sld [smem:$0x3FBA]  }
0x39: {  	_ = 	snop;
	(pc) =	sbr.ind lr, $3  }
0x3a: {  	_ = 	snop  }
0x3b: {  	_ = 	snop  }
0x3c: {  	p2 =	seq.s32 s10, $0x1;
	s10 =	sld [smem:$0x3FB9]  }
0x3d: {  	_ =	shalt  }
0x3e: {  	_ =	shalt  }
0x3f: {  	_ =	shalt  }
0x40: {  	_ =	shalt  }
0x41: {  	_ =	shalt  }
0x42: {  	_ =	shalt  }
0x43: {  	_ =	shalt  }
0x44: {  	_ =	shalt  }
0x45: {  	_ =	shalt  }
0x46: {  	_ =	shalt  }
0x47: {  	_ =	shalt  }
0x48: {  	_ =	shalt  }
0x49: {  	_ =	shalt  }
0x4a: {  	_ =	shalt  }
0x4b: {  	_ =	shalt  }
0x4c: {  	_ =	shalt  }
0x4d: {  	_ =	shalt  }
0x4e: {  	_ =	shalt  }
0x4f: {  	_ =	shalt  }
0x50: {  	_ =	shalt  }
0x51: {  	_ =	shalt  }
0x52: {  	_ =	shalt  }
0x53: {  	_ =	shalt  }
0x54: {  	_ =	shalt  }
0x55: {  	_ =	shalt  }
0x56: {  	_ =	shalt  }
0x57: {  	_ =	shalt  }
0x58: {  	_ =	shalt  }
0x59: {  	_ =	shalt  }
0x5a: {  	_ =	shalt  }
0x5b: {  	_ =	shalt  }
0x5c: {  	_ =	shalt  }
0x5d: {  	_ =	shalt  }
0x5e: {  	_ =	shalt  }
0x5f: {  	_ =	shalt  }
0x60: {  	_ =	shalt  }
0x61: {  	_ =	shalt  }
0x62: {  	_ =	shalt  }
0x63: {  	_ =	shalt  }
0x64: {  	_ =	shalt  }
0x65: {  	_ =	shalt  }
0x66: {  	_ =	shalt  }
0x67: {  	_ =	shalt  }
0x68: {  	_ =	shalt  }
0x69: {  	_ =	shalt  }
0x6a: {  	_ =	shalt  }
0x6b: {  	_ =	shalt  }
0x6c: {  	_ =	shalt  }
0x6d: {  	_ =	shalt  }
0x6e: {  	_ =	shalt  }
0x6f: {  	_ =	shalt  }
0x70: {  	_ =	shalt  }
0x71: {  	_ =	shalt  }
0x72: {  	_ =	shalt  }
0x73: {  	_ =	shalt  }
0x74: {  	_ =	shalt  }
0x75: {  	_ =	shalt  }
0x76: {  	_ =	shalt  }
0x77: {  	_ =	shalt  }
0x78: {  	_ =	shalt  }
0x79: {  	_ =	shalt  }
0x7a: {  	_ =	shalt  }
0x7b: {  	_ =	shalt  }
0x7c: {  	_ =	shalt  }
0x7d: {  	_ =	shalt  }
0x7e: {  	_ =	shalt  }
0x7f: {  	_ =	shalt  }
0x80: {  	_ =	shalt  }
0x81: {  	_ =	shalt  }
0x82: {  	_ =	shalt  }
0x83: {  	_ =	shalt  }
0x84: {  	_ =	shalt  }
0x85: {  	_ =	shalt  }
0x86: {  	_ =	shalt  }
0x87: {  	_ =	shalt  }
.Lfunc_end0:
.L_simem_size_0:
called_computation.2_lowered:
.L_overlay_start_0:
0x88: {  	s2 =	sld [smem:$0x3FD9]  }
0x89: {  	s3 =	sld [smem:$0x3FFE];
	_ =	sdelay $0x1  }
0x8a: {  	s1 =	srdreg.scid  }
0x8b: {  	s0 =	sand.u32 $0x1, s1  }
0x8c: {  	s17 =	sshll.u32 s0, $0xA;
	s2 =	sadd.s32 s3, s2  }
0x8d: {  	s2 =	sadd.s32 s2, s17  }
0x8e: {  	[smem:$0x3FC5] =	sst s2  }
0x8f: {  	_ = 	snop  }
0x90: {  	s2 =	sld [smem:$0x3FD0];
	(tm) =	ssettm $0x1  }
0x91: {  	s18 =	sld [smem:$0x3FFB];
	_ =	sdelay $0x3  }
0x92: {  	_ =	strace s18  }
0x93: {  	s3 =	sld [smem:$0x3FFC];
	_ =	sdelay $0x3  }
0x94: {  	_ =	strace s3  }
0x95: {  	s3 =	sld [smem:$0x3FFD];
	_ =	sdelay $0x3  }
0x96: {  	_ =	strace s3  }
0x97: {  	_ =	strace $0x8FFFFFFF  }
0x98: {  	s19 =	sld [smem:$0x3FDB];
	_ =	sdelay $0x1  }
0x99: {  	s4 =	simm.s32 $_scs_section_size  }
0x9a: {  	s5 =	simm.s32 $_size__tile_overlayer_lowered;
	s6 =	simm.s32 $_tile_overlayer_lowered  }
0x9b: {  	s22 =	simm.s32 $0x1BFF;
	s21 =	sshll.u32 s6, $0x1;
	s3 =	sadd.s32 s4, s19  }
0x9c: {  	s7 =	simm.s32 $0x0;
	s20 =	sshll.u32 s5, $0x1;
	s5 =	sadd.s32 s21, s3  }
0x9d: {  	[timem:s7], [sflag:s22] =	dma.local [hbm:s5], s20  }
0x9e: {  	_ =	swait.ge [sflag:s22], s20  }
0x9f: {  	s4 =	ssub.s32 $0x0, s20;
	[sflag:s22] =	ssyncset.done $0x0  }
0xa0: {  	[sflag:s22] =	ssyncadd.s32 s4;
	_ =	sdelay $0x1  }
0xa1: {  	s23 =	simm.s32 $0x1B8B  }
0xa2: {  	_ =	swait.ge [sflag:s23], $0x1  }
0xa3: {  	[sflag:s23] =	ssyncset.done $0x0  }
0xa4: {  	s25 =	simm.s32 $0x1B8E;
	s24 =	sld [smem:$0x3FFE];
	[sflag:s23] =	ssyncadd.s32 $0xFFFFFFFF  }
0xa5: {  	s26 =	simm.s32 $execute0_lowered;
	[smem:$0x3FD2] =	sst s25  }
0xa6: {  	s5 =	sshll.u32 s26, $0x1;
	_ =	strace $0x80000046;
	[dreg:$0x1] =	wrdreg $0xFFFFFFFF  }
0xa7: {  	s28 =	simm.s32 $_size_execute0_lowered;
	s3 =	sadd.s32 s3, s5;
	[dreg:$0x0] =	wrdreg $0x0  }
0xa8: {  	s5 =	sshll.u32 s28, $0x1;
	[dreg:$0x2] =	wrdreg s3  }
0xa9: {  	[dreg:$0x3] =	wrdreg s5  }
0xaa: {  	[dreg:$0x4] =	wrdreg $0xC0  }
0xab: {  	_ =	task [dreg:s7], $0x5FFFF  }
0xac: {  	[dreg:$0x1] =	wrdreg $0xFFFFFFFF  }
0xad: {  	[dreg:$0x0] =	wrdreg $0x60  }
0xae: {  	[dreg:$0x2] =	wrdreg s24  }
0xaf: {  	[dreg:$0x3] =	wrdreg s2  }
0xb0: {  	[dreg:$0x4] =	wrdreg $0x9  }
0xb1: {  	_ =	task.clear_ibuf [dreg:s7], $0x5FFFF;
	_ =	strace $0x90000046  }
0xb2: {  	s29 =	simm.s32 $0x9;
	_ =	strace $0x80000048  }
0xb3: {  	_ =	swait.ge [sflag:s29], $0x1  }
0xb4: {  	[sflag:s29] =	ssyncadd.s32 $0xFFFFFFFF  }
0xb5: {  	_ =	strace $0x90000048  }
0xb6: {  	_ =	sfence  }
0xb7: {  	s30 =	sld [smem:$0x0];
	_ =	sdelay $0x2  }
0xb8: {  	s31 =	sshll.u32 s1, $0xD;
	s1 =	sshrl.u32 s1, $0x2  }
0xb9: {  	s3 =	sand.u32 $0x4000, s31;
	s1 =	sadd.s32 s1, s30  }
0xba: {  	s0 =	sor.u32 s3, s0;
	s1 =	sshll.u32 s1, $0x11  }
0xbb: {  	s0 =	sor.u32 s1, s0  }
0xbc: {  	s0 =	sadd.s32 $0x8F2B, s0  }
0xbd: {  	[sflag:s0] =	ssyncadd.remote.s32 $0x1  }
0xbe: {  	_ =	sfence.sel $0xFFFF  }
0xbf: {  	[dreg:$0x0] =	wrdreg $0xFFFFFFFF;
	(pc) =	sbr.abs _section_cstart, $3  }
0xc0: {  	[dreg:$0x1] =	wrdreg $0xFFFFFFFF  }
0xc1: {  	_ =	task.clear_ibuf [dreg:s7], $0x2FFFF;
	_ =	strace $0x9FFFFFFF  }
0xc2: {  	(tm) =	ssettm $0x7FFFFFFF  }
0xc3: {  	_ =	shalt  }
tec
execute0_lowered:
.L_overlay_start_1:
0x0: {  	(tag) =	ssettag $0x1  }
0x1: {  	s3 =	rddreg [dreg:$0x0]  }
0x2: {  	s5 =	rddreg [dreg:$0x1]  }
0x3: {  	s2 =	simm.s32 $0x0;
	s1 =	stileid.u32;
	s4 =	srdreg.scid  }
0x4: {  	v0 =	vlaneseq.u32;
	s11 =	simm.s32 $0x600;
	s12 =	simm.s32 $0x280;
	s13 =	simm.s32 $0xE00  }
0x5: {  	s14 =	simm.s32 $0x300;
	s15 =	simm.s32 $0x1600;
	s16 =	simm.s32 $0x380;
	v0 =	vmul.u32 $0x2, v0  }
0x6: {  	s17 =	simm.s32 $0x1E00;
	s18 =	simm.s32 $0x400;
	s19 =	simm.s32 $0x2600  }
0x7: {  	s20 =	simm.s32 $0x480;
	s21 =	simm.s32 $0x2E00;
	s22 =	simm.s32 $0x500;
	v1 =	vor.u32 $0x1, v0  }
0x8: {  	s23 =	simm.s32 $0x3600;
	s24 =	simm.s32 $0x580;
	s25 =	simm.s32 $0x3E00;
	v2 =	vor.u32 $0x20, v0;
	v3 =	vor.u32 $0x21, v0;
	v4 =	vor.u32 $0x40, v0  }
0x9: {  	s28 =	simm.s32 $0x0;
	[smem:$0x7FF] =	sst s2;
	s6 =	sshrl.u32 s1, $0x2;
	v5 =	vor.u32 $0x41, v0;
	v6 =	vor.u32 $0x60, v0;
	v7 =	vor.u32 $0x61, v0  }
0xa: {  	s7 =	sand.u32 $0x1, s4;
	s29 =	sand.u32 $0x3, s1;
	_ =	strace $0x80000047;
	v8 =	vor.u32 $0x80, v0;
	v9 =	vor.u32 $0x81, v0;
	v10 =	vor.u32 $0xA0, v0  }
0xb: {  	s26 =	sshll.u32 s6, $0x6;
	s8 =	ssub.s32 $0x2, s7;
	s6 =	sshll.u32 s6, $0x12;
	v11 =	vor.u32 $0xA1, v0;
	v12 =	vor.u32 $0xC0, v0;
	v13 =	vor.u32 $0xC1, v0  }
0xc: {  	s10 =	sshll.u32 s29, $0x10;
	s30 =	sshll.u32 s7, $0xF;
	s31 =	sshll.u32 s29, $0x7;
	v14 =	vor.u32 $0xE0, v0;
	v15 =	vor.u32 $0xE1, v0;
	v16 =	vor.u32 $0x100, v0  }
0xd: {  	s7 =	sshll.u32 s7, $0x6;
	s4 =	sadd.s32 s26, s3;
	s3 =	sadd.s32 $0xE00, s3;
	v17 =	vor.u32 $0x101, v0;
	v18 =	vor.u32 $0x120, v0;
	v19 =	vor.u32 $0x121, v0  }
0xe: {  	s9 =	sshrl.u32 s8, $0x1;
	s6 =	sadd.s32 s6, s5;
	s7 =	sor.u32 s7, s31;
	v20 =	vor.u32 $0x140, v0;
	v21 =	vor.u32 $0x141, v0;
	v22 =	vor.u32 $0x160, v0  }
0xf: {  	v23 =	vor.u32 $0x161, v0;
	v24 =	vor.u32 $0x180, v0;
	v25 =	vor.u32 $0x181, v0;
	s26 =	simm.s32 $0x1;
	s8 =	ssub.s32 s8, s9;
	s4 =	sadd.s32 $0xC00, s4  }
0x10: {  	v26 =	vor.u32 $0x1A0, v0;
	v27 =	vor.u32 $0x1A1, v0;
	v28 =	vor.u32 $0x1C0, v0;
	s6 =	sadd.s32 s10, s6;
	s9 =	simm.s32 $0x80;
	s10 =	simm.s32 $0x200  }
0x11: {  	v29 =	vor.u32 $0x1C1, v0;
	v30 =	vor.u32 $0x1E0, v0;
	v31 =	vor.u32 $0x1E1, v0;
	s5 =	smax.u32 s8, $0x1;
	s6 =	sadd.s32 s30, s6;
	s8 =	simm.s32 $0x2  }
.LBB2_1:
0x12: {  	[tilespmem:s2], [sflag:$0x2] =	stream.linear.gather [hbm4b:s4+s2], $0x200, $0x38;
	[tilespmem:$0x4600] =	vst v63  }
0x13: {  	_ =	swait.ge [sflag:s8], $0x200  }
0x14: {  	[sflag:s8] =	ssyncset.done $0x0  }
0x15: {  	s29 =	smov.u32 s6;
	s30 =	simm.s32 $0x0;
	[sflag:s8] =	ssyncadd.s32 $0xFFFFFE00  }
.LBB2_2:
0x16: {  	s31 =	sadd.s32 s30, s7  }
0x17: {  	v32 =	vmov s31  }
0x18: {  	v32 =	vand.u32 $0xFFFFFFFC, v32  }
0x19: {  	v32 =	vbroadcast v32, $0x0;
	_ =	sdelay $0x4  }
0x1a: {  	v33 =	vld.idx.msk [tilespmem:v0+s2+$0x0], $0xffff  }
0x1b: {  	v32 =	vld.idx.msk [tilespmem:v32+s2+$0x0], $0xffff;
	_ =	sdelay $0x1  }
0x1c: {  	v34 =	vld.idx.msk [tilespmem:v1+s2+$0x0], $0xffff;
	_ =	sdelay $0x2  }
0x1d: {  	v33 =	vsub.s32 v32, v33  }
0x1e: {  	vm0 =	vgt.s32 v33, $0xFFFFFFE0  }
0x1f: {  	v34 =	vsub.s32 v32, v34;
	v33 =	vnsel vm0, $0xFFFFFFE0, v33  }
0x20: {  	vm1 =	vgt.s32 v34, $0xFFFFFFE0;
	vm0 =	vlt.s32 v33, $0x20  }
0x21: {  	v34 =	vnsel vm1, $0xFFFFFFE0, v34;
	v33 =	vnsel vm0, $0x20, v33  }
0x22: {  	vm6 =	vlt.s32 v34, $0x20;
	v33 =	vmul.u32 $0x41, v33  }
0x23: {  	v34 =	vnsel vm6, $0x20, v34  }
0x24: {  	v33 =	vadd.s32 v33, v34  }
0x25: {  	v33 =	vadd.s32 $0x840, v33  }
0x26: {  	[tilespmem:$0x200] =	vst v33  }
0x27: {  	v33 =	vld.idx.msk [tilespmem:v2+s2+$0x0], $0xffff;
	_ =	sdelay $0x1  }
0x28: {  	v51 =	vld.idx.msk [tilespmem:v3+s2+$0x0], $0xffff;
	_ =	sdelay $0x2  }
0x29: {  	v33 =	vsub.s32 v32, v33  }
0x2a: {  	vm7 =	vgt.s32 v33, $0xFFFFFFE0  }
0x2b: {  	v34 =	vsub.s32 v32, v51;
	v33 =	vnsel vm7, $0xFFFFFFE0, v33  }
0x2c: {  	vm8 =	vgt.s32 v34, $0xFFFFFFE0;
	vm0 =	vlt.s32 v33, $0x20  }
0x2d: {  	v34 =	vnsel vm8, $0xFFFFFFE0, v34;
	v33 =	vnsel vm0, $0x20, v33  }
0x2e: {  	vm9 =	vlt.s32 v34, $0x20;
	v33 =	vmul.u32 $0x41, v33  }
0x2f: {  	v34 =	vnsel vm9, $0x20, v34  }
0x30: {  	v33 =	vadd.s32 v33, v34  }
0x31: {  	v33 =	vadd.s32 $0x840, v33  }
0x32: {  	[tilespmem:$0x210] =	vst v33  }
0x33: {  	v33 =	vld.idx.msk [tilespmem:v4+s2+$0x0], $0xffff;
	_ =	sdelay $0x1  }
0x34: {  	v52 =	vld.idx.msk [tilespmem:v5+s2+$0x0], $0xffff;
	_ =	sdelay $0x2  }
0x35: {  	v33 =	vsub.s32 v32, v33  }
0x36: {  	vm10 =	vgt.s32 v33, $0xFFFFFFE0  }
0x37: {  	v34 =	vsub.s32 v32, v52;
	v33 =	vnsel vm10, $0xFFFFFFE0, v33  }
0x38: {  	vm11 =	vgt.s32 v34, $0xFFFFFFE0;
	vm0 =	vlt.s32 v33, $0x20  }
0x39: {  	v34 =	vnsel vm11, $0xFFFFFFE0, v34;
	v33 =	vnsel vm0, $0x20, v33  }
0x3a: {  	vm12 =	vlt.s32 v34, $0x20;
	v33 =	vmul.u32 $0x41, v33  }
0x3b: {  	v34 =	vnsel vm12, $0x20, v34  }
0x3c: {  	v33 =	vadd.s32 v33, v34  }
0x3d: {  	v33 =	vadd.s32 $0x840, v33  }
0x3e: {  	[tilespmem:$0x220] =	vst v33  }
0x3f: {  	v33 =	vld.idx.msk [tilespmem:v6+s2+$0x0], $0xffff;
	_ =	sdelay $0x1  }
0x40: {  	v53 =	vld.idx.msk [tilespmem:v7+s2+$0x0], $0xffff;
	_ =	sdelay $0x2  }
0x41: {  	v33 =	vsub.s32 v32, v33  }
0x42: {  	vm13 =	vgt.s32 v33, $0xFFFFFFE0  }
0x43: {  	v34 =	vsub.s32 v32, v53;
	v33 =	vnsel vm13, $0xFFFFFFE0, v33  }
0x44: {  	vm14 =	vgt.s32 v34, $0xFFFFFFE0;
	vm0 =	vlt.s32 v33, $0x20  }
0x45: {  	v34 =	vnsel vm14, $0xFFFFFFE0, v34;
	v33 =	vnsel vm0, $0x20, v33  }
0x46: {  	vm15 =	vlt.s32 v34, $0x20;
	v33 =	vmul.u32 $0x41, v33  }
0x47: {  	v34 =	vnsel vm15, $0x20, v34  }
0x48: {  	v33 =	vadd.s32 v33, v34  }
0x49: {  	v33 =	vadd.s32 $0x840, v33  }
0x4a: {  	[tilespmem:$0x230] =	vst v33  }
0x4b: {  	v33 =	vld.idx.msk [tilespmem:v8+s2+$0x0], $0xffff;
	_ =	sdelay $0x1  }
0x4c: {  	v54 =	vld.idx.msk [tilespmem:v9+s2+$0x0], $0xffff;
	_ =	sdelay $0x2  }
0x4d: {  	v33 =	vsub.s32 v32, v33  }
0x4e: {  	vm4 =	vgt.s32 v33, $0xFFFFFFE0  }
0x4f: {  	v34 =	vsub.s32 v32, v54;
	v33 =	vnsel vm4, $0xFFFFFFE0, v33  }
0x50: {  	vm5 =	vgt.s32 v34, $0xFFFFFFE0;
	vm0 =	vlt.s32 v33, $0x20  }
0x51: {  	v34 =	vnsel vm5, $0xFFFFFFE0, v34;
	v33 =	vnsel vm0, $0x20, v33  }
0x52: {  	vm6 =	vlt.s32 v34, $0x20;
	v33 =	vmul.u32 $0x41, v33  }
0x53: {  	v34 =	vnsel vm6, $0x20, v34  }
0x54: {  	v33 =	vadd.s32 v33, v34  }
0x55: {  	v33 =	vadd.s32 $0x840, v33  }
0x56: {  	[tilespmem:$0x240] =	vst v33  }
0x57: {  	v33 =	vld.idx.msk [tilespmem:v10+s2+$0x0], $0xffff;
	_ =	sdelay $0x1  }
0x58: {  	v55 =	vld.idx.msk [tilespmem:v11+s2+$0x0], $0xffff;
	_ =	sdelay $0x2  }
0x59: {  	v33 =	vsub.s32 v32, v33  }
0x5a: {  	vm7 =	vgt.s32 v33, $0xFFFFFFE0  }
0x5b: {  	v34 =	vsub.s32 v32, v55;
	v33 =	vnsel vm7, $0xFFFFFFE0, v33  }
0x5c: {  	vm8 =	vgt.s32 v34, $0xFFFFFFE0;
	vm0 =	vlt.s32 v33, $0x20  }
0x5d: {  	v34 =	vnsel vm8, $0xFFFFFFE0, v34;
	v33 =	vnsel vm0, $0x20, v33  }
0x5e: {  	vm9 =	vlt.s32 v34, $0x20;
	v33 =	vmul.u32 $0x41, v33  }
0x5f: {  	v34 =	vnsel vm9, $0x20, v34  }
0x60: {  	v33 =	vadd.s32 v33, v34  }
0x61: {  	v33 =	vadd.s32 $0x840, v33  }
0x62: {  	[tilespmem:$0x250] =	vst v33  }
0x63: {  	v33 =	vld.idx.msk [tilespmem:v12+s2+$0x0], $0xffff;
	_ =	sdelay $0x1  }
0x64: {  	v56 =	vld.idx.msk [tilespmem:v13+s2+$0x0], $0xffff;
	_ =	sdelay $0x2  }
0x65: {  	v33 =	vsub.s32 v32, v33  }
0x66: {  	vm10 =	vgt.s32 v33, $0xFFFFFFE0  }
0x67: {  	v34 =	vsub.s32 v32, v56;
	v33 =	vnsel vm10, $0xFFFFFFE0, v33  }
0x68: {  	vm11 =	vgt.s32 v34, $0xFFFFFFE0;
	vm0 =	vlt.s32 v33, $0x20  }
0x69: {  	v34 =	vnsel vm11, $0xFFFFFFE0, v34;
	v33 =	vnsel vm0, $0x20, v33  }
0x6a: {  	vm12 =	vlt.s32 v34, $0x20;
	v33 =	vmul.u32 $0x41, v33  }
0x6b: {  	v34 =	vnsel vm12, $0x20, v34  }
0x6c: {  	v33 =	vadd.s32 v33, v34  }
0x6d: {  	v33 =	vadd.s32 $0x840, v33  }
0x6e: {  	[tilespmem:$0x260] =	vst v33  }
0x6f: {  	v33 =	vld.idx.msk [tilespmem:v14+s2+$0x0], $0xffff;
	_ =	sdelay $0x1  }
0x70: {  	v57 =	vld.idx.msk [tilespmem:v15+s2+$0x0], $0xffff;
	_ =	sdelay $0x2  }
0x71: {  	v33 =	vsub.s32 v32, v33  }
0x72: {  	vm13 =	vgt.s32 v33, $0xFFFFFFE0  }
0x73: {  	v34 =	vsub.s32 v32, v57;
	v33 =	vnsel vm13, $0xFFFFFFE0, v33  }
0x74: {  	vm14 =	vgt.s32 v34, $0xFFFFFFE0;
	vm0 =	vlt.s32 v33, $0x20  }
0x75: {  	v34 =	vnsel vm14, $0xFFFFFFE0, v34;
	v33 =	vnsel vm0, $0x20, v33  }
0x76: {  	vm15 =	vlt.s32 v34, $0x20;
	v33 =	vmul.u32 $0x41, v33  }
0x77: {  	v34 =	vnsel vm15, $0x20, v34  }
0x78: {  	v33 =	vadd.s32 v33, v34  }
0x79: {  	v33 =	vadd.s32 $0x840, v33  }
0x7a: {  	[tilespmem:$0x270] =	vst v33  }
0x7b: {  	v33 =	vld.idx.msk [tilespmem:v16+s2+$0x0], $0xffff;
	_ =	sdelay $0x1  }
0x7c: {  	v58 =	vld.idx.msk [tilespmem:v17+s2+$0x0], $0xffff;
	_ =	sdelay $0x2  }
0x7d: {  	v33 =	vsub.s32 v32, v33  }
0x7e: {  	vm4 =	vgt.s32 v33, $0xFFFFFFE0  }
0x7f: {  	v34 =	vsub.s32 v32, v58;
	v33 =	vnsel vm4, $0xFFFFFFE0, v33  }
0x80: {  	vm5 =	vgt.s32 v34, $0xFFFFFFE0;
	vm0 =	vlt.s32 v33, $0x20  }
0x81: {  	v34 =	vnsel vm5, $0xFFFFFFE0, v34;
	v33 =	vnsel vm0, $0x20, v33  }
0x82: {  	vm6 =	vlt.s32 v34, $0x20;
	v33 =	vmul.u32 $0x41, v33  }
0x83: {  	v34 =	vnsel vm6, $0x20, v34  }
0x84: {  	v33 =	vadd.s32 v33, v34  }
0x85: {  	v33 =	vadd.s32 $0x840, v33  }
0x86: {  	[tilespmem:$0x280] =	vst v33  }
0x87: {  	v33 =	vld.idx.msk [tilespmem:v18+s2+$0x0], $0xffff;
	_ =	sdelay $0x1  }
0x88: {  	v59 =	vld.idx.msk [tilespmem:v19+s2+$0x0], $0xffff;
	_ =	sdelay $0x2  }
0x89: {  	v33 =	vsub.s32 v32, v33  }
0x8a: {  	vm7 =	vgt.s32 v33, $0xFFFFFFE0  }
0x8b: {  	v34 =	vsub.s32 v32, v59;
	v33 =	vnsel vm7, $0xFFFFFFE0, v33  }
0x8c: {  	vm8 =	vgt.s32 v34, $0xFFFFFFE0;
	vm0 =	vlt.s32 v33, $0x20  }
0x8d: {  	v34 =	vnsel vm8, $0xFFFFFFE0, v34;
	v33 =	vnsel vm0, $0x20, v33  }
0x8e: {  	vm9 =	vlt.s32 v34, $0x20;
	v33 =	vmul.u32 $0x41, v33  }
0x8f: {  	v34 =	vnsel vm9, $0x20, v34  }
0x90: {  	v33 =	vadd.s32 v33, v34  }
0x91: {  	v33 =	vadd.s32 $0x840, v33  }
0x92: {  	[tilespmem:$0x290] =	vst v33  }
0x93: {  	v33 =	vld.idx.msk [tilespmem:v20+s2+$0x0], $0xffff;
	_ =	sdelay $0x1  }
0x94: {  	v60 =	vld.idx.msk [tilespmem:v21+s2+$0x0], $0xffff;
	_ =	sdelay $0x2  }
0x95: {  	v33 =	vsub.s32 v32, v33  }
0x96: {  	vm10 =	vgt.s32 v33, $0xFFFFFFE0  }
0x97: {  	v34 =	vsub.s32 v32, v60;
	v33 =	vnsel vm10, $0xFFFFFFE0, v33  }
0x98: {  	vm11 =	vgt.s32 v34, $0xFFFFFFE0;
	vm0 =	vlt.s32 v33, $0x20  }
0x99: {  	v34 =	vnsel vm11, $0xFFFFFFE0, v34;
	v33 =	vnsel vm0, $0x20, v33  }
0x9a: {  	vm12 =	vlt.s32 v34, $0x20;
	v33 =	vmul.u32 $0x41, v33  }
0x9b: {  	v34 =	vnsel vm12, $0x20, v34  }
0x9c: {  	v33 =	vadd.s32 v33, v34  }
0x9d: {  	v33 =	vadd.s32 $0x840, v33  }
0x9e: {  	[tilespmem:$0x2A0] =	vst v33  }
0x9f: {  	v33 =	vld.idx.msk [tilespmem:v22+s2+$0x0], $0xffff;
	_ =	sdelay $0x1  }
0xa0: {  	v61 =	vld.idx.msk [tilespmem:v23+s2+$0x0], $0xffff;
	_ =	sdelay $0x2  }
0xa1: {  	v33 =	vsub.s32 v32, v33  }
0xa2: {  	vm13 =	vgt.s32 v33, $0xFFFFFFE0  }
0xa3: {  	v34 =	vsub.s32 v32, v61;
	v33 =	vnsel vm13, $0xFFFFFFE0, v33  }
0xa4: {  	vm14 =	vgt.s32 v34, $0xFFFFFFE0;
	vm0 =	vlt.s32 v33, $0x20  }
0xa5: {  	v34 =	vnsel vm14, $0xFFFFFFE0, v34;
	v33 =	vnsel vm0, $0x20, v33  }
0xa6: {  	vm15 =	vlt.s32 v34, $0x20;
	v33 =	vmul.u32 $0x41, v33  }
0xa7: {  	v34 =	vnsel vm15, $0x20, v34  }
0xa8: {  	v33 =	vadd.s32 v33, v34  }
0xa9: {  	v33 =	vadd.s32 $0x840, v33  }
0xaa: {  	[tilespmem:$0x2B0] =	vst v33  }
0xab: {  	v33 =	vld.idx.msk [tilespmem:v24+s2+$0x0], $0xffff;
	_ =	sdelay $0x1  }
0xac: {  	v62 =	vld.idx.msk [tilespmem:v25+s2+$0x0], $0xffff;
	_ =	sdelay $0x2  }
0xad: {  	v33 =	vsub.s32 v32, v33  }
0xae: {  	vm4 =	vgt.s32 v33, $0xFFFFFFE0  }
0xaf: {  	v34 =	vsub.s32 v32, v62;
	v33 =	vnsel vm4, $0xFFFFFFE0, v33  }
0xb0: {  	vm5 =	vgt.s32 v34, $0xFFFFFFE0;
	vm0 =	vlt.s32 v33, $0x20  }
0xb1: {  	v34 =	vnsel vm5, $0xFFFFFFE0, v34;
	v33 =	vnsel vm0, $0x20, v33  }
0xb2: {  	vm6 =	vlt.s32 v34, $0x20;
	v33 =	vmul.u32 $0x41, v33  }
0xb3: {  	v34 =	vnsel vm6, $0x20, v34  }
0xb4: {  	v33 =	vadd.s32 v33, v34  }
0xb5: {  	v33 =	vadd.s32 $0x840, v33  }
0xb6: {  	[tilespmem:$0x2C0] =	vst v33  }
0xb7: {  	v33 =	vld.idx.msk [tilespmem:v26+s2+$0x0], $0xffff;
	_ =	sdelay $0x1  }
0xb8: {  	v63 =	vld.idx.msk [tilespmem:v27+s2+$0x0], $0xffff;
	_ =	sdelay $0x2  }
0xb9: {  	v33 =	vsub.s32 v32, v33  }
0xba: {  	vm7 =	vgt.s32 v33, $0xFFFFFFE0  }
0xbb: {  	v34 =	vsub.s32 v32, v63;
	v33 =	vnsel vm7, $0xFFFFFFE0, v33  }
0xbc: {  	vm8 =	vgt.s32 v34, $0xFFFFFFE0;
	vm0 =	vlt.s32 v33, $0x20  }
0xbd: {  	v34 =	vnsel vm8, $0xFFFFFFE0, v34;
	v33 =	vnsel vm0, $0x20, v33  }
0xbe: {  	vm9 =	vlt.s32 v34, $0x20;
	v33 =	vmul.u32 $0x41, v33  }
0xbf: {  	v34 =	vnsel vm9, $0x20, v34  }
0xc0: {  	v33 =	vadd.s32 v33, v34  }
0xc1: {  	v33 =	vadd.s32 $0x840, v33  }
0xc2: {  	[tilespmem:$0x2D0] =	vst v33  }
0xc3: {  	v33 =	vld.idx.msk [tilespmem:v28+s2+$0x0], $0xffff;
	_ =	sdelay $0x1  }
0xc4: {  	v36 =	vld.idx.msk [tilespmem:v29+s2+$0x0], $0xffff;
	_ =	sdelay $0x2  }
0xc5: {  	v33 =	vsub.s32 v32, v33  }
0xc6: {  	vm10 =	vgt.s32 v33, $0xFFFFFFE0  }
0xc7: {  	v34 =	vsub.s32 v32, v36;
	v33 =	vnsel vm10, $0xFFFFFFE0, v33  }
0xc8: {  	vm11 =	vgt.s32 v34, $0xFFFFFFE0;
	vm0 =	vlt.s32 v33, $0x20  }
0xc9: {  	v34 =	vnsel vm11, $0xFFFFFFE0, v34;
	v33 =	vnsel vm0, $0x20, v33  }
0xca: {  	vm12 =	vlt.s32 v34, $0x20;
	v33 =	vmul.u32 $0x41, v33  }
0xcb: {  	v34 =	vnsel vm12, $0x20, v34  }
0xcc: {  	v33 =	vadd.s32 v33, v34  }
0xcd: {  	v33 =	vadd.s32 $0x840, v33  }
0xce: {  	[tilespmem:$0x2E0] =	vst v33  }
0xcf: {  	v33 =	vld.idx.msk [tilespmem:v30+s2+$0x0], $0xffff;
	_ =	sdelay $0x1  }
0xd0: {  	v37 =	vld.idx.msk [tilespmem:v31+s2+$0x0], $0xffff;
	_ =	sdelay $0x2  }
0xd1: {  	v33 =	vsub.s32 v32, v33  }
0xd2: {  	s0 =	sadd.s32 $0x1, s31;
	vm13 =	vgt.s32 v33, $0xFFFFFFE0  }
0xd3: {  	v38 =	vmov s0;
	v32 =	vsub.s32 v32, v37;
	v33 =	vnsel vm13, $0xFFFFFFE0, v33  }
0xd4: {  	v34 =	vand.u32 $0xFFFFFFFD, v38;
	vm14 =	vgt.s32 v32, $0xFFFFFFE0;
	vm0 =	vlt.s32 v33, $0x20  }
0xd5: {  	v34 =	vbroadcast v34, $0x0;
	v32 =	vnsel vm14, $0xFFFFFFE0, v32;
	v33 =	vnsel vm0, $0x20, v33  }
0xd6: {  	vm15 =	vlt.s32 v32, $0x20;
	v33 =	vmul.u32 $0x41, v33  }
0xd7: {  	v32 =	vnsel vm15, $0x20, v32  }
0xd8: {  	v32 =	vadd.s32 v33, v32  }
0xd9: {  	v32 =	vadd.s32 $0x840, v32  }
0xda: {  	[tilespmem:$0x2F0] =	vst v32  }
0xdb: {  	v32 =	vld.idx.msk [tilespmem:v34+s2+$0x0], $0xffff  }
0xdc: {  	v39 =	vld.idx.msk [tilespmem:v0+s2+$0x0], $0xffff;
	_ =	sdelay $0x1  }
0xdd: {  	v40 =	vld.idx.msk [tilespmem:v1+s2+$0x0], $0xffff;
	_ =	sdelay $0x2  }
0xde: {  	v33 =	vsub.s32 v32, v39  }
0xdf: {  	vm4 =	vgt.s32 v33, $0xFFFFFFE0  }
0xe0: {  	v34 =	vsub.s32 v32, v40;
	v33 =	vnsel vm4, $0xFFFFFFE0, v33  }
0xe1: {  	vm5 =	vgt.s32 v34, $0xFFFFFFE0;
	vm0 =	vlt.s32 v33, $0x20  }
0xe2: {  	v34 =	vnsel vm5, $0xFFFFFFE0, v34;
	v33 =	vnsel vm0, $0x20, v33  }
0xe3: {  	vm6 =	vlt.s32 v34, $0x20;
	v33 =	vmul.u32 $0x41, v33  }
0xe4: {  	v34 =	vnsel vm6, $0x20, v34  }
0xe5: {  	v33 =	vadd.s32 v33, v34  }
0xe6: {  	v33 =	vadd.s32 $0x840, v33  }
0xe7: {  	[tilespmem:$0x300] =	vst v33  }
0xe8: {  	v33 =	vld.idx.msk [tilespmem:v2+s2+$0x0], $0xffff;
	_ =	sdelay $0x1  }
0xe9: {  	v41 =	vld.idx.msk [tilespmem:v3+s2+$0x0], $0xffff;
	_ =	sdelay $0x2  }
0xea: {  	v33 =	vsub.s32 v32, v33  }
0xeb: {  	vm7 =	vgt.s32 v33, $0xFFFFFFE0  }
0xec: {  	v34 =	vsub.s32 v32, v41;
	v33 =	vnsel vm7, $0xFFFFFFE0, v33  }
0xed: {  	vm8 =	vgt.s32 v34, $0xFFFFFFE0;
	vm0 =	vlt.s32 v33, $0x20  }
0xee: {  	v34 =	vnsel vm8, $0xFFFFFFE0, v34;
	v33 =	vnsel vm0, $0x20, v33  }
0xef: {  	vm9 =	vlt.s32 v34, $0x20;
	v33 =	vmul.u32 $0x41, v33  }
0xf0: {  	v34 =	vnsel vm9, $0x20, v34  }
0xf1: {  	v33 =	vadd.s32 v33, v34  }
0xf2: {  	v33 =	vadd.s32 $0x840, v33  }
0xf3: {  	[tilespmem:$0x310] =	vst v33  }
0xf4: {  	v33 =	vld.idx.msk [tilespmem:v4+s2+$0x0], $0xffff;
	_ =	sdelay $0x1  }
0xf5: {  	v42 =	vld.idx.msk [tilespmem:v5+s2+$0x0], $0xffff;
	_ =	sdelay $0x2  }
0xf6: {  	v33 =	vsub.s32 v32, v33  }
0xf7: {  	vm10 =	vgt.s32 v33, $0xFFFFFFE0  }
0xf8: {  	v34 =	vsub.s32 v32, v42;
	v33 =	vnsel vm10, $0xFFFFFFE0, v33  }
0xf9: {  	vm11 =	vgt.s32 v34, $0xFFFFFFE0;
	vm0 =	vlt.s32 v33, $0x20  }
0xfa: {  	v34 =	vnsel vm11, $0xFFFFFFE0, v34;
	v33 =	vnsel vm0, $0x20, v33  }
0xfb: {  	vm12 =	vlt.s32 v34, $0x20;
	v33 =	vmul.u32 $0x41, v33  }
0xfc: {  	v34 =	vnsel vm12, $0x20, v34  }
0xfd: {  	v33 =	vadd.s32 v33, v34  }
0xfe: {  	v33 =	vadd.s32 $0x840, v33  }
0xff: {  	[tilespmem:$0x320] =	vst v33  }
0x100: {  	v33 =	vld.idx.msk [tilespmem:v6+s2+$0x0], $0xffff;
	_ =	sdelay $0x1  }
0x101: {  	v43 =	vld.idx.msk [tilespmem:v7+s2+$0x0], $0xffff;
	_ =	sdelay $0x2  }
0x102: {  	v33 =	vsub.s32 v32, v33  }
0x103: {  	vm13 =	vgt.s32 v33, $0xFFFFFFE0  }
0x104: {  	v34 =	vsub.s32 v32, v43;
	v33 =	vnsel vm13, $0xFFFFFFE0, v33  }
0x105: {  	vm14 =	vgt.s32 v34, $0xFFFFFFE0;
	vm0 =	vlt.s32 v33, $0x20  }
0x106: {  	v34 =	vnsel vm14, $0xFFFFFFE0, v34;
	v33 =	vnsel vm0, $0x20, v33  }
0x107: {  	vm15 =	vlt.s32 v34, $0x20;
	v33 =	vmul.u32 $0x41, v33  }
0x108: {  	v34 =	vnsel vm15, $0x20, v34  }
0x109: {  	v33 =	vadd.s32 v33, v34  }
0x10a: {  	v33 =	vadd.s32 $0x840, v33  }
0x10b: {  	[tilespmem:$0x330] =	vst v33  }
0x10c: {  	v33 =	vld.idx.msk [tilespmem:v8+s2+$0x0], $0xffff;
	_ =	sdelay $0x1  }
0x10d: {  	v44 =	vld.idx.msk [tilespmem:v9+s2+$0x0], $0xffff;
	_ =	sdelay $0x2  }
0x10e: {  	v33 =	vsub.s32 v32, v33  }
0x10f: {  	vm4 =	vgt.s32 v33, $0xFFFFFFE0  }
0x110: {  	v34 =	vsub.s32 v32, v44;
	v33 =	vnsel vm4, $0xFFFFFFE0, v33  }
0x111: {  	vm5 =	vgt.s32 v34, $0xFFFFFFE0;
	vm0 =	vlt.s32 v33, $0x20  }
0x112: {  	v34 =	vnsel vm5, $0xFFFFFFE0, v34;
	v33 =	vnsel vm0, $0x20, v33  }
0x113: {  	vm6 =	vlt.s32 v34, $0x20;
	v33 =	vmul.u32 $0x41, v33  }
0x114: {  	v34 =	vnsel vm6, $0x20, v34  }
0x115: {  	v33 =	vadd.s32 v33, v34  }
0x116: {  	v33 =	vadd.s32 $0x840, v33  }
0x117: {  	[tilespmem:$0x340] =	vst v33  }
0x118: {  	v33 =	vld.idx.msk [tilespmem:v10+s2+$0x0], $0xffff;
	_ =	sdelay $0x1  }
0x119: {  	v45 =	vld.idx.msk [tilespmem:v11+s2+$0x0], $0xffff;
	_ =	sdelay $0x2  }
0x11a: {  	v33 =	vsub.s32 v32, v33  }
0x11b: {  	vm7 =	vgt.s32 v33, $0xFFFFFFE0  }
0x11c: {  	v34 =	vsub.s32 v32, v45;
	v33 =	vnsel vm7, $0xFFFFFFE0, v33  }
0x11d: {  	vm8 =	vgt.s32 v34, $0xFFFFFFE0;
	vm0 =	vlt.s32 v33, $0x20  }
0x11e: {  	v34 =	vnsel vm8, $0xFFFFFFE0, v34;
	v33 =	vnsel vm0, $0x20, v33  }
0x11f: {  	vm9 =	vlt.s32 v34, $0x20;
	v33 =	vmul.u32 $0x41, v33  }
0x120: {  	v34 =	vnsel vm9, $0x20, v34  }
0x121: {  	v33 =	vadd.s32 v33, v34  }
0x122: {  	v33 =	vadd.s32 $0x840, v33  }
0x123: {  	[tilespmem:$0x350] =	vst v33  }
0x124: {  	v33 =	vld.idx.msk [tilespmem:v12+s2+$0x0], $0xffff;
	_ =	sdelay $0x1  }
0x125: {  	v46 =	vld.idx.msk [tilespmem:v13+s2+$0x0], $0xffff;
	_ =	sdelay $0x2  }
0x126: {  	v33 =	vsub.s32 v32, v33  }
0x127: {  	vm10 =	vgt.s32 v33, $0xFFFFFFE0  }
0x128: {  	v34 =	vsub.s32 v32, v46;
	v33 =	vnsel vm10, $0xFFFFFFE0, v33  }
0x129: {  	vm11 =	vgt.s32 v34, $0xFFFFFFE0;
	vm0 =	vlt.s32 v33, $0x20  }
0x12a: {  	v34 =	vnsel vm11, $0xFFFFFFE0, v34;
	v33 =	vnsel vm0, $0x20, v33  }
0x12b: {  	vm12 =	vlt.s32 v34, $0x20;
	v33 =	vmul.u32 $0x41, v33  }
0x12c: {  	v34 =	vnsel vm12, $0x20, v34  }
0x12d: {  	v33 =	vadd.s32 v33, v34  }
0x12e: {  	v33 =	vadd.s32 $0x840, v33  }
0x12f: {  	[tilespmem:$0x360] =	vst v33  }
0x130: {  	v33 =	vld.idx.msk [tilespmem:v14+s2+$0x0], $0xffff;
	_ =	sdelay $0x1  }
0x131: {  	v47 =	vld.idx.msk [tilespmem:v15+s2+$0x0], $0xffff;
	_ =	sdelay $0x2  }
0x132: {  	v33 =	vsub.s32 v32, v33  }
0x133: {  	vm13 =	vgt.s32 v33, $0xFFFFFFE0  }
0x134: {  	v34 =	vsub.s32 v32, v47;
	v33 =	vnsel vm13, $0xFFFFFFE0, v33  }
0x135: {  	vm14 =	vgt.s32 v34, $0xFFFFFFE0;
	vm0 =	vlt.s32 v33, $0x20  }
0x136: {  	v34 =	vnsel vm14, $0xFFFFFFE0, v34;
	v33 =	vnsel vm0, $0x20, v33  }
0x137: {  	vm15 =	vlt.s32 v34, $0x20;
	v33 =	vmul.u32 $0x41, v33  }
0x138: {  	v34 =	vnsel vm15, $0x20, v34  }
0x139: {  	v33 =	vadd.s32 v33, v34  }
0x13a: {  	v33 =	vadd.s32 $0x840, v33  }
0x13b: {  	[tilespmem:$0x370] =	vst v33  }
0x13c: {  	v33 =	vld.idx.msk [tilespmem:v16+s2+$0x0], $0xffff;
	_ =	sdelay $0x1  }
0x13d: {  	v48 =	vld.idx.msk [tilespmem:v17+s2+$0x0], $0xffff;
	_ =	sdelay $0x2  }
0x13e: {  	v33 =	vsub.s32 v32, v33  }
0x13f: {  	vm4 =	vgt.s32 v33, $0xFFFFFFE0  }
0x140: {  	v34 =	vsub.s32 v32, v48;
	v33 =	vnsel vm4, $0xFFFFFFE0, v33  }
0x141: {  	vm5 =	vgt.s32 v34, $0xFFFFFFE0;
	vm0 =	vlt.s32 v33, $0x20  }
0x142: {  	v34 =	vnsel vm5, $0xFFFFFFE0, v34;
	v33 =	vnsel vm0, $0x20, v33  }
0x143: {  	vm6 =	vlt.s32 v34, $0x20;
	v33 =	vmul.u32 $0x41, v33  }
0x144: {  	v34 =	vnsel vm6, $0x20, v34  }
0x145: {  	v33 =	vadd.s32 v33, v34  }
0x146: {  	v33 =	vadd.s32 $0x840, v33  }
0x147: {  	[tilespmem:$0x380] =	vst v33  }
0x148: {  	v33 =	vld.idx.msk [tilespmem:v18+s2+$0x0], $0xffff;
	_ =	sdelay $0x1  }
0x149: {  	v49 =	vld.idx.msk [tilespmem:v19+s2+$0x0], $0xffff;
	_ =	sdelay $0x2  }
0x14a: {  	v33 =	vsub.s32 v32, v33  }
0x14b: {  	vm7 =	vgt.s32 v33, $0xFFFFFFE0  }
0x14c: {  	v34 =	vsub.s32 v32, v49;
	v33 =	vnsel vm7, $0xFFFFFFE0, v33  }
0x14d: {  	vm8 =	vgt.s32 v34, $0xFFFFFFE0;
	vm0 =	vlt.s32 v33, $0x20  }
0x14e: {  	v34 =	vnsel vm8, $0xFFFFFFE0, v34;
	v33 =	vnsel vm0, $0x20, v33  }
0x14f: {  	vm9 =	vlt.s32 v34, $0x20;
	v33 =	vmul.u32 $0x41, v33  }
0x150: {  	v34 =	vnsel vm9, $0x20, v34  }
0x151: {  	v33 =	vadd.s32 v33, v34  }
0x152: {  	v33 =	vadd.s32 $0x840, v33  }
0x153: {  	[tilespmem:$0x390] =	vst v33  }
0x154: {  	v33 =	vld.idx.msk [tilespmem:v20+s2+$0x0], $0xffff;
	_ =	sdelay $0x1  }
0x155: {  	v50 =	vld.idx.msk [tilespmem:v21+s2+$0x0], $0xffff;
	_ =	sdelay $0x2  }
0x156: {  	v33 =	vsub.s32 v32, v33  }
0x157: {  	vm10 =	vgt.s32 v33, $0xFFFFFFE0  }
0x158: {  	v34 =	vsub.s32 v32, v50;
	v33 =	vnsel vm10, $0xFFFFFFE0, v33  }
0x159: {  	vm11 =	vgt.s32 v34, $0xFFFFFFE0;
	vm0 =	vlt.s32 v33, $0x20  }
0x15a: {  	v34 =	vnsel vm11, $0xFFFFFFE0, v34;
	v33 =	vnsel vm0, $0x20, v33  }
0x15b: {  	vm12 =	vlt.s32 v34, $0x20;
	v33 =	vmul.u32 $0x41, v33  }
0x15c: {  	v34 =	vnsel vm12, $0x20, v34  }
0x15d: {  	v33 =	vadd.s32 v33, v34  }
0x15e: {  	v33 =	vadd.s32 $0x840, v33  }
0x15f: {  	[tilespmem:$0x3A0] =	vst v33  }
0x160: {  	v33 =	vld.idx.msk [tilespmem:v22+s2+$0x0], $0xffff;
	_ =	sdelay $0x1  }
0x161: {  	v51 =	vld.idx.msk [tilespmem:v23+s2+$0x0], $0xffff;
	_ =	sdelay $0x2  }
0x162: {  	v33 =	vsub.s32 v32, v33  }
0x163: {  	vm13 =	vgt.s32 v33, $0xFFFFFFE0  }
0x164: {  	v34 =	vsub.s32 v32, v51;
	v33 =	vnsel vm13, $0xFFFFFFE0, v33  }
0x165: {  	vm14 =	vgt.s32 v34, $0xFFFFFFE0;
	vm0 =	vlt.s32 v33, $0x20  }
0x166: {  	v34 =	vnsel vm14, $0xFFFFFFE0, v34;
	v33 =	vnsel vm0, $0x20, v33  }
0x167: {  	vm15 =	vlt.s32 v34, $0x20;
	v33 =	vmul.u32 $0x41, v33  }
0x168: {  	v34 =	vnsel vm15, $0x20, v34  }
0x169: {  	v33 =	vadd.s32 v33, v34  }
0x16a: {  	v33 =	vadd.s32 $0x840, v33  }
0x16b: {  	[tilespmem:$0x3B0] =	vst v33  }
0x16c: {  	v33 =	vld.idx.msk [tilespmem:v24+s2+$0x0], $0xffff;
	_ =	sdelay $0x1  }
0x16d: {  	v52 =	vld.idx.msk [tilespmem:v25+s2+$0x0], $0xffff;
	_ =	sdelay $0x2  }
0x16e: {  	v33 =	vsub.s32 v32, v33  }
0x16f: {  	vm4 =	vgt.s32 v33, $0xFFFFFFE0  }
0x170: {  	v34 =	vsub.s32 v32, v52;
	v33 =	vnsel vm4, $0xFFFFFFE0, v33  }
0x171: {  	vm5 =	vgt.s32 v34, $0xFFFFFFE0;
	vm0 =	vlt.s32 v33, $0x20  }
0x172: {  	v34 =	vnsel vm5, $0xFFFFFFE0, v34;
	v33 =	vnsel vm0, $0x20, v33  }
0x173: {  	vm6 =	vlt.s32 v34, $0x20;
	v33 =	vmul.u32 $0x41, v33  }
0x174: {  	v34 =	vnsel vm6, $0x20, v34  }
0x175: {  	v33 =	vadd.s32 v33, v34  }
0x176: {  	v33 =	vadd.s32 $0x840, v33  }
0x177: {  	[tilespmem:$0x3C0] =	vst v33  }
0x178: {  	v33 =	vld.idx.msk [tilespmem:v26+s2+$0x0], $0xffff;
	_ =	sdelay $0x1  }
0x179: {  	v53 =	vld.idx.msk [tilespmem:v27+s2+$0x0], $0xffff;
	_ =	sdelay $0x2  }
0x17a: {  	v33 =	vsub.s32 v32, v33  }
0x17b: {  	vm7 =	vgt.s32 v33, $0xFFFFFFE0  }
0x17c: {  	v34 =	vsub.s32 v32, v53;
	v33 =	vnsel vm7, $0xFFFFFFE0, v33  }
0x17d: {  	vm8 =	vgt.s32 v34, $0xFFFFFFE0;
	vm0 =	vlt.s32 v33, $0x20  }
0x17e: {  	v34 =	vnsel vm8, $0xFFFFFFE0, v34;
	v33 =	vnsel vm0, $0x20, v33  }
0x17f: {  	vm9 =	vlt.s32 v34, $0x20;
	v33 =	vmul.u32 $0x41, v33  }
0x180: {  	v34 =	vnsel vm9, $0x20, v34  }
0x181: {  	v33 =	vadd.s32 v33, v34  }
0x182: {  	v33 =	vadd.s32 $0x840, v33  }
0x183: {  	[tilespmem:$0x3D0] =	vst v33  }
0x184: {  	v33 =	vld.idx.msk [tilespmem:v28+s2+$0x0], $0xffff;
	_ =	sdelay $0x1  }
0x185: {  	v54 =	vld.idx.msk [tilespmem:v29+s2+$0x0], $0xffff;
	_ =	sdelay $0x2  }
0x186: {  	v33 =	vsub.s32 v32, v33  }
0x187: {  	vm10 =	vgt.s32 v33, $0xFFFFFFE0  }
0x188: {  	v34 =	vsub.s32 v32, v54;
	v33 =	vnsel vm10, $0xFFFFFFE0, v33  }
0x189: {  	vm11 =	vgt.s32 v34, $0xFFFFFFE0;
	vm0 =	vlt.s32 v33, $0x20  }
0x18a: {  	v34 =	vnsel vm11, $0xFFFFFFE0, v34;
	v33 =	vnsel vm0, $0x20, v33  }
0x18b: {  	vm12 =	vlt.s32 v34, $0x20;
	v33 =	vmul.u32 $0x41, v33  }
0x18c: {  	v34 =	vnsel vm12, $0x20, v34  }
0x18d: {  	v33 =	vadd.s32 v33, v34  }
0x18e: {  	v33 =	vadd.s32 $0x840, v33  }
0x18f: {  	[tilespmem:$0x3E0] =	vst v33  }
0x190: {  	v33 =	vld.idx.msk [tilespmem:v30+s2+$0x0], $0xffff;
	_ =	sdelay $0x1  }
0x191: {  	v55 =	vld.idx.msk [tilespmem:v31+s2+$0x0], $0xffff;
	_ =	sdelay $0x2  }
0x192: {  	v33 =	vsub.s32 v32, v33  }
0x193: {  	s0 =	sadd.s32 $0x2, s31;
	vm13 =	vgt.s32 v33, $0xFFFFFFE0  }
0x194: {  	v56 =	vmov s0;
	v32 =	vsub.s32 v32, v55;
	v33 =	vnsel vm13, $0xFFFFFFE0, v33  }
0x195: {  	v34 =	vand.u32 $0xFFFFFFFE, v56;
	vm14 =	vgt.s32 v32, $0xFFFFFFE0;
	vm0 =	vlt.s32 v33, $0x20  }
0x196: {  	v34 =	vbroadcast v34, $0x0;
	v32 =	vnsel vm14, $0xFFFFFFE0, v32;
	v33 =	vnsel vm0, $0x20, v33  }
0x197: {  	vm15 =	vlt.s32 v32, $0x20;
	v33 =	vmul.u32 $0x41, v33  }
0x198: {  	v32 =	vnsel vm15, $0x20, v32  }
0x199: {  	v32 =	vadd.s32 v33, v32  }
0x19a: {  	v32 =	vadd.s32 $0x840, v32  }
0x19b: {  	[tilespmem:$0x3F0] =	vst v32  }
0x19c: {  	v32 =	vld.idx.msk [tilespmem:v34+s2+$0x0], $0xffff  }
0x19d: {  	v57 =	vld.idx.msk [tilespmem:v0+s2+$0x0], $0xffff;
	_ =	sdelay $0x1  }
0x19e: {  	v58 =	vld.idx.msk [tilespmem:v1+s2+$0x0], $0xffff;
	_ =	sdelay $0x2  }
0x19f: {  	v33 =	vsub.s32 v32, v57  }
0x1a0: {  	vm4 =	vgt.s32 v33, $0xFFFFFFE0  }
0x1a1: {  	v34 =	vsub.s32 v32, v58;
	v33 =	vnsel vm4, $0xFFFFFFE0, v33  }
0x1a2: {  	vm5 =	vgt.s32 v34, $0xFFFFFFE0;
	vm0 =	vlt.s32 v33, $0x20  }
0x1a3: {  	v34 =	vnsel vm5, $0xFFFFFFE0, v34;
	v33 =	vnsel vm0, $0x20, v33  }
0x1a4: {  	vm6 =	vlt.s32 v34, $0x20;
	v33 =	vmul.u32 $0x41, v33  }
0x1a5: {  	v34 =	vnsel vm6, $0x20, v34  }
0x1a6: {  	v33 =	vadd.s32 v33, v34  }
0x1a7: {  	v33 =	vadd.s32 $0x840, v33  }
0x1a8: {  	[tilespmem:$0x400] =	vst v33  }
0x1a9: {  	v33 =	vld.idx.msk [tilespmem:v2+s2+$0x0], $0xffff;
	_ =	sdelay $0x1  }
0x1aa: {  	v59 =	vld.idx.msk [tilespmem:v3+s2+$0x0], $0xffff;
	_ =	sdelay $0x2  }
0x1ab: {  	v33 =	vsub.s32 v32, v33  }
0x1ac: {  	vm7 =	vgt.s32 v33, $0xFFFFFFE0  }
0x1ad: {  	v34 =	vsub.s32 v32, v59;
	v33 =	vnsel vm7, $0xFFFFFFE0, v33  }
0x1ae: {  	vm8 =	vgt.s32 v34, $0xFFFFFFE0;
	vm0 =	vlt.s32 v33, $0x20  }
0x1af: {  	v34 =	vnsel vm8, $0xFFFFFFE0, v34;
	v33 =	vnsel vm0, $0x20, v33  }
0x1b0: {  	vm9 =	vlt.s32 v34, $0x20;
	v33 =	vmul.u32 $0x41, v33  }
0x1b1: {  	v34 =	vnsel vm9, $0x20, v34  }
0x1b2: {  	v33 =	vadd.s32 v33, v34  }
0x1b3: {  	v33 =	vadd.s32 $0x840, v33  }
0x1b4: {  	[tilespmem:$0x410] =	vst v33  }
0x1b5: {  	v33 =	vld.idx.msk [tilespmem:v4+s2+$0x0], $0xffff;
	_ =	sdelay $0x1  }
0x1b6: {  	v60 =	vld.idx.msk [tilespmem:v5+s2+$0x0], $0xffff;
	_ =	sdelay $0x2  }
0x1b7: {  	v33 =	vsub.s32 v32, v33  }
0x1b8: {  	vm10 =	vgt.s32 v33, $0xFFFFFFE0  }
0x1b9: {  	v34 =	vsub.s32 v32, v60;
	v33 =	vnsel vm10, $0xFFFFFFE0, v33  }
0x1ba: {  	vm11 =	vgt.s32 v34, $0xFFFFFFE0;
	vm0 =	vlt.s32 v33, $0x20  }
0x1bb: {  	v34 =	vnsel vm11, $0xFFFFFFE0, v34;
	v33 =	vnsel vm0, $0x20, v33  }
0x1bc: {  	vm12 =	vlt.s32 v34, $0x20;
	v33 =	vmul.u32 $0x41, v33  }
0x1bd: {  	v34 =	vnsel vm12, $0x20, v34  }
0x1be: {  	v33 =	vadd.s32 v33, v34  }
0x1bf: {  	v33 =	vadd.s32 $0x840, v33  }
0x1c0: {  	[tilespmem:$0x420] =	vst v33  }
0x1c1: {  	v33 =	vld.idx.msk [tilespmem:v6+s2+$0x0], $0xffff;
	_ =	sdelay $0x1  }
0x1c2: {  	v61 =	vld.idx.msk [tilespmem:v7+s2+$0x0], $0xffff;
	_ =	sdelay $0x2  }
0x1c3: {  	v33 =	vsub.s32 v32, v33  }
0x1c4: {  	vm13 =	vgt.s32 v33, $0xFFFFFFE0  }
0x1c5: {  	v34 =	vsub.s32 v32, v61;
	v33 =	vnsel vm13, $0xFFFFFFE0, v33  }
0x1c6: {  	vm14 =	vgt.s32 v34, $0xFFFFFFE0;
	vm0 =	vlt.s32 v33, $0x20  }
0x1c7: {  	v34 =	vnsel vm14, $0xFFFFFFE0, v34;
	v33 =	vnsel vm0, $0x20, v33  }
0x1c8: {  	vm15 =	vlt.s32 v34, $0x20;
	v33 =	vmul.u32 $0x41, v33  }
0x1c9: {  	v34 =	vnsel vm15, $0x20, v34  }
0x1ca: {  	v33 =	vadd.s32 v33, v34  }
0x1cb: {  	v33 =	vadd.s32 $0x840, v33  }
0x1cc: {  	[tilespmem:$0x430] =	vst v33  }
0x1cd: {  	v33 =	vld.idx.msk [tilespmem:v8+s2+$0x0], $0xffff;
	_ =	sdelay $0x1  }
0x1ce: {  	v62 =	vld.idx.msk [tilespmem:v9+s2+$0x0], $0xffff;
	_ =	sdelay $0x2  }
0x1cf: {  	v33 =	vsub.s32 v32, v33  }
0x1d0: {  	vm4 =	vgt.s32 v33, $0xFFFFFFE0  }
0x1d1: {  	v34 =	vsub.s32 v32, v62;
	v33 =	vnsel vm4, $0xFFFFFFE0, v33  }
0x1d2: {  	vm5 =	vgt.s32 v34, $0xFFFFFFE0;
	vm0 =	vlt.s32 v33, $0x20  }
0x1d3: {  	v34 =	vnsel vm5, $0xFFFFFFE0, v34;
	v33 =	vnsel vm0, $0x20, v33  }
0x1d4: {  	vm6 =	vlt.s32 v34, $0x20;
	v33 =	vmul.u32 $0x41, v33  }
0x1d5: {  	v34 =	vnsel vm6, $0x20, v34  }
0x1d6: {  	v33 =	vadd.s32 v33, v34  }
0x1d7: {  	v33 =	vadd.s32 $0x840, v33  }
0x1d8: {  	[tilespmem:$0x440] =	vst v33  }
0x1d9: {  	v33 =	vld.idx.msk [tilespmem:v10+s2+$0x0], $0xffff;
	_ =	sdelay $0x1  }
0x1da: {  	v63 =	vld.idx.msk [tilespmem:v11+s2+$0x0], $0xffff;
	_ =	sdelay $0x2  }
0x1db: {  	v33 =	vsub.s32 v32, v33  }
0x1dc: {  	vm7 =	vgt.s32 v33, $0xFFFFFFE0  }
0x1dd: {  	v34 =	vsub.s32 v32, v63;
	v33 =	vnsel vm7, $0xFFFFFFE0, v33  }
0x1de: {  	vm8 =	vgt.s32 v34, $0xFFFFFFE0;
	vm0 =	vlt.s32 v33, $0x20  }
0x1df: {  	v34 =	vnsel vm8, $0xFFFFFFE0, v34;
	v33 =	vnsel vm0, $0x20, v33  }
0x1e0: {  	vm9 =	vlt.s32 v34, $0x20;
	v33 =	vmul.u32 $0x41, v33  }
0x1e1: {  	v34 =	vnsel vm9, $0x20, v34  }
0x1e2: {  	v33 =	vadd.s32 v33, v34  }
0x1e3: {  	v33 =	vadd.s32 $0x840, v33  }
0x1e4: {  	[tilespmem:$0x450] =	vst v33  }
0x1e5: {  	v33 =	vld.idx.msk [tilespmem:v12+s2+$0x0], $0xffff;
	_ =	sdelay $0x1  }
0x1e6: {  	v36 =	vld.idx.msk [tilespmem:v13+s2+$0x0], $0xffff;
	_ =	sdelay $0x2  }
0x1e7: {  	v33 =	vsub.s32 v32, v33  }
0x1e8: {  	vm10 =	vgt.s32 v33, $0xFFFFFFE0  }
0x1e9: {  	v34 =	vsub.s32 v32, v36;
	v33 =	vnsel vm10, $0xFFFFFFE0, v33  }
0x1ea: {  	vm11 =	vgt.s32 v34, $0xFFFFFFE0;
	vm0 =	vlt.s32 v33, $0x20  }
0x1eb: {  	v34 =	vnsel vm11, $0xFFFFFFE0, v34;
	v33 =	vnsel vm0, $0x20, v33  }
0x1ec: {  	vm12 =	vlt.s32 v34, $0x20;
	v33 =	vmul.u32 $0x41, v33  }
0x1ed: {  	v34 =	vnsel vm12, $0x20, v34  }
0x1ee: {  	v33 =	vadd.s32 v33, v34  }
0x1ef: {  	v33 =	vadd.s32 $0x840, v33  }
0x1f0: {  	[tilespmem:$0x460] =	vst v33  }
0x1f1: {  	v33 =	vld.idx.msk [tilespmem:v14+s2+$0x0], $0xffff;
	_ =	sdelay $0x1  }
0x1f2: {  	v37 =	vld.idx.msk [tilespmem:v15+s2+$0x0], $0xffff;
	_ =	sdelay $0x2  }
0x1f3: {  	v33 =	vsub.s32 v32, v33  }
0x1f4: {  	vm13 =	vgt.s32 v33, $0xFFFFFFE0  }
0x1f5: {  	v34 =	vsub.s32 v32, v37;
	v33 =	vnsel vm13, $0xFFFFFFE0, v33  }
0x1f6: {  	vm14 =	vgt.s32 v34, $0xFFFFFFE0;
	vm0 =	vlt.s32 v33, $0x20  }
0x1f7: {  	v34 =	vnsel vm14, $0xFFFFFFE0, v34;
	v33 =	vnsel vm0, $0x20, v33  }
0x1f8: {  	vm15 =	vlt.s32 v34, $0x20;
	v33 =	vmul.u32 $0x41, v33  }
0x1f9: {  	v34 =	vnsel vm15, $0x20, v34  }
0x1fa: {  	v33 =	vadd.s32 v33, v34  }
0x1fb: {  	v33 =	vadd.s32 $0x840, v33  }
0x1fc: {  	[tilespmem:$0x470] =	vst v33  }
0x1fd: {  	v33 =	vld.idx.msk [tilespmem:v16+s2+$0x0], $0xffff;
	_ =	sdelay $0x1  }
0x1fe: {  	v38 =	vld.idx.msk [tilespmem:v17+s2+$0x0], $0xffff;
	_ =	sdelay $0x2  }
0x1ff: {  	v33 =	vsub.s32 v32, v33  }
0x200: {  	vm4 =	vgt.s32 v33, $0xFFFFFFE0  }
0x201: {  	v34 =	vsub.s32 v32, v38;
	v33 =	vnsel vm4, $0xFFFFFFE0, v33  }
0x202: {  	vm5 =	vgt.s32 v34, $0xFFFFFFE0;
	vm0 =	vlt.s32 v33, $0x20  }
0x203: {  	v34 =	vnsel vm5, $0xFFFFFFE0, v34;
	v33 =	vnsel vm0, $0x20, v33  }
0x204: {  	vm6 =	vlt.s32 v34, $0x20;
	v33 =	vmul.u32 $0x41, v33  }
0x205: {  	v34 =	vnsel vm6, $0x20, v34  }
0x206: {  	v33 =	vadd.s32 v33, v34  }
0x207: {  	v33 =	vadd.s32 $0x840, v33  }
0x208: {  	[tilespmem:$0x480] =	vst v33  }
0x209: {  	v33 =	vld.idx.msk [tilespmem:v18+s2+$0x0], $0xffff;
	_ =	sdelay $0x1  }
0x20a: {  	v39 =	vld.idx.msk [tilespmem:v19+s2+$0x0], $0xffff;
	_ =	sdelay $0x2  }
0x20b: {  	v33 =	vsub.s32 v32, v33  }
0x20c: {  	vm7 =	vgt.s32 v33, $0xFFFFFFE0  }
0x20d: {  	v34 =	vsub.s32 v32, v39;
	v33 =	vnsel vm7, $0xFFFFFFE0, v33  }
0x20e: {  	vm8 =	vgt.s32 v34, $0xFFFFFFE0;
	vm0 =	vlt.s32 v33, $0x20  }
0x20f: {  	v34 =	vnsel vm8, $0xFFFFFFE0, v34;
	v33 =	vnsel vm0, $0x20, v33  }
0x210: {  	vm9 =	vlt.s32 v34, $0x20;
	v33 =	vmul.u32 $0x41, v33  }
0x211: {  	v34 =	vnsel vm9, $0x20, v34  }
0x212: {  	v33 =	vadd.s32 v33, v34  }
0x213: {  	v33 =	vadd.s32 $0x840, v33  }
0x214: {  	[tilespmem:$0x490] =	vst v33  }
0x215: {  	v33 =	vld.idx.msk [tilespmem:v20+s2+$0x0], $0xffff;
	_ =	sdelay $0x1  }
0x216: {  	v40 =	vld.idx.msk [tilespmem:v21+s2+$0x0], $0xffff;
	_ =	sdelay $0x2  }
0x217: {  	v33 =	vsub.s32 v32, v33  }
0x218: {  	vm10 =	vgt.s32 v33, $0xFFFFFFE0  }
0x219: {  	v34 =	vsub.s32 v32, v40;
	v33 =	vnsel vm10, $0xFFFFFFE0, v33  }
0x21a: {  	vm11 =	vgt.s32 v34, $0xFFFFFFE0;
	vm0 =	vlt.s32 v33, $0x20  }
0x21b: {  	v34 =	vnsel vm11, $0xFFFFFFE0, v34;
	v33 =	vnsel vm0, $0x20, v33  }
0x21c: {  	vm12 =	vlt.s32 v34, $0x20;
	v33 =	vmul.u32 $0x41, v33  }
0x21d: {  	v34 =	vnsel vm12, $0x20, v34  }
0x21e: {  	v33 =	vadd.s32 v33, v34  }
0x21f: {  	v33 =	vadd.s32 $0x840, v33  }
0x220: {  	[tilespmem:$0x4A0] =	vst v33  }
0x221: {  	v33 =	vld.idx.msk [tilespmem:v22+s2+$0x0], $0xffff;
	_ =	sdelay $0x1  }
0x222: {  	v41 =	vld.idx.msk [tilespmem:v23+s2+$0x0], $0xffff;
	_ =	sdelay $0x2  }
0x223: {  	v33 =	vsub.s32 v32, v33  }
0x224: {  	vm13 =	vgt.s32 v33, $0xFFFFFFE0  }
0x225: {  	v34 =	vsub.s32 v32, v41;
	v33 =	vnsel vm13, $0xFFFFFFE0, v33  }
0x226: {  	vm14 =	vgt.s32 v34, $0xFFFFFFE0;
	vm0 =	vlt.s32 v33, $0x20  }
0x227: {  	v34 =	vnsel vm14, $0xFFFFFFE0, v34;
	v33 =	vnsel vm0, $0x20, v33  }
0x228: {  	vm15 =	vlt.s32 v34, $0x20;
	v33 =	vmul.u32 $0x41, v33  }
0x229: {  	v34 =	vnsel vm15, $0x20, v34  }
0x22a: {  	v33 =	vadd.s32 v33, v34  }
0x22b: {  	v33 =	vadd.s32 $0x840, v33  }
0x22c: {  	[tilespmem:$0x4B0] =	vst v33  }
0x22d: {  	v33 =	vld.idx.msk [tilespmem:v24+s2+$0x0], $0xffff;
	_ =	sdelay $0x1  }
0x22e: {  	v42 =	vld.idx.msk [tilespmem:v25+s2+$0x0], $0xffff;
	_ =	sdelay $0x2  }
0x22f: {  	v33 =	vsub.s32 v32, v33  }
0x230: {  	vm4 =	vgt.s32 v33, $0xFFFFFFE0  }
0x231: {  	v34 =	vsub.s32 v32, v42;
	v33 =	vnsel vm4, $0xFFFFFFE0, v33  }
0x232: {  	vm5 =	vgt.s32 v34, $0xFFFFFFE0;
	vm0 =	vlt.s32 v33, $0x20  }
0x233: {  	v34 =	vnsel vm5, $0xFFFFFFE0, v34;
	v33 =	vnsel vm0, $0x20, v33  }
0x234: {  	vm6 =	vlt.s32 v34, $0x20;
	v33 =	vmul.u32 $0x41, v33  }
0x235: {  	v34 =	vnsel vm6, $0x20, v34  }
0x236: {  	v33 =	vadd.s32 v33, v34  }
0x237: {  	v33 =	vadd.s32 $0x840, v33  }
0x238: {  	[tilespmem:$0x4C0] =	vst v33  }
0x239: {  	v33 =	vld.idx.msk [tilespmem:v26+s2+$0x0], $0xffff;
	_ =	sdelay $0x1  }
0x23a: {  	v43 =	vld.idx.msk [tilespmem:v27+s2+$0x0], $0xffff;
	_ =	sdelay $0x2  }
0x23b: {  	v33 =	vsub.s32 v32, v33  }
0x23c: {  	vm7 =	vgt.s32 v33, $0xFFFFFFE0  }
0x23d: {  	v34 =	vsub.s32 v32, v43;
	v33 =	vnsel vm7, $0xFFFFFFE0, v33  }
0x23e: {  	vm8 =	vgt.s32 v34, $0xFFFFFFE0;
	vm0 =	vlt.s32 v33, $0x20  }
0x23f: {  	v34 =	vnsel vm8, $0xFFFFFFE0, v34;
	v33 =	vnsel vm0, $0x20, v33  }
0x240: {  	vm9 =	vlt.s32 v34, $0x20;
	v33 =	vmul.u32 $0x41, v33  }
0x241: {  	v34 =	vnsel vm9, $0x20, v34  }
0x242: {  	v33 =	vadd.s32 v33, v34  }
0x243: {  	v33 =	vadd.s32 $0x840, v33  }
0x244: {  	[tilespmem:$0x4D0] =	vst v33  }
0x245: {  	v33 =	vld.idx.msk [tilespmem:v28+s2+$0x0], $0xffff;
	_ =	sdelay $0x1  }
0x246: {  	v44 =	vld.idx.msk [tilespmem:v29+s2+$0x0], $0xffff;
	_ =	sdelay $0x2  }
0x247: {  	v33 =	vsub.s32 v32, v33  }
0x248: {  	vm10 =	vgt.s32 v33, $0xFFFFFFE0  }
0x249: {  	v34 =	vsub.s32 v32, v44;
	v33 =	vnsel vm10, $0xFFFFFFE0, v33  }
0x24a: {  	vm11 =	vgt.s32 v34, $0xFFFFFFE0;
	vm0 =	vlt.s32 v33, $0x20  }
0x24b: {  	v34 =	vnsel vm11, $0xFFFFFFE0, v34;
	v33 =	vnsel vm0, $0x20, v33  }
0x24c: {  	vm12 =	vlt.s32 v34, $0x20;
	v33 =	vmul.u32 $0x41, v33  }
0x24d: {  	v34 =	vnsel vm12, $0x20, v34  }
0x24e: {  	v33 =	vadd.s32 v33, v34  }
0x24f: {  	v33 =	vadd.s32 $0x840, v33  }
0x250: {  	[tilespmem:$0x4E0] =	vst v33  }
0x251: {  	v33 =	vld.idx.msk [tilespmem:v30+s2+$0x0], $0xffff;
	_ =	sdelay $0x1  }
0x252: {  	v45 =	vld.idx.msk [tilespmem:v31+s2+$0x0], $0xffff;
	_ =	sdelay $0x2  }
0x253: {  	v33 =	vsub.s32 v32, v33  }
0x254: {  	vm13 =	vgt.s32 v33, $0xFFFFFFE0  }
0x255: {  	v32 =	vsub.s32 v32, v45;
	v33 =	vnsel vm13, $0xFFFFFFE0, v33  }
0x256: {  	vm14 =	vgt.s32 v32, $0xFFFFFFE0;
	vm0 =	vlt.s32 v33, $0x20  }
0x257: {  	s31 =	sadd.s32 $0x3, s31;
	v32 =	vnsel vm14, $0xFFFFFFE0, v32;
	v33 =	vnsel vm0, $0x20, v33  }
0x258: {  	v46 =	vmov s31;
	vm15 =	vlt.s32 v32, $0x20;
	v33 =	vmul.u32 $0x41, v33  }
0x259: {  	v32 =	vnsel vm15, $0x20, v32  }
0x25a: {  	v32 =	vadd.s32 v33, v32  }
0x25b: {  	v32 =	vadd.s32 $0x840, v32  }
0x25c: {  	[tilespmem:$0x4F0] =	vst v32  }
0x25d: {  	v32 =	vld.idx.msk [tilespmem:v46+s2+$0x0], $0xffff  }
0x25e: {  	v47 =	vld.idx.msk [tilespmem:v0+s2+$0x0], $0xffff;
	_ =	sdelay $0x1  }
0x25f: {  	v48 =	vld.idx.msk [tilespmem:v1+s2+$0x0], $0xffff;
	_ =	sdelay $0x2  }
0x260: {  	v33 =	vsub.s32 v32, v47  }
0x261: {  	vm4 =	vgt.s32 v33, $0xFFFFFFE0  }
0x262: {  	v34 =	vsub.s32 v32, v48;
	v33 =	vnsel vm4, $0xFFFFFFE0, v33  }
0x263: {  	vm5 =	vgt.s32 v34, $0xFFFFFFE0;
	vm0 =	vlt.s32 v33, $0x20  }
0x264: {  	v34 =	vnsel vm5, $0xFFFFFFE0, v34;
	v33 =	vnsel vm0, $0x20, v33  }
0x265: {  	vm6 =	vlt.s32 v34, $0x20;
	v33 =	vmul.u32 $0x41, v33  }
0x266: {  	v34 =	vnsel vm6, $0x20, v34  }
0x267: {  	v33 =	vadd.s32 v33, v34  }
0x268: {  	v33 =	vadd.s32 $0x840, v33  }
0x269: {  	[tilespmem:$0x500] =	vst v33  }
0x26a: {  	v33 =	vld.idx.msk [tilespmem:v2+s2+$0x0], $0xffff;
	_ =	sdelay $0x1  }
0x26b: {  	v49 =	vld.idx.msk [tilespmem:v3+s2+$0x0], $0xffff;
	_ =	sdelay $0x2  }
0x26c: {  	v33 =	vsub.s32 v32, v33  }
0x26d: {  	vm7 =	vgt.s32 v33, $0xFFFFFFE0  }
0x26e: {  	v34 =	vsub.s32 v32, v49;
	v33 =	vnsel vm7, $0xFFFFFFE0, v33  }
0x26f: {  	vm8 =	vgt.s32 v34, $0xFFFFFFE0;
	vm0 =	vlt.s32 v33, $0x20  }
0x270: {  	v34 =	vnsel vm8, $0xFFFFFFE0, v34;
	v33 =	vnsel vm0, $0x20, v33  }
0x271: {  	vm9 =	vlt.s32 v34, $0x20;
	v33 =	vmul.u32 $0x41, v33  }
0x272: {  	v34 =	vnsel vm9, $0x20, v34  }
0x273: {  	v33 =	vadd.s32 v33, v34  }
0x274: {  	v33 =	vadd.s32 $0x840, v33  }
0x275: {  	[tilespmem:$0x510] =	vst v33  }
0x276: {  	v33 =	vld.idx.msk [tilespmem:v4+s2+$0x0], $0xffff;
	_ =	sdelay $0x1  }
0x277: {  	v50 =	vld.idx.msk [tilespmem:v5+s2+$0x0], $0xffff;
	_ =	sdelay $0x2  }
0x278: {  	v33 =	vsub.s32 v32, v33  }
0x279: {  	vm10 =	vgt.s32 v33, $0xFFFFFFE0  }
0x27a: {  	v34 =	vsub.s32 v32, v50;
	v33 =	vnsel vm10, $0xFFFFFFE0, v33  }
0x27b: {  	vm11 =	vgt.s32 v34, $0xFFFFFFE0;
	vm0 =	vlt.s32 v33, $0x20  }
0x27c: {  	v34 =	vnsel vm11, $0xFFFFFFE0, v34;
	v33 =	vnsel vm0, $0x20, v33  }
0x27d: {  	vm12 =	vlt.s32 v34, $0x20;
	v33 =	vmul.u32 $0x41, v33  }
0x27e: {  	v34 =	vnsel vm12, $0x20, v34  }
0x27f: {  	v33 =	vadd.s32 v33, v34  }
0x280: {  	v33 =	vadd.s32 $0x840, v33  }
0x281: {  	[tilespmem:$0x520] =	vst v33  }
0x282: {  	v33 =	vld.idx.msk [tilespmem:v6+s2+$0x0], $0xffff;
	_ =	sdelay $0x1  }
0x283: {  	v51 =	vld.idx.msk [tilespmem:v7+s2+$0x0], $0xffff;
	_ =	sdelay $0x2  }
0x284: {  	v33 =	vsub.s32 v32, v33  }
0x285: {  	vm13 =	vgt.s32 v33, $0xFFFFFFE0  }
0x286: {  	v34 =	vsub.s32 v32, v51;
	v33 =	vnsel vm13, $0xFFFFFFE0, v33  }
0x287: {  	vm14 =	vgt.s32 v34, $0xFFFFFFE0;
	vm0 =	vlt.s32 v33, $0x20  }
0x288: {  	v34 =	vnsel vm14, $0xFFFFFFE0, v34;
	v33 =	vnsel vm0, $0x20, v33  }
0x289: {  	vm15 =	vlt.s32 v34, $0x20;
	v33 =	vmul.u32 $0x41, v33  }
0x28a: {  	v34 =	vnsel vm15, $0x20, v34  }
0x28b: {  	v33 =	vadd.s32 v33, v34  }
0x28c: {  	v33 =	vadd.s32 $0x840, v33  }
0x28d: {  	[tilespmem:$0x530] =	vst v33  }
0x28e: {  	v33 =	vld.idx.msk [tilespmem:v8+s2+$0x0], $0xffff;
	_ =	sdelay $0x1  }
0x28f: {  	v52 =	vld.idx.msk [tilespmem:v9+s2+$0x0], $0xffff;
	_ =	sdelay $0x2  }
0x290: {  	v33 =	vsub.s32 v32, v33  }
0x291: {  	vm4 =	vgt.s32 v33, $0xFFFFFFE0  }
0x292: {  	v34 =	vsub.s32 v32, v52;
	v33 =	vnsel vm4, $0xFFFFFFE0, v33  }
0x293: {  	vm5 =	vgt.s32 v34, $0xFFFFFFE0;
	vm0 =	vlt.s32 v33, $0x20  }
0x294: {  	v34 =	vnsel vm5, $0xFFFFFFE0, v34;
	v33 =	vnsel vm0, $0x20, v33  }
0x295: {  	vm6 =	vlt.s32 v34, $0x20;
	v33 =	vmul.u32 $0x41, v33  }
0x296: {  	v34 =	vnsel vm6, $0x20, v34  }
0x297: {  	v33 =	vadd.s32 v33, v34  }
0x298: {  	v33 =	vadd.s32 $0x840, v33  }
0x299: {  	[tilespmem:$0x540] =	vst v33  }
0x29a: {  	v33 =	vld.idx.msk [tilespmem:v10+s2+$0x0], $0xffff;
	_ =	sdelay $0x1  }
0x29b: {  	v53 =	vld.idx.msk [tilespmem:v11+s2+$0x0], $0xffff;
	_ =	sdelay $0x2  }
0x29c: {  	v33 =	vsub.s32 v32, v33  }
0x29d: {  	vm7 =	vgt.s32 v33, $0xFFFFFFE0  }
0x29e: {  	v34 =	vsub.s32 v32, v53;
	v33 =	vnsel vm7, $0xFFFFFFE0, v33  }
0x29f: {  	vm8 =	vgt.s32 v34, $0xFFFFFFE0;
	vm0 =	vlt.s32 v33, $0x20  }
0x2a0: {  	v34 =	vnsel vm8, $0xFFFFFFE0, v34;
	v33 =	vnsel vm0, $0x20, v33  }
0x2a1: {  	vm9 =	vlt.s32 v34, $0x20;
	v33 =	vmul.u32 $0x41, v33  }
0x2a2: {  	v34 =	vnsel vm9, $0x20, v34  }
0x2a3: {  	v33 =	vadd.s32 v33, v34  }
0x2a4: {  	v33 =	vadd.s32 $0x840, v33  }
0x2a5: {  	[tilespmem:$0x550] =	vst v33  }
0x2a6: {  	v33 =	vld.idx.msk [tilespmem:v12+s2+$0x0], $0xffff;
	_ =	sdelay $0x1  }
0x2a7: {  	v54 =	vld.idx.msk [tilespmem:v13+s2+$0x0], $0xffff;
	_ =	sdelay $0x2  }
0x2a8: {  	v33 =	vsub.s32 v32, v33  }
0x2a9: {  	vm10 =	vgt.s32 v33, $0xFFFFFFE0  }
0x2aa: {  	v34 =	vsub.s32 v32, v54;
	v33 =	vnsel vm10, $0xFFFFFFE0, v33  }
0x2ab: {  	vm11 =	vgt.s32 v34, $0xFFFFFFE0;
	vm0 =	vlt.s32 v33, $0x20  }
0x2ac: {  	v34 =	vnsel vm11, $0xFFFFFFE0, v34;
	v33 =	vnsel vm0, $0x20, v33  }
0x2ad: {  	vm12 =	vlt.s32 v34, $0x20;
	v33 =	vmul.u32 $0x41, v33  }
0x2ae: {  	v34 =	vnsel vm12, $0x20, v34  }
0x2af: {  	v33 =	vadd.s32 v33, v34  }
0x2b0: {  	v33 =	vadd.s32 $0x840, v33  }
0x2b1: {  	[tilespmem:$0x560] =	vst v33  }
0x2b2: {  	v33 =	vld.idx.msk [tilespmem:v14+s2+$0x0], $0xffff;
	_ =	sdelay $0x1  }
0x2b3: {  	v55 =	vld.idx.msk [tilespmem:v15+s2+$0x0], $0xffff;
	_ =	sdelay $0x2  }
0x2b4: {  	v33 =	vsub.s32 v32, v33  }
0x2b5: {  	vm13 =	vgt.s32 v33, $0xFFFFFFE0  }
0x2b6: {  	v34 =	vsub.s32 v32, v55;
	v33 =	vnsel vm13, $0xFFFFFFE0, v33  }
0x2b7: {  	vm14 =	vgt.s32 v34, $0xFFFFFFE0;
	vm0 =	vlt.s32 v33, $0x20  }
0x2b8: {  	v34 =	vnsel vm14, $0xFFFFFFE0, v34;
	v33 =	vnsel vm0, $0x20, v33  }
0x2b9: {  	vm15 =	vlt.s32 v34, $0x20;
	v33 =	vmul.u32 $0x41, v33  }
0x2ba: {  	v34 =	vnsel vm15, $0x20, v34  }
0x2bb: {  	v33 =	vadd.s32 v33, v34  }
0x2bc: {  	v33 =	vadd.s32 $0x840, v33  }
0x2bd: {  	[tilespmem:$0x570] =	vst v33  }
0x2be: {  	v33 =	vld.idx.msk [tilespmem:v16+s2+$0x0], $0xffff;
	_ =	sdelay $0x1  }
0x2bf: {  	v56 =	vld.idx.msk [tilespmem:v17+s2+$0x0], $0xffff;
	_ =	sdelay $0x2  }
0x2c0: {  	v33 =	vsub.s32 v32, v33  }
0x2c1: {  	vm4 =	vgt.s32 v33, $0xFFFFFFE0  }
0x2c2: {  	v34 =	vsub.s32 v32, v56;
	v33 =	vnsel vm4, $0xFFFFFFE0, v33  }
0x2c3: {  	vm5 =	vgt.s32 v34, $0xFFFFFFE0;
	vm0 =	vlt.s32 v33, $0x20  }
0x2c4: {  	v34 =	vnsel vm5, $0xFFFFFFE0, v34;
	v33 =	vnsel vm0, $0x20, v33  }
0x2c5: {  	vm6 =	vlt.s32 v34, $0x20;
	v33 =	vmul.u32 $0x41, v33  }
0x2c6: {  	v34 =	vnsel vm6, $0x20, v34  }
0x2c7: {  	v33 =	vadd.s32 v33, v34  }
0x2c8: {  	v33 =	vadd.s32 $0x840, v33  }
0x2c9: {  	[tilespmem:$0x580] =	vst v33  }
0x2ca: {  	v33 =	vld.idx.msk [tilespmem:v18+s2+$0x0], $0xffff;
	_ =	sdelay $0x1  }
0x2cb: {  	v57 =	vld.idx.msk [tilespmem:v19+s2+$0x0], $0xffff;
	_ =	sdelay $0x2  }
0x2cc: {  	v33 =	vsub.s32 v32, v33  }
0x2cd: {  	vm7 =	vgt.s32 v33, $0xFFFFFFE0  }
0x2ce: {  	v34 =	vsub.s32 v32, v57;
	v33 =	vnsel vm7, $0xFFFFFFE0, v33  }
0x2cf: {  	vm8 =	vgt.s32 v34, $0xFFFFFFE0;
	vm0 =	vlt.s32 v33, $0x20  }
0x2d0: {  	v34 =	vnsel vm8, $0xFFFFFFE0, v34;
	v33 =	vnsel vm0, $0x20, v33  }
0x2d1: {  	vm9 =	vlt.s32 v34, $0x20;
	v33 =	vmul.u32 $0x41, v33  }
0x2d2: {  	v34 =	vnsel vm9, $0x20, v34  }
0x2d3: {  	v33 =	vadd.s32 v33, v34  }
0x2d4: {  	v33 =	vadd.s32 $0x840, v33  }
0x2d5: {  	[tilespmem:$0x590] =	vst v33  }
0x2d6: {  	v33 =	vld.idx.msk [tilespmem:v20+s2+$0x0], $0xffff;
	_ =	sdelay $0x1  }
0x2d7: {  	v58 =	vld.idx.msk [tilespmem:v21+s2+$0x0], $0xffff;
	_ =	sdelay $0x2  }
0x2d8: {  	v33 =	vsub.s32 v32, v33  }
0x2d9: {  	vm10 =	vgt.s32 v33, $0xFFFFFFE0  }
0x2da: {  	v34 =	vsub.s32 v32, v58;
	v33 =	vnsel vm10, $0xFFFFFFE0, v33  }
0x2db: {  	vm11 =	vgt.s32 v34, $0xFFFFFFE0;
	vm0 =	vlt.s32 v33, $0x20  }
0x2dc: {  	v34 =	vnsel vm11, $0xFFFFFFE0, v34;
	v33 =	vnsel vm0, $0x20, v33  }
0x2dd: {  	vm12 =	vlt.s32 v34, $0x20;
	v33 =	vmul.u32 $0x41, v33  }
0x2de: {  	v34 =	vnsel vm12, $0x20, v34  }
0x2df: {  	v33 =	vadd.s32 v33, v34  }
0x2e0: {  	v33 =	vadd.s32 $0x840, v33  }
0x2e1: {  	[tilespmem:$0x5A0] =	vst v33  }
0x2e2: {  	v33 =	vld.idx.msk [tilespmem:v22+s2+$0x0], $0xffff;
	_ =	sdelay $0x1  }
0x2e3: {  	v59 =	vld.idx.msk [tilespmem:v23+s2+$0x0], $0xffff;
	_ =	sdelay $0x2  }
0x2e4: {  	v33 =	vsub.s32 v32, v33  }
0x2e5: {  	vm13 =	vgt.s32 v33, $0xFFFFFFE0  }
0x2e6: {  	v34 =	vsub.s32 v32, v59;
	v33 =	vnsel vm13, $0xFFFFFFE0, v33  }
0x2e7: {  	vm14 =	vgt.s32 v34, $0xFFFFFFE0;
	vm0 =	vlt.s32 v33, $0x20  }
0x2e8: {  	v34 =	vnsel vm14, $0xFFFFFFE0, v34;
	v33 =	vnsel vm0, $0x20, v33  }
0x2e9: {  	vm15 =	vlt.s32 v34, $0x20;
	v33 =	vmul.u32 $0x41, v33  }
0x2ea: {  	v34 =	vnsel vm15, $0x20, v34  }
0x2eb: {  	v33 =	vadd.s32 v33, v34  }
0x2ec: {  	v33 =	vadd.s32 $0x840, v33  }
0x2ed: {  	[tilespmem:$0x5B0] =	vst v33  }
0x2ee: {  	v33 =	vld.idx.msk [tilespmem:v24+s2+$0x0], $0xffff;
	_ =	sdelay $0x1  }
0x2ef: {  	v60 =	vld.idx.msk [tilespmem:v25+s2+$0x0], $0xffff;
	_ =	sdelay $0x2  }
0x2f0: {  	v33 =	vsub.s32 v32, v33  }
0x2f1: {  	vm4 =	vgt.s32 v33, $0xFFFFFFE0  }
0x2f2: {  	v34 =	vsub.s32 v32, v60;
	v33 =	vnsel vm4, $0xFFFFFFE0, v33  }
0x2f3: {  	vm5 =	vgt.s32 v34, $0xFFFFFFE0;
	vm0 =	vlt.s32 v33, $0x20  }
0x2f4: {  	v34 =	vnsel vm5, $0xFFFFFFE0, v34;
	v33 =	vnsel vm0, $0x20, v33  }
0x2f5: {  	vm6 =	vlt.s32 v34, $0x20;
	v33 =	vmul.u32 $0x41, v33  }
0x2f6: {  	v34 =	vnsel vm6, $0x20, v34  }
0x2f7: {  	v33 =	vadd.s32 v33, v34  }
0x2f8: {  	v33 =	vadd.s32 $0x840, v33  }
0x2f9: {  	[tilespmem:$0x5C0] =	vst v33  }
0x2fa: {  	v33 =	vld.idx.msk [tilespmem:v26+s2+$0x0], $0xffff;
	_ =	sdelay $0x1  }
0x2fb: {  	v61 =	vld.idx.msk [tilespmem:v27+s2+$0x0], $0xffff;
	_ =	sdelay $0x2  }
0x2fc: {  	v33 =	vsub.s32 v32, v33  }
0x2fd: {  	vm7 =	vgt.s32 v33, $0xFFFFFFE0  }
0x2fe: {  	v34 =	vsub.s32 v32, v61;
	v33 =	vnsel vm7, $0xFFFFFFE0, v33  }
0x2ff: {  	vm8 =	vgt.s32 v34, $0xFFFFFFE0;
	vm0 =	vlt.s32 v33, $0x20  }
0x300: {  	v34 =	vnsel vm8, $0xFFFFFFE0, v34;
	v33 =	vnsel vm0, $0x20, v33  }
0x301: {  	vm9 =	vlt.s32 v34, $0x20;
	v33 =	vmul.u32 $0x41, v33  }
0x302: {  	v34 =	vnsel vm9, $0x20, v34  }
0x303: {  	v33 =	vadd.s32 v33, v34  }
0x304: {  	v33 =	vadd.s32 $0x840, v33  }
0x305: {  	[tilespmem:$0x5D0] =	vst v33  }
0x306: {  	v33 =	vld.idx.msk [tilespmem:v28+s2+$0x0], $0xffff;
	_ =	sdelay $0x1  }
0x307: {  	v62 =	vld.idx.msk [tilespmem:v29+s2+$0x0], $0xffff;
	_ =	sdelay $0x2  }
0x308: {  	v33 =	vsub.s32 v32, v33  }
0x309: {  	vm10 =	vgt.s32 v33, $0xFFFFFFE0  }
0x30a: {  	v34 =	vsub.s32 v32, v62;
	v33 =	vnsel vm10, $0xFFFFFFE0, v33  }
0x30b: {  	vm11 =	vgt.s32 v34, $0xFFFFFFE0;
	vm0 =	vlt.s32 v33, $0x20  }
0x30c: {  	v34 =	vnsel vm11, $0xFFFFFFE0, v34;
	v33 =	vnsel vm0, $0x20, v33  }
0x30d: {  	vm12 =	vlt.s32 v34, $0x20;
	v33 =	vmul.u32 $0x41, v33  }
0x30e: {  	v34 =	vnsel vm12, $0x20, v34  }
0x30f: {  	v33 =	vadd.s32 v33, v34  }
0x310: {  	v33 =	vadd.s32 $0x840, v33  }
0x311: {  	[tilespmem:$0x5E0] =	vst v33  }
0x312: {  	v33 =	vld.idx.msk [tilespmem:v30+s2+$0x0], $0xffff;
	_ =	sdelay $0x1  }
0x313: {  	v63 =	vld.idx.msk [tilespmem:v31+s2+$0x0], $0xffff;
	_ =	sdelay $0x2  }
0x314: {  	v33 =	vsub.s32 v32, v33  }
0x315: {  	vm13 =	vgt.s32 v33, $0xFFFFFFE0  }
0x316: {  	v32 =	vsub.s32 v32, v63;
	v33 =	vnsel vm13, $0xFFFFFFE0, v33  }
0x317: {  	vm14 =	vgt.s32 v32, $0xFFFFFFE0;
	vm0 =	vlt.s32 v33, $0x20  }
0x318: {  	v32 =	vnsel vm14, $0xFFFFFFE0, v32;
	v33 =	vnsel vm0, $0x20, v33  }
0x319: {  	vm15 =	vlt.s32 v32, $0x20;
	v33 =	vmul.u32 $0x41, v33  }
0x31a: {  	v32 =	vnsel vm15, $0x20, v32  }
0x31b: {  	v32 =	vadd.s32 v33, v32  }
0x31c: {  	v32 =	vadd.s32 $0x840, v32  }
0x31d: {  	[tilespmem:$0x5F0] =	vst v32  }
0x31e: {  	[tilespmem:s11], [sflag:$0x1] =	stream.indirect.gather [hbm4b:s3+s9], $0x10, s10, s9, $0xb8;
	[tilespmem:$0x4600] =	vst v63  }
0x31f: {  	_ = 	snop  }
0x320: {  	[tilespmem:s13], [sflag:$0x1] =	stream.indirect.gather [hbm4b:s3+s9], $0x10, s12, s9, $0xb8;
	[tilespmem:$0x4600] =	vst v63  }
0x321: {  	_ = 	snop  }
0x322: {  	[tilespmem:s15], [sflag:$0x1] =	stream.indirect.gather [hbm4b:s3+s9], $0x10, s14, s9, $0xb8;
	[tilespmem:$0x4600] =	vst v63  }
0x323: {  	_ = 	snop  }
0x324: {  	[tilespmem:s17], [sflag:$0x1] =	stream.indirect.gather [hbm4b:s3+s9], $0x10, s16, s9, $0xb8;
	[tilespmem:$0x4600] =	vst v63  }
0x325: {  	_ = 	snop  }
0x326: {  	[tilespmem:s19], [sflag:$0x1] =	stream.indirect.gather [hbm4b:s3+s9], $0x10, s18, s9, $0xb8;
	[tilespmem:$0x4600] =	vst v63  }
0x327: {  	_ = 	snop  }
0x328: {  	[tilespmem:s21], [sflag:$0x1] =	stream.indirect.gather [hbm4b:s3+s9], $0x10, s20, s9, $0xb8;
	[tilespmem:$0x4600] =	vst v63  }
0x329: {  	_ = 	snop  }
0x32a: {  	[tilespmem:s23], [sflag:$0x1] =	stream.indirect.gather [hbm4b:s3+s9], $0x10, s22, s9, $0xb8;
	[tilespmem:$0x4600] =	vst v63  }
0x32b: {  	_ = 	snop  }
0x32c: {  	[tilespmem:s25], [sflag:$0x1] =	stream.indirect.gather [hbm4b:s3+s9], $0x10, s24, s9, $0xb8;
	[tilespmem:$0x4600] =	vst v63  }
0x32d: {  	_ =	swait.ge [sflag:s26], $0x800  }
0x32e: {  	[sflag:s26] =	ssyncset.done $0x0  }
0x32f: {  	[sflag:s26] =	ssyncadd.s32 $0xFFFFF800  }
0x330: {  	_ =	swait.ge [sflag:s26], $0x800  }
0x331: {  	[sflag:s26] =	ssyncset.done $0x0  }
0x332: {  	[sflag:s26] =	ssyncadd.s32 $0xFFFFF800  }
0x333: {  	_ =	swait.ge [sflag:s26], $0x800  }
0x334: {  	[sflag:s26] =	ssyncset.done $0x0  }
0x335: {  	[sflag:s26] =	ssyncadd.s32 $0xFFFFF800  }
0x336: {  	_ =	swait.ge [sflag:s26], $0x800  }
0x337: {  	[sflag:s26] =	ssyncset.done $0x0  }
0x338: {  	[sflag:s26] =	ssyncadd.s32 $0xFFFFF800  }
0x339: {  	_ =	swait.ge [sflag:s26], $0x800  }
0x33a: {  	[sflag:s26] =	ssyncset.done $0x0  }
0x33b: {  	[sflag:s26] =	ssyncadd.s32 $0xFFFFF800  }
0x33c: {  	_ =	swait.ge [sflag:s26], $0x800  }
0x33d: {  	[sflag:s26] =	ssyncset.done $0x0  }
0x33e: {  	[sflag:s26] =	ssyncadd.s32 $0xFFFFF800  }
0x33f: {  	_ =	swait.ge [sflag:s26], $0x800  }
0x340: {  	[sflag:s26] =	ssyncset.done $0x0  }
0x341: {  	[sflag:s26] =	ssyncadd.s32 $0xFFFFF800  }
0x342: {  	_ =	swait.ge [sflag:s26], $0x800  }
0x343: {  	p0 =	sne.s32 s30, $0x3C;
	[sflag:s26] =	ssyncset.done $0x0  }
.Ltmp0:
0x344: {  	[sflag:s26] =	ssyncadd.s32 $0xFFFFF800;
	(pc) =	sbr.rel @p0 .LBB2_2-.Ltmp0, $4  }
0x345: {  	[hbm4b:s29+s2] =	stream.linear.scatter [tilespmem:s11], [sflag:$0x2], $0x4000, $0x38;
	[tilespmem:$0x4600] =	vst v63  }
0x346: {  	_ =	swait.ge [sflag:s8], $0x4000  }
0x347: {  	[sflag:s8] =	ssyncset.done $0x0  }
0x348: {  	s30 =	sadd.s32 $0x4, s30;
	s29 =	sadd.s32 $0x800, s29;
	[sflag:s8] =	ssyncadd.s32 $0xFFFFC000  }
0x349: {  	s28 =	sadd.s32 $0x1, s28  }
0x34a: {  	p0 =	sne.s32 s28, s5  }
.Ltmp1:
0x34b: {  	_ = 	snop;
	(pc) =	sbr.rel @p0 .LBB2_1-.Ltmp1, $1  }
0x34c: {  	_ =	sdelay $0x3  }
0x34d: {  	_ =	sfence.sel $0x180000  }
0x34e: {  	[bflag:$0x0] =	sbarrier.arrive $0xFFFF  }
0x34f: {  	_ =	strace $0x90000047  }
0x350: {  	[bflag:$0x2] =	sbarrier.arrive $0xFFFF  }
0x351: {  	p0 =	sne.s32 s1, $0x0;
	s0 =	rddreg [dreg:$0x2]  }
0x352: {  	s0 =	sadd.s32 @!p0 $0x100000, s0  }
0x353: {  	[sflag:s0] =	ssyncadd.tile.s32 @!p0 $0x1;
	_ =	shalt  }
.Lfunc_end2:
_tile_overlayer_lowered:
.L_overlay_start_2:
0x354: {  	(tag) =	ssettag $0x2  }
0x355: {  	s0 =	rddreg [dreg:$0x0];
	s2 =	stileid.u32  }
0x356: {  	s1 =	rddreg [dreg:$0x1];
	p0 =	sne.s32 s2, $0x0  }
0x357: {  	s3 =	rddreg [dreg:$0x2];
	[bflag:$0x3] =	sbarrier.arrive $0xFFFF;
	s2 =	simm.s32 @!p0 $0x1C02  }
0x358: {  	[timem:s3], [sflag:s2] =	dma.local @!p0 [hbm:s0], s1  }
0x359: {  	s0 =	simm.s32 @!p0 $0x2  }
0x35a: {  	_ =	swait.ge @!p0 [sflag:s0], s1  }
0x35b: {  	s1 =	ssub.s32 @!p0 $0x0, s1;
	[sflag:s0] =	ssyncset.done @!p0 $0x0  }
0x35c: {  	[sflag:s0] =	ssyncadd.s32 @!p0 s1  }
0x35d: {  	[bflag:$0x3] =	sbarrier.arrive $0xFFFF  }
0x35e: {  	_ =	shalt  }

// kernel: sparse-core-data-format-call.1.cloned.1.call-start
scs
called_computation.1_lowered:
.L_overlay_start_0:
0x0: {  	s1 =	sld [smem:$0x3FD9]  }
0x1: {  	s2 =	sld [smem:$0x3FFE];
	_ =	sdelay $0x1  }
0x2: {  	s3 =	srdreg.scid  }
0x3: {  	s0 =	sand.u32 $0x1, s3  }
0x4: {  	s17 =	sshll.u32 s0, $0xA;
	s1 =	sadd.s32 s2, s1  }
0x5: {  	s1 =	sadd.s32 s1, s17  }
0x6: {  	[smem:$0x3FC5] =	sst s1  }
0x7: {  	_ = 	snop  }
0x8: {  	(tm) =	ssettm $0x1  }
0x9: {  	s18 =	sld [smem:$0x3FFB];
	_ =	sdelay $0x3  }
0xa: {  	_ =	strace s18  }
0xb: {  	s1 =	sld [smem:$0x3FFC];
	_ =	sdelay $0x3  }
0xc: {  	_ =	strace s1  }
0xd: {  	s1 =	sld [smem:$0x3FFD];
	_ =	sdelay $0x3  }
0xe: {  	_ =	strace s1  }
0xf: {  	_ =	strace $0x8FFFFFFF  }
0x10: {  	s19 =	sld [smem:$0x3FDB];
	_ =	sdelay $0x1  }
0x11: {  	s20 =	simm.s32 $_scs_section_size  }
0x12: {  	s4 =	simm.s32 $_size__tile_overlayer_lowered;
	s5 =	simm.s32 $_tile_overlayer_lowered  }
0x13: {  	s23 =	simm.s32 $0x1BFF;
	s22 =	sshll.u32 s5, $0x1;
	s1 =	sadd.s32 s20, s19  }
0x14: {  	s6 =	simm.s32 $0x0;
	s21 =	sshll.u32 s4, $0x1;
	s4 =	sadd.s32 s22, s1  }
0x15: {  	[timem:s6], [sflag:s23] =	dma.local [hbm:s4], s21  }
0x16: {  	_ =	swait.ge [sflag:s23], s21  }
0x17: {  	s2 =	ssub.s32 $0x0, s21;
	[sflag:s23] =	ssyncset.done $0x0  }
0x18: {  	[sflag:s23] =	ssyncadd.s32 s2;
	_ =	sdelay $0x1  }
0x19: {  	s24 =	simm.s32 $0x1B8B  }
0x1a: {  	_ =	swait.ge [sflag:s24], $0x1  }
0x1b: {  	[sflag:s24] =	ssyncset.done $0x0  }
0x1c: {  	s26 =	simm.s32 $0x1B8E;
	s25 =	sld [smem:$0x3FFE];
	[sflag:s24] =	ssyncadd.s32 $0xFFFFFFFF  }
0x1d: {  	s27 =	simm.s32 $execute0_lowered;
	[smem:$0x3FD2] =	sst s26  }
0x1e: {  	s4 =	sshll.u32 s27, $0x1;
	_ =	strace $0x80000049;
	[dreg:$0x1] =	wrdreg $0xFFFFFFFF  }
0x1f: {  	s28 =	simm.s32 $_size_execute0_lowered;
	s1 =	sadd.s32 s1, s4;
	[dreg:$0x0] =	wrdreg $0x0  }
0x20: {  	s4 =	sshll.u32 s28, $0x1;
	[dreg:$0x2] =	wrdreg s1  }
0x21: {  	[dreg:$0x3] =	wrdreg s4  }
0x22: {  	[dreg:$0x4] =	wrdreg $0xC0  }
0x23: {  	_ =	task [dreg:s6], $0x5FFFF  }
0x24: {  	[dreg:$0x1] =	wrdreg $0xFFFFFFFF  }
0x25: {  	[dreg:$0x0] =	wrdreg $0x60  }
0x26: {  	[dreg:$0x2] =	wrdreg s25  }
0x27: {  	[dreg:$0x3] =	wrdreg $0x9  }
0x28: {  	_ =	task.clear_ibuf [dreg:s6], $0x4FFFF;
	_ =	strace $0x90000049  }
0x29: {  	s29 =	simm.s32 $0x9;
	_ =	strace $0x8000004B  }
0x2a: {  	_ =	swait.ge [sflag:s29], $0x1  }
0x2b: {  	[sflag:s29] =	ssyncadd.s32 $0xFFFFFFFF  }
0x2c: {  	_ =	strace $0x9000004B  }
0x2d: {  	_ =	sfence  }
0x2e: {  	s30 =	sld [smem:$0x0];
	_ =	sdelay $0x2  }
0x2f: {  	s31 =	sshll.u32 s3, $0xD;
	s3 =	sshrl.u32 s3, $0x2  }
0x30: {  	s2 =	sand.u32 $0x4000, s31;
	s1 =	sadd.s32 s3, s30  }
0x31: {  	s0 =	sor.u32 s2, s0;
	s1 =	sshll.u32 s1, $0x11  }
0x32: {  	s0 =	sor.u32 s1, s0  }
0x33: {  	s0 =	sadd.s32 $0x8F2B, s0  }
0x34: {  	[sflag:s0] =	ssyncadd.remote.s32 $0x1  }
0x35: {  	_ =	sfence.sel $0xFFFF  }
0x36: {  	[dreg:$0x0] =	wrdreg $0xFFFFFFFF;
	(pc) =	sbr.abs _section_cstart, $3  }
0x37: {  	[dreg:$0x1] =	wrdreg $0xFFFFFFFF  }
0x38: {  	_ =	task.clear_ibuf [dreg:s6], $0x2FFFF;
	_ =	strace $0x9FFFFFFF  }
0x39: {  	(tm) =	ssettm $0x7FFFFFFF  }
tec
execute0_lowered:
.L_overlay_start_1:
0x0: {  	(tag) =	ssettag $0x1  }
0x1: {  	s0 =	stileid.u32  }
0x2: {  	s7 =	rddreg [dreg:$0x0];
	s3 =	srdreg.scid;
	s31 =	simm.s32 $0x2  }
0x3: {  	s15 =	simm.s32 $0x0;
	s10 =	simm.s32 $0x1000;
	s16 =	simm.s32 $0x0  }
0x4: {  	s17 =	simm.s32 $0x0;
	s14 =	simm.s32 $0x0;
	s1 =	sshll.u32 s0, $0x5  }
0x5: {  	s3 =	sand.u32 $0x1, s3;
	s2 =	sand.u32 $0x180, s1;
	s1 =	rddreg [dreg:$0x1]  }
0x6: {  	s6 =	ssub.s32 $0x100, s3;
	_ =	strace $0x8000004A;
	s4 =	ssub.s32 $0x200, s2  }
0x7: {  	s11 =	smov.u32 s3;
	s8 =	sshrl.u32 s6, $0x1;
	s5 =	sand.u32 $0x180, s4  }
0x8: {  	s12 =	smov.u32 s2;
	p0 =	sne.s32 s5, $0x0;
	s5 =	simm.s32 $0x1  }
.Ltmp0:
0x9: {  	s4 =	sshrl.u32 s4, $0x9;
	s5 =	simm.s32 @!p0 $0x0;
	(pc) =	sbr.rel .LBB1_1-.Ltmp0, $4  }
0xa: {  	s6 =	ssub.s32 s6, s8;
	s8 =	sand.u32 $0x3, s0;
	s9 =	sadd.s32 s5, s4  }
0xb: {  	s13 =	smov.u32 s8;
	s5 =	simm.s32 $0x1;
	s6 =	smul.u32 s6, s9  }
0xc: {  	p0 =	por $0x0, $0x0;
	s4 =	sadd.s32 $0xC00, s7;
	[sflag:s5] =	ssyncpa.u1 $0x0  }
0xd: {  	s7 =	sadd.s32 $0x800C00, s7;
	[sflag:s31] =	ssyncpa.u1 $0x0;
	s9 =	sadd.s32 $0x1, s6  }
.LBB1_4:
0xe: {  	s17 =	sshll.u32 s17, $0x12  }
0xf: {  	s20 =	sand.u32 $0x380, s16;
	s15 =	sshll.u32 s15, $0xA;
	s17 =	sadd.s32 s7, s17  }
0x10: {  	s21 =	sshrl.u32 s16, $0x3;
	s30 =	sand.u32 $0x7, s16;
	s17 =	sadd.s32 s20, s17  }
0x11: {  	s31 =	sand.u32 $0xF, s21;
	s16 =	sshll.u32 s30, $0x12;
	s15 =	sadd.s32 s15, s17  }
0x12: {  	[tilespmem:s19+$0x0 ss:$0x81] =	vst.msk $0xffff, v1;
	s16 =	sor.u32 $0x400, s16;
	s15 =	sadd.s32 s31, s15  }
0x13: {  	[hbm4b:s15+s16] =	stream.strided.scatter [tilespmem:s18], [sflag:$0x2], $0x800, s10, s16, $0x20;
	[tilespmem:$0x2020] =	vst v63  }
.LBB1_5:
0x14: {  	s18 =	sadd.s32 $0x2, s11  }
0x15: {  	s15 =	sadd.s32 $0x200, s12;
	s19 =	smov.u32 s12;
	p2 =	sgt.s32 s18, $0xFF  }
0x16: {  	s19 =	smov.u32 @p2 s15  }
0x17: {  	s21 =	smov.u32 s13;
	s15 =	sadd.s32 $0x4, s13;
	p3 =	sgt.s32 s19, $0x1FF  }
0x18: {  	s21 =	smov.u32 @p3 s15  }
0x19: {  	s18 =	smov.u32 @p2 s3;
	p2 =	sgt.s32 s21, $0x3  }
0x1a: {  	p1 =	slt.u32 s14, $0x2;
	s21 =	smov.u32 @p2 s8;
	p2 =	sne.s32 s14, s9  }
.Ltmp1:
0x1b: {  	s20 =	simm.s32 @!p1 $0x2;
	(pc) =	sbr.rel @!p2 .LBB1_6-.Ltmp1, $4  }
0x1c: {  	s16 =	smov.u32 s12;
	s17 =	smov.u32 s13;
	_ =	swait.ge @!p1 [sflag:s20], $0x800  }
0x1d: {  	p0 =	por !p0, !p0;
	[sflag:s20] =	ssyncset.done @!p1 $0x0;
	s19 =	smov.u32 @p3 s2  }
0x1e: {  	s15 =	smov.u32 s11;
	[sflag:s20] =	ssyncadd.s32 @!p1 $0xFFFFF800;
	s11 =	smov.u32 s18  }
0x1f: {  	s12 =	smov.u32 s19;
	s14 =	sadd.s32 $0x1, s14;
	s13 =	smov.u32 s21  }
.LBB1_1:
0x20: {  	p1 =	sge.u32 s14, s6;
	s31 =	sadd.s32 $0xFFFFFFFF, s14  }
0x21: {  	s18 =	sxor.u32 @!p1 $0xFFFFFFFF, s14;
	s19 =	sshll.u32 @!p1 s13, $0x15;
	s20 =	sshll.u32 @!p1 s12, $0xC  }
0x22: {  	s21 =	sshll.u32 @!p1 s11, $0x4;
	s18 =	sshll.u32 @!p1 s18, $0xB;
	s19 =	sadd.s32 @!p1 s4, s19  }
0x23: {  	s21 =	sand.u32 @!p1 $0xFF0, s21;
	s18 =	sand.u32 @!p1 $0x800, s18;
	s19 =	sadd.s32 @!p1 s20, s19  }
0x24: {  	s20 =	simm.s32 @!p1 $0x10;
	s19 =	sadd.s32 @!p1 s21, s19;
	s21 =	simm.s32 @!p1 $0x8000  }
0x25: {  	[tilespmem:s18], [sflag:$0x1] =	stream.strided.gather @!p1 [hbm4b:s19+s20], $0x800, s21, s20, $0x38;
	[tilespmem:$0x2020] =	vst v63  }
0x26: {  	p1 =	sge.u32 s31, s6  }
.Ltmp2:
0x27: {  	_ = 	snop;
	(pc) =	sbr.rel @p1 .LBB1_5-.Ltmp2, $1  }
0x28: {  	_ =	sdelay $0x3  }
0x29: {  	s18 =	simm.s32 $0x1  }
0x2a: {  	s18 =	simm.s32 @!p0 $0x0  }
0x2b: {  	s19 =	sshll.u32 s18, $0xB  }
0x2c: {  	v0 =	vmov s19;
	_ =	sdelay $0x1  }
0x2d: {  	_ =	swait.ge [sflag:s5], $0x800  }
0x2e: {  	s31 =	sand.u32 $0x1, s14;
	[sflag:s5] =	ssyncset.done $0x0  }
0x2f: {  	s21 =	simm.s32 $0x0;
	s18 =	smul.u32 $0x2040, s18;
	[sflag:s5] =	ssyncadd.s32 $0xFFFFF800  }
0x30: {  	s19 =	smul.u32 $0x2040, s31;
	v1 =	vld.idx.msk [tilespmem:v0+s21+$0x0 ss:$0x1], $0xffff;
	_ =	sdelay $0x1  }
0x31: {  	s18 =	sshrl.u32 s18, $0x2;
	s20 =	sshrl.u32 s19, $0x2  }
0x32: {  	s19 =	sor.u32 $0x1000, s18;
	s18 =	sor.u32 $0x1000, s20;
	s20 =	simm.s32 $0x40  }
.LBB1_3:
0x33: {  	s21 =	sshra.s32 s20, $0x2;
	p1 =	sne.s32 s20, $0x1FC0;
	s20 =	sadd.s32 $0x40, s20  }
.Ltmp3:
0x34: {  	[tilespmem:s19+$0x0 ss:$0x81] =	vst.msk $0xffff, v1;
	v1 =	vld.idx.msk [tilespmem:v0+s21+$0x0 ss:$0x1], $0xffff;
	(pc) =	sbr.rel @p1 .LBB1_3-.Ltmp3, $2  }
0x35: {  	_ =	sdelay $0x2  }
0x36: {  	s19 =	sadd.s32 $0x1, s19  }
.Ltmp4:
0x37: {  	_ = 	snop;
	(pc) =	sbr.rel .LBB1_4-.Ltmp4, $1  }
0x38: {  	_ =	sdelay $0x3  }
.LBB1_6:
0x39: {  	_ =	sfence.sel $0x180000  }
0x3a: {  	s2 =	simm.s32 $0x1;
	[bflag:$0x0] =	sbarrier.arrive $0xFFFF  }
0x3b: {  	s31 =	simm.s32 $0x2;
	[sflag:s2] =	ssyncpa.u1 $0x1  }
0x3c: {  	[sflag:s31] =	ssyncpa.u1 $0x1  }
0x3d: {  	p0 =	sne.s32 s0, $0x0;
	_ =	strace $0x9000004A  }
0x3e: {  	s0 =	sadd.s32 @!p0 $0x100000, s1;
	[bflag:$0x2] =	sbarrier.arrive $0xFFFF  }
0x3f: {  	[sflag:s0] =	ssyncadd.tile.s32 @!p0 $0x1;
	_ =	shalt  }
.Lfunc_end1:
_tile_overlayer_lowered:
.L_overlay_start_2:
0x40: {  	(tag) =	ssettag $0x2  }
0x41: {  	s0 =	rddreg [dreg:$0x0];
	s2 =	stileid.u32  }
0x42: {  	s1 =	rddreg [dreg:$0x1];
	p0 =	sne.s32 s2, $0x0  }
0x43: {  	s3 =	rddreg [dreg:$0x2];
	[bflag:$0x3] =	sbarrier.arrive $0xFFFF;
	s2 =	simm.s32 @!p0 $0x1C01  }
0x44: {  	[timem:s3], [sflag:s2] =	dma.local @!p0 [hbm:s0], s1  }
0x45: {  	s0 =	simm.s32 @!p0 $0x1  }
0x46: {  	_ =	swait.ge @!p0 [sflag:s0], s1  }
0x47: {  	s1 =	ssub.s32 @!p0 $0x0, s1;
	[sflag:s0] =	ssyncset.done @!p0 $0x0  }
0x48: {  	[sflag:s0] =	ssyncadd.s32 @!p0 s1  }
0x49: {  	[bflag:$0x3] =	sbarrier.arrive $0xFFFF  }
0x4a: {  	_ =	shalt  }

// kernel: sparse-core-data-format-call.cloned.1.call-start
scs
called_computation_lowered:
.L_overlay_start_0:
0x0: {  	s2 =	sld [smem:$0x3FD9]  }
0x1: {  	s3 =	sld [smem:$0x3FFE];
	_ =	sdelay $0x1  }
0x2: {  	s1 =	srdreg.scid  }
0x3: {  	s0 =	sand.u32 $0x1, s1  }
0x4: {  	s18 =	sshll.u32 s0, $0xA;
	s2 =	sadd.s32 s3, s2  }
0x5: {  	s2 =	sadd.s32 s2, s18  }
0x6: {  	[smem:$0x3FC5] =	sst s2  }
0x7: {  	_ = 	snop  }
0x8: {  	s2 =	sld [smem:$0x3FD0];
	(tm) =	ssettm $0x1  }
0x9: {  	s19 =	sld [smem:$0x3FFB];
	_ =	sdelay $0x3  }
0xa: {  	_ =	strace s19  }
0xb: {  	s3 =	sld [smem:$0x3FFC];
	_ =	sdelay $0x3  }
0xc: {  	_ =	strace s3  }
0xd: {  	s3 =	sld [smem:$0x3FFD];
	_ =	sdelay $0x3  }
0xe: {  	_ =	strace s3  }
0xf: {  	_ =	strace $0x8FFFFFFF  }
0x10: {  	s20 =	sld [smem:$0x3FDB];
	_ =	sdelay $0x1  }
0x11: {  	s4 =	simm.s32 $_scs_section_size  }
0x12: {  	s5 =	simm.s32 $_size__tile_overlayer_lowered;
	s6 =	simm.s32 $_tile_overlayer_lowered  }
0x13: {  	s23 =	simm.s32 $0x1BFF;
	s22 =	sshll.u32 s6, $0x1;
	s3 =	sadd.s32 s4, s20  }
0x14: {  	s7 =	simm.s32 $0x0;
	s21 =	sshll.u32 s5, $0x1;
	s5 =	sadd.s32 s22, s3  }
0x15: {  	[timem:s7], [sflag:s23] =	dma.local [hbm:s5], s21  }
0x16: {  	_ =	swait.ge [sflag:s23], s21  }
0x17: {  	s4 =	ssub.s32 $0x0, s21;
	[sflag:s23] =	ssyncset.done $0x0  }
0x18: {  	[sflag:s23] =	ssyncadd.s32 s4;
	_ =	sdelay $0x1  }
0x19: {  	s24 =	simm.s32 $0x1B8B  }
0x1a: {  	_ =	swait.ge [sflag:s24], $0x1  }
0x1b: {  	[sflag:s24] =	ssyncset.done $0x0  }
0x1c: {  	s26 =	simm.s32 $0x1B8E;
	s25 =	sld [smem:$0x3FFE];
	[sflag:s24] =	ssyncadd.s32 $0xFFFFFFFF  }
0x1d: {  	s27 =	simm.s32 $execute0_lowered;
	[smem:$0x3FD2] =	sst s26  }
0x1e: {  	s5 =	sshll.u32 s27, $0x1;
	_ =	strace $0x8000004C;
	[dreg:$0x1] =	wrdreg $0xFFFFFFFF  }
0x1f: {  	s28 =	simm.s32 $_size_execute0_lowered;
	s3 =	sadd.s32 s3, s5;
	[dreg:$0x0] =	wrdreg $0x0  }
0x20: {  	s5 =	sshll.u32 s28, $0x1;
	[dreg:$0x2] =	wrdreg s3  }
0x21: {  	[dreg:$0x3] =	wrdreg s5  }
0x22: {  	[dreg:$0x4] =	wrdreg $0xC0  }
0x23: {  	_ =	task [dreg:s7], $0x5FFFF  }
0x24: {  	[dreg:$0x1] =	wrdreg $0xFFFFFFFF  }
0x25: {  	[dreg:$0x0] =	wrdreg $0x60  }
0x26: {  	[dreg:$0x2] =	wrdreg s25  }
0x27: {  	[dreg:$0x3] =	wrdreg s2  }
0x28: {  	[dreg:$0x4] =	wrdreg $0x9  }
0x29: {  	_ =	task.clear_ibuf [dreg:s7], $0x5FFFF;
	_ =	strace $0x9000004C  }
0x2a: {  	s29 =	simm.s32 $0x9;
	_ =	strace $0x8000004E  }
0x2b: {  	_ =	swait.ge [sflag:s29], $0x1  }
0x2c: {  	[sflag:s29] =	ssyncadd.s32 $0xFFFFFFFF  }
0x2d: {  	_ =	strace $0x9000004E  }
0x2e: {  	_ =	sfence  }
0x2f: {  	s30 =	sld [smem:$0x0];
	_ =	sdelay $0x2  }
0x30: {  	s31 =	sshll.u32 s1, $0xD;
	s1 =	sshrl.u32 s1, $0x2  }
0x31: {  	s3 =	sand.u32 $0x4000, s31;
	s1 =	sadd.s32 s1, s30  }
0x32: {  	s0 =	sor.u32 s3, s0;
	s1 =	sshll.u32 s1, $0x11  }
0x33: {  	s0 =	sor.u32 s1, s0  }
0x34: {  	s0 =	sadd.s32 $0x8F2B, s0  }
0x35: {  	[sflag:s0] =	ssyncadd.remote.s32 $0x1  }
0x36: {  	_ =	sfence.sel $0xFFFF  }
0x37: {  	[dreg:$0x0] =	wrdreg $0xFFFFFFFF;
	(pc) =	sbr.abs _section_cstart, $3  }
0x38: {  	[dreg:$0x1] =	wrdreg $0xFFFFFFFF  }
0x39: {  	_ =	task.clear_ibuf [dreg:s7], $0x2FFFF;
	_ =	strace $0x9FFFFFFF  }
0x3a: {  	(tm) =	ssettm $0x7FFFFFFF  }
0x3b: {  	_ =	shalt  }
tec
execute0_lowered:
.L_overlay_start_1:
0x0: {  	(tag) =	ssettag $0x1  }
0x1: {  	s0 =	stileid.u32;
	s6 =	rddreg [dreg:$0x0]  }
0x2: {  	s2 =	srdreg.scid;
	s3 =	rddreg [dreg:$0x1]  }
0x3: {  	s7 =	simm.s32 $0x1;
	s31 =	simm.s32 $0x2;
	s16 =	simm.s32 $0x0  }
0x4: {  	s10 =	simm.s32 $0x1000;
	s18 =	simm.s32 $0x0;
	s1 =	sshll.u32 s0, $0x5  }
0x5: {  	s17 =	simm.s32 $0x0;
	s19 =	simm.s32 $0x0;
	s1 =	sand.u32 $0x180, s1  }
0x6: {  	s11 =	simm.s32 $0x0;
	s15 =	simm.s32 $0x0;
	s5 =	ssub.s32 $0x200, s1  }
0x7: {  	s4 =	sand.u32 $0x1, s2;
	s2 =	rddreg [dreg:$0x2];
	s30 =	sand.u32 $0x180, s5  }
0x8: {  	_ =	strace $0x8000004D;
	s8 =	ssub.s32 $0x8, s4;
	p0 =	sne.s32 s30, $0x0  }
0x9: {  	s9 =	sshrl.u32 s8, $0x1;
	s5 =	sshrl.u32 s5, $0x9;
	s7 =	simm.s32 @!p0 $0x0  }
.Ltmp0:
0xa: {  	s8 =	ssub.s32 s8, s9;
	s7 =	sadd.s32 s7, s5;
	(pc) =	sbr.rel .LBB1_1-.Ltmp0, $4  }
0xb: {  	s6 =	sadd.s32 $0x800C00, s6;
	s12 =	smov.u32 s4;
	s8 =	smul.u32 s7, s8  }
0xc: {  	s13 =	smov.u32 s1;
	p0 =	por $0x0, $0x0;
	s5 =	simm.s32 $0x1  }
0xd: {  	[sflag:s5] =	ssyncpa.u1 $0x0;
	s7 =	sand.u32 $0x3, s0;
	s8 =	sshll.u32 s8, $0x2  }
0xe: {  	[sflag:s31] =	ssyncpa.u1 $0x0;
	s14 =	smov.u32 s7;
	s9 =	sor.u32 $0x1, s8  }
.LBB1_4:
0xf: {  	v5 =	vld [tilespmem:s23+$0xFFFFFFD0];
	[tilespmem:s22+$0x2040 ss:$0x81] =	vst.msk $0xffff, v1  }
0x10: {  	v58 =	vld [tilespmem:s23+$0xFFFFFFE0];
	[tilespmem:s22+$0x2850 ss:$0x81] =	vst.msk $0xffff, v2  }
0x11: {  	s24 =	sshra.s32 s24, $0x2;
	v59 =	vld [tilespmem:s23+$0xFFFFFFF0];
	[tilespmem:s22+$0x3060 ss:$0x81] =	vst.msk $0xffff, v3  }
0x12: {  	v60 =	vld [tilespmem:s23+$0x0];
	[tilespmem:s22+$0x0 ss:$0x81] =	vst.msk $0xffff, v0;
	s21 =	sadd.s32 s24, s21  }
0x13: {  	v61 =	vld [tilespmem:s23+$0x10];
	[tilespmem:s21+$0x3870 ss:$0x81] =	vst.msk $0xffff, v4  }
0x14: {  	v62 =	vld [tilespmem:s23+$0x20];
	[tilespmem:s21+$0x810 ss:$0x81] =	vst.msk $0xffff, v5  }
0x15: {  	v63 =	vld [tilespmem:s23+$0xFFFFFFC0];
	s29 =	sand.u32 $0x78, s17;
	s30 =	sshll.u32 s17, $0x3;
	[tilespmem:s21+$0x1020 ss:$0x81] =	vst.msk $0xffff, v58  }
0x16: {  	s18 =	sshll.u32 s18, $0x7;
	s19 =	sshll.u32 s19, $0x12;
	s23 =	sand.u32 $0xC00, s30;
	[tilespmem:s21+$0x1830 ss:$0x81] =	vst.msk $0xffff, v59  }
0x17: {  	s16 =	sshll.u32 s16, $0x9;
	s18 =	sand.u32 $0x380, s18;
	s22 =	sor.u32 s29, s23;
	[tilespmem:s21+$0x2040 ss:$0x81] =	vst.msk $0xffff, v60  }
0x18: {  	s31 =	sand.u32 $0x7, s17;
	s19 =	sadd.s32 s3, s19;
	s18 =	sor.u32 s18, s22;
	[tilespmem:s21+$0x2850 ss:$0x81] =	vst.msk $0xffff, v61  }
0x19: {  	s17 =	sshll.u32 s31, $0x12;
	s16 =	sadd.s32 s16, s19;
	s18 =	sshrl.u32 s18, $0x3;
	[tilespmem:s21+$0x3060 ss:$0x81] =	vst.msk $0xffff, v62  }
0x1a: {  	s17 =	sor.u32 $0x80, s17;
	[tilespmem:s21+$0x0 ss:$0x81] =	vst.msk $0xffff, v63;
	s16 =	sadd.s32 s18, s16  }
0x1b: {  	[hbm4b:s16+s17] =	stream.strided.scatter [tilespmem:s20], [sflag:$0x2], $0x4000, s10, s17, $0x20;
	[tilespmem:$0x10100] =	vst v63  }
.LBB1_5:
0x1c: {  	s20 =	sadd.s32 $0x80, s11  }
0x1d: {  	s16 =	sadd.s32 $0x2, s12;
	s21 =	smov.u32 s12;
	p2 =	sgt.s32 s20, $0x1FF  }
0x1e: {  	s21 =	smov.u32 @p2 s16  }
0x1f: {  	s22 =	smov.u32 s13;
	s16 =	sadd.s32 $0x200, s13;
	p3 =	sgt.s32 s21, $0x7  }
0x20: {  	s22 =	smov.u32 @p3 s16  }
0x21: {  	s23 =	smov.u32 s14;
	s16 =	sadd.s32 $0x4, s14;
	p4 =	sgt.s32 s22, $0x1FF  }
0x22: {  	p1 =	slt.u32 s15, $0x2;
	s23 =	smov.u32 @p4 s16  }
0x23: {  	s18 =	smov.u32 s12;
	s20 =	simm.s32 @p2 $0x0;
	p2 =	sgt.s32 s23, $0x3  }
0x24: {  	s24 =	simm.s32 @!p1 $0x2;
	s23 =	smov.u32 @p2 s7;
	p2 =	sne.s32 s15, s9  }
.Ltmp1:
0x25: {  	s17 =	smov.u32 s13;
	_ =	swait.ge @!p1 [sflag:s24], $0x4000;
	(pc) =	sbr.rel @!p2 .LBB1_6-.Ltmp1, $4  }
0x26: {  	s19 =	smov.u32 s14;
	[sflag:s24] =	ssyncset.done @!p1 $0x0;
	s21 =	smov.u32 @p3 s4  }
0x27: {  	p0 =	por !p0, !p0;
	[sflag:s24] =	ssyncadd.s32 @!p1 $0xFFFFC000;
	s12 =	smov.u32 s21  }
0x28: {  	s22 =	smov.u32 @p4 s1;
	s16 =	smov.u32 s11;
	s11 =	smov.u32 s20  }
0x29: {  	s13 =	smov.u32 s22;
	s15 =	sadd.s32 $0x1, s15;
	s14 =	smov.u32 s23  }
.LBB1_1:
0x2a: {  	p1 =	sge.u32 s15, s8  }
0x2b: {  	s31 =	sadd.s32 $0xFFFFFFFF, s15;
	s20 =	sxor.u32 @!p1 $0xFFFFFFFF, s15;
	s21 =	sshll.u32 @!p1 s11, $0x3  }
0x2c: {  	s22 =	sshll.u32 @!p1 s12, $0x7;
	s23 =	sand.u32 @!p1 $0x78, s11;
	s24 =	sshll.u32 @!p1 s14, $0x12  }
0x2d: {  	s25 =	sshll.u32 @!p1 s13, $0x9;
	s20 =	sshll.u32 @!p1 s20, $0xE;
	s22 =	sand.u32 @!p1 $0x380, s22  }
0x2e: {  	s21 =	sand.u32 @!p1 $0xC00, s21;
	s20 =	sand.u32 @!p1 $0x4000, s20;
	s22 =	sor.u32 @!p1 s23, s22  }
0x2f: {  	s23 =	sand.u32 @!p1 $0x7, s11;
	s21 =	sor.u32 @!p1 s21, s22;
	s22 =	sadd.s32 @!p1 s6, s24  }
0x30: {  	s23 =	sshll.u32 @!p1 s23, $0x12;
	s21 =	sshrl.u32 @!p1 s21, $0x3;
	s22 =	sadd.s32 @!p1 s25, s22  }
0x31: {  	s21 =	sadd.s32 @!p1 s21, s22;
	s22 =	sor.u32 @!p1 $0x80, s23;
	s23 =	simm.s32 @!p1 $0x1000  }
0x32: {  	[tilespmem:s20], [sflag:$0x1] =	stream.strided.gather @!p1 [hbm4b:s21+s22], $0x4000, s23, s22, $0x38;
	[tilespmem:$0x10100] =	vst v63  }
0x33: {  	p1 =	sge.u32 s31, s8  }
.Ltmp2:
0x34: {  	_ = 	snop;
	(pc) =	sbr.rel @p1 .LBB1_5-.Ltmp2, $1  }
0x35: {  	_ =	sdelay $0x3  }
0x36: {  	s20 =	simm.s32 $0x1  }
0x37: {  	_ =	swait.ge [sflag:s5], $0x4000;
	s20 =	simm.s32 @!p0 $0x0  }
0x38: {  	[sflag:s5] =	ssyncset.done $0x0;
	s21 =	sshll.u32 s20, $0xE  }
0x39: {  	[sflag:s5] =	ssyncadd.s32 $0xFFFFC000;
	s23 =	sor.u32 $0x40, s21  }
0x3a: {  	s20 =	smul.u32 $0x10200, s20;
	v0 =	vld [tilespmem:s23+$0x30]  }
0x3b: {  	v3 =	vld [tilespmem:s23+$0xFFFFFFD0]  }
0x3c: {  	s20 =	sshrl.u32 s20, $0x2;
	v4 =	vld [tilespmem:s23+$0xFFFFFFE0]  }
0x3d: {  	v5 =	vld [tilespmem:s23+$0xFFFFFFF0];
	s21 =	sor.u32 $0x8000, s20  }
0x3e: {  	s31 =	sand.u32 $0x1, s15;
	v1 =	vld [tilespmem:s23+$0x0];
	s22 =	sadd.s32 $0x0, s21  }
0x3f: {  	v2 =	vld [tilespmem:s23+$0x10];
	s20 =	smul.u32 $0x10200, s31;
	[tilespmem:s22+$0x3870 ss:$0x81] =	vst.msk $0xffff, v0  }
0x40: {  	[tilespmem:s22+$0x810 ss:$0x81] =	vst.msk $0xffff, v3;
	v3 =	vld [tilespmem:s23+$0x20]  }
0x41: {  	s20 =	sshrl.u32 s20, $0x2;
	v0 =	vld [tilespmem:s23+$0xFFFFFFC0];
	[tilespmem:s22+$0x1020 ss:$0x81] =	vst.msk $0xffff, v4;
	s23 =	sadd.s32 $0x80, s23  }
0x42: {  	s24 =	simm.s32 $0x4;
	s25 =	simm.s32 $0x8;
	s20 =	sor.u32 $0x8000, s20;
	[tilespmem:s22+$0x1830 ss:$0x81] =	vst.msk $0xffff, v5;
	v4 =	vld [tilespmem:s23+$0x30]  }
.LBB1_3:
0x43: {  	p1 =	sne.s32 s25, $0x1FC;
	v5 =	vld [tilespmem:s23+$0xFFFFFFD0];
	[tilespmem:s22+$0x2040 ss:$0x81] =	vst.msk $0xffff, v1  }
0x44: {  	v6 =	vld [tilespmem:s23+$0xFFFFFFE0];
	[tilespmem:s22+$0x2850 ss:$0x81] =	vst.msk $0xffff, v2  }
0x45: {  	s26 =	sshra.s32 s24, $0x2;
	s24 =	smov.u32 s25;
	v7 =	vld [tilespmem:s23+$0xFFFFFFF0];
	[tilespmem:s22+$0x3060 ss:$0x81] =	vst.msk $0xffff, v3  }
.Ltmp3:
0x46: {  	v1 =	vld [tilespmem:s23+$0x0];
	[tilespmem:s22+$0x0 ss:$0x81] =	vst.msk $0xffff, v0;
	s22 =	sadd.s32 s26, s21;
	(pc) =	sbr.rel @p1 .LBB1_3-.Ltmp3, $4  }
0x47: {  	v2 =	vld [tilespmem:s23+$0x10];
	[tilespmem:s22+$0x3870 ss:$0x81] =	vst.msk $0xffff, v4  }
0x48: {  	[tilespmem:s22+$0x810 ss:$0x81] =	vst.msk $0xffff, v5;
	v3 =	vld [tilespmem:s23+$0x20]  }
0x49: {  	v0 =	vld [tilespmem:s23+$0xFFFFFFC0];
	[tilespmem:s22+$0x1020 ss:$0x81] =	vst.msk $0xffff, v6;
	s23 =	sadd.s32 $0x80, s23  }
0x4a: {  	s25 =	sadd.s32 $0x4, s25;
	v4 =	vld [tilespmem:s23+$0x30];
	[tilespmem:s22+$0x1830 ss:$0x81] =	vst.msk $0xffff, v7  }
.Ltmp4:
0x4b: {  	_ = 	snop;
	(pc) =	sbr.rel .LBB1_4-.Ltmp4, $1  }
0x4c: {  	_ =	sdelay $0x3  }
.LBB1_6:
0x4d: {  	_ =	sfence.sel $0x180000  }
0x4e: {  	s1 =	simm.s32 $0x1;
	[bflag:$0x0] =	sbarrier.arrive $0xFFFF  }
0x4f: {  	s31 =	simm.s32 $0x2;
	[sflag:s1] =	ssyncpa.u1 $0x1  }
0x50: {  	[sflag:s31] =	ssyncpa.u1 $0x1  }
0x51: {  	p0 =	sne.s32 s0, $0x0;
	_ =	strace $0x9000004D  }
0x52: {  	s0 =	sadd.s32 @!p0 $0x100000, s2;
	[bflag:$0x2] =	sbarrier.arrive $0xFFFF  }
0x53: {  	[sflag:s0] =	ssyncadd.tile.s32 @!p0 $0x1;
	_ =	shalt  }
.Lfunc_end1:
_tile_overlayer_lowered:
.L_overlay_start_2:
0x54: {  	(tag) =	ssettag $0x2  }
0x55: {  	s0 =	rddreg [dreg:$0x0];
	s2 =	stileid.u32  }
0x56: {  	s1 =	rddreg [dreg:$0x1];
	p0 =	sne.s32 s2, $0x0  }
0x57: {  	s3 =	rddreg [dreg:$0x2];
	[bflag:$0x3] =	sbarrier.arrive $0xFFFF;
	s2 =	simm.s32 @!p0 $0x1C01  }
0x58: {  	[timem:s3], [sflag:s2] =	dma.local @!p0 [hbm:s0], s1  }
0x59: {  	s0 =	simm.s32 @!p0 $0x1  }
0x5a: {  	_ =	swait.ge @!p0 [sflag:s0], s1  }
0x5b: {  	s1 =	ssub.s32 @!p0 $0x0, s1;
	[sflag:s0] =	ssyncset.done @!p0 $0x0  }
0x5c: {  	[sflag:s0] =	ssyncadd.s32 @!p0 s1  }
0x5d: {  	[bflag:$0x3] =	sbarrier.arrive $0xFFFF  }
0x5e: {  	_ =	shalt  }

</sc_bundles>
